<compile_context>
chip_gen: v7x
topology: tpu7x:2x2x1
jax: 0.10.2.dev20260603
libtpu: 0.0.44.dev20260713+nightly
codegen_flags: <defaults>
</compile_context>

<pallas_src>
import functools

import jax
import jax.numpy as jnp
from jax import lax
from jax.experimental import pallas as pl
from jax.experimental.pallas import tpu as pltpu
from jax.experimental.pallas import tpu_sc as plsc

B, T, H, W, D = 8, 16, 24, 24, 768
SEG = D // 3
LANES = 16
VPS = SEG // LANES
NC, NS = 2, 16
NW = NC * NS
SLABS = B * T * H
PER_W = SLABS // NW
NBUF = 2
OUTER = PER_W // NBUF
UNROLL = 1


def _sc_body(x_hbm, t_hbm, h_hbm, w_hbm, out_hbm,
             xbuf, obuf, ttab, htab, wtab,
             sem_in0, sem_in1, sem_out0, sem_out1, sem_tab):
    cid = lax.axis_index("c")
    sid = lax.axis_index("s")
    wid = sid * NC + cid
    base = wid * PER_W

    sems_in = (sem_in0, sem_in1)
    sems_out = (sem_out0, sem_out1)

    for par in range(NBUF):
        pltpu.async_copy(x_hbm.at[base + par], xbuf.at[par], sems_in[par])
    pltpu.async_copy(t_hbm, ttab, sem_tab)
    pltpu.async_copy(h_hbm, htab, sem_tab)
    pltpu.async_copy(w_hbm, wtab, sem_tab)
    pltpu.make_async_copy(t_hbm, ttab, sem_tab).wait()
    pltpu.make_async_copy(h_hbm, htab, sem_tab).wait()
    pltpu.make_async_copy(w_hbm, wtab, sem_tab).wait()

    def outer(g, carry):
        for par in range(NBUF):
            i = g * NBUF + par
            r = base + i
            pltpu.make_async_copy(x_hbm.at[r], xbuf.at[par], sems_in[par]).wait()
            @pl.when(g > 0)
            def _wait_out():
                pltpu.make_async_copy(
                    obuf.at[par], out_hbm.at[r - NBUF], sems_out[par]).wait()

            p = lax.rem(r, T * H)
            ti = lax.div(p, H)
            hi = lax.rem(p, H)

            tvec = [ttab[ti, pl.ds(c * LANES, LANES)] for c in range(VPS)]

            hvec = [htab[hi, pl.ds(c * LANES, LANES)] for c in range(VPS)]

            @plsc.parallel_loop(0, W, 1, unroll=UNROLL)
            def body_th(w):
                for c in range(VPS):
                    sl = pl.ds(c * LANES, LANES)
                    obuf[par, w, sl] = xbuf[par, w, sl] + tvec[c]
                for c in range(VPS):
                    sl = pl.ds(2 * SEG + c * LANES, LANES)
                    obuf[par, w, sl] = xbuf[par, w, sl] + hvec[c]

            @plsc.parallel_loop(0, W, 1, unroll=UNROLL)
            def body_w(w):
                for c in range(VPS):
                    sl = pl.ds(SEG + c * LANES, LANES)
                    obuf[par, w, sl] = xbuf[par, w, sl] + wtab[w, pl.ds(c * LANES, LANES)]

            pltpu.async_copy(obuf.at[par], out_hbm.at[r], sems_out[par])

            @pl.when(g < OUTER - 1)
            def _prefetch():
                pltpu.async_copy(x_hbm.at[r + NBUF], xbuf.at[par], sems_in[par])
        return carry

    lax.fori_loop(0, OUTER, outer, 0, unroll=False)

    for par in range(NBUF):
        r = base + PER_W - NBUF + par
        pltpu.make_async_copy(obuf.at[par], out_hbm.at[r], sems_out[par]).wait()


@functools.partial(jax.jit, static_argnames=())
def _sc_call(xr, time_embed, height_embed, width_embed):
    mesh = plsc.VectorSubcoreMesh(core_axis_name="c", subcore_axis_name="s")
    fn = pl.kernel(
        _sc_body,
        out_type=jax.ShapeDtypeStruct((SLABS, W, D), jnp.float32),
        mesh=mesh,
        scratch_types=[
            pltpu.VMEM((NBUF, W, D), jnp.float32),
            pltpu.VMEM((NBUF, W, D), jnp.float32),
            pltpu.VMEM((T, SEG), jnp.float32),
            pltpu.VMEM((H, SEG), jnp.float32),
            pltpu.VMEM((W, SEG), jnp.float32),
            pltpu.SemaphoreType.DMA,
            pltpu.SemaphoreType.DMA,
            pltpu.SemaphoreType.DMA,
            pltpu.SemaphoreType.DMA,
            pltpu.SemaphoreType.DMA,
        ],
    )
    return fn(xr, time_embed, height_embed, width_embed)


def kernel(x, time_embed, height_embed, width_embed):
    xr = x.reshape(SLABS, W, D)
    out = _sc_call(xr, time_embed, height_embed, width_embed)
    return out.reshape(x.shape)

# --- scband reference (transcript-rebuilt; emitter-appended) ---
"""Pipeline reference for scband-position-embedding-learned-visual-71717363908855 (READ-ONLY COPY).

The authoritative reference and input builder live on the scoring server;
editing this copy changes nothing except your own understanding.
"""

import jax, jax.numpy as jnp
import numpy as np

BLOCK_SHAPE = (16, 24, 24)
N_EMBD = 768
N_DIMS = 3
N_EMBD_T = N_EMBD // N_DIMS + (N_EMBD % N_DIMS)
N_EMBD_H = N_EMBD // N_DIMS
N_EMBD_W = N_EMBD // N_DIMS


def setup_inputs(seed: int = 0) -> dict:
    key = jax.random.key(seed)
    k_x, k_t, k_h, k_w = jax.random.split(key, 4)
    B, t, h, w, d = 8, 16, 24, 24, N_EMBD
    x = jax.random.normal(k_x, (B, t, h, w, d), dtype=jnp.float32)
    time_embed = jax.random.uniform(k_t, (BLOCK_SHAPE[0], N_EMBD_T), dtype=jnp.float32)
    height_embed = jax.random.uniform(k_h, (BLOCK_SHAPE[1], N_EMBD_H), dtype=jnp.float32)
    width_embed = jax.random.uniform(k_w, (BLOCK_SHAPE[2], N_EMBD_W), dtype=jnp.float32)
    return {"x": x, "time_embed": time_embed, "height_embed": height_embed, "width_embed": width_embed}


def reference(x, time_embed, height_embed, width_embed):
    B, t, h, w, d = x.shape
    t_i = jnp.arange(t)
    h_i = jnp.arange(h)
    w_i = jnp.arange(w)
    t_emb = jnp.take(time_embed, t_i, axis=0)      # [t, n_embd_t]
    h_emb = jnp.take(height_embed, h_i, axis=0)    # [h, n_embd_h]
    w_emb = jnp.take(width_embed, w_i, axis=0)     # [w, n_embd_w]
    t_emb = jnp.broadcast_to(t_emb.reshape(t, 1, 1, N_EMBD_T), (t, h, w, N_EMBD_T))
    w_emb = jnp.broadcast_to(w_emb.reshape(1, 1, w, N_EMBD_W), (t, h, w, N_EMBD_W))
    h_emb = jnp.broadcast_to(h_emb.reshape(1, h, 1, N_EMBD_H), (t, h, w, N_EMBD_H))
    pos = jnp.concatenate([t_emb, w_emb, h_emb], axis=-1)  # note order: t, w, h (faithful to torch)
    pos = jnp.broadcast_to(pos.reshape(1, t, h, w, d), (B, t, h, w, d))
    return x + pos

if __name__ == "__main__":
    import jax
    _d = setup_inputs()
    print(jax.jit(kernel)(*tuple(_d.values())))

</pallas_src>

<mosaic_0001>
#map = affine_map<(d0, d1) -> (0, 0, 0)>
#map1 = affine_map<(d0, d1) -> (0, 0)>
module attributes {stable_mosaic.version = 14 : i64} {
  func.func @_sc_body(%arg0: i32, %arg1: i32, %arg2: memref<3072x24x768xf32, #tpu.memory_space<hbm>>, %arg3: memref<16x256xf32, #tpu.memory_space<hbm>>, %arg4: memref<24x256xf32, #tpu.memory_space<hbm>>, %arg5: memref<24x256xf32, #tpu.memory_space<hbm>>, %arg6: memref<3072x24x768xf32, #tpu.memory_space<hbm>>, %arg7: memref<2x24x768xf32, #tpu.memory_space<vmem>>, %arg8: memref<2x24x768xf32, #tpu.memory_space<vmem>>, %arg9: memref<16x256xf32, #tpu.memory_space<vmem>>, %arg10: memref<24x256xf32, #tpu.memory_space<vmem>>, %arg11: memref<24x256xf32, #tpu.memory_space<vmem>>, %arg12: memref<!tpu.dma_semaphore, #tpu.memory_space<semaphore_mem>>, %arg13: memref<!tpu.dma_semaphore, #tpu.memory_space<semaphore_mem>>, %arg14: memref<!tpu.dma_semaphore, #tpu.memory_space<semaphore_mem>>, %arg15: memref<!tpu.dma_semaphore, #tpu.memory_space<semaphore_mem>>, %arg16: memref<!tpu.dma_semaphore, #tpu.memory_space<semaphore_mem>>) attributes {dimension_semantics = [#tpu.dimension_semantics<core_parallel>, #tpu.dimension_semantics<subcore_parallel>], iteration_bounds = array<i64: 2, 16>, scalar_prefetch = 0 : i64, scratch_operands = 10 : i64, tpu.core_type = #tpu.core_type<sc_vector_subcore>, window_params = [{transform_indices = #map}, {transform_indices = #map1}, {transform_indices = #map1}, {transform_indices = #map1}, {transform_indices = #map}]} {
    %mul3A = arith.constant 2 : i32
    %mul3A_0 = arith.muli %arg1, %mul3A : i32
    %add3A = arith.addi %mul3A_0, %arg0 : i32
    %mul3A_1 = arith.constant 96 : i32
    %mul3A_2 = arith.muli %add3A, %mul3A_1 : i32
    %add3A_3 = arith.constant 0 : i32
    %add3A_4 = arith.addi %mul3A_2, %add3A_3 : i32
    %dma_start3A = arith.constant 0 : i32
    %dma_start3A_5 = arith.constant 0 : i32
    %dma_start3A_6 = arith.constant 0 : i32
    %dma_start3A_7 = tpu.memref_slice %arg7[%dma_start3A, %dma_start3A_5, %dma_start3A_6] : memref<2x24x768xf32, #tpu.memory_space<vmem>> -> memref<1x24x768xf32, #tpu.memory_space<vmem>>
    %dma_start3A_8 = tpu.memref_squeeze %dma_start3A_7 : memref<1x24x768xf32, #tpu.memory_space<vmem>> -> memref<24x768xf32, #tpu.memory_space<vmem>>
    %dma_start3A_9 = arith.constant 0 : i32
    %dma_start3A_10 = arith.constant 0 : i32
    %dma_start3A_11 = tpu.memref_slice %arg2[%add3A_4, %dma_start3A_9, %dma_start3A_10] : memref<3072x24x768xf32, #tpu.memory_space<hbm>> -> memref<1x24x768xf32, #tpu.memory_space<hbm>>
    %dma_start3A_12 = tpu.memref_squeeze %dma_start3A_11 : memref<1x24x768xf32, #tpu.memory_space<hbm>> -> memref<24x768xf32, #tpu.memory_space<hbm>>
    %dma_start3A_13 = arith.constant 0 : i32
    %dma_start3A_14 = arith.constant 0 : i32
    %dma_start3A_15 = tpu.memref_slice %arg7[%dma_start3A, %dma_start3A_13, %dma_start3A_14] : memref<2x24x768xf32, #tpu.memory_space<vmem>> -> memref<1x24x768xf32, #tpu.memory_space<vmem>>
    %dma_start3A_16 = tpu.memref_squeeze %dma_start3A_15 : memref<1x24x768xf32, #tpu.memory_space<vmem>> -> memref<24x768xf32, #tpu.memory_space<vmem>>
    %dma_start3A_17 = arith.constant 0 : i32
    %dma_start3A_18 = arith.constant 0 : i32
    %dma_start3A_19 = tpu.memref_slice %arg2[%add3A_4, %dma_start3A_17, %dma_start3A_18] : memref<3072x24x768xf32, #tpu.memory_space<hbm>> -> memref<1x24x768xf32, #tpu.memory_space<hbm>>
    %dma_start3A_20 = tpu.memref_squeeze %dma_start3A_19 : memref<1x24x768xf32, #tpu.memory_space<hbm>> -> memref<24x768xf32, #tpu.memory_space<hbm>>
    tpu.enqueue_dma source(%dma_start3A_20 : memref<24x768xf32, #tpu.memory_space<hbm>>) target(%dma_start3A_16 : memref<24x768xf32, #tpu.memory_space<vmem>>) target_semaphore(%arg12 : memref<!tpu.dma_semaphore, #tpu.memory_space<semaphore_mem>>)
    %add3A_21 = arith.constant 1 : i32
    %add3A_22 = arith.addi %mul3A_2, %add3A_21 : i32
    %dma_start3A_23 = arith.constant 1 : i32
    %dma_start3A_24 = arith.constant 0 : i32
    %dma_start3A_25 = arith.constant 0 : i32
    %dma_start3A_26 = tpu.memref_slice %arg7[%dma_start3A_23, %dma_start3A_24, %dma_start3A_25] : memref<2x24x768xf32, #tpu.memory_space<vmem>> -> memref<1x24x768xf32, #tpu.memory_space<vmem>>
    %dma_start3A_27 = tpu.memref_squeeze %dma_start3A_26 : memref<1x24x768xf32, #tpu.memory_space<vmem>> -> memref<24x768xf32, #tpu.memory_space<vmem>>
    %dma_start3A_28 = arith.constant 0 : i32
    %dma_start3A_29 = arith.constant 0 : i32
    %dma_start3A_30 = tpu.memref_slice %arg2[%add3A_22, %dma_start3A_28, %dma_start3A_29] : memref<3072x24x768xf32, #tpu.memory_space<hbm>> -> memref<1x24x768xf32, #tpu.memory_space<hbm>>
    %dma_start3A_31 = tpu.memref_squeeze %dma_start3A_30 : memref<1x24x768xf32, #tpu.memory_space<hbm>> -> memref<24x768xf32, #tpu.memory_space<hbm>>
    %dma_start3A_32 = arith.constant 0 : i32
    %dma_start3A_33 = arith.constant 0 : i32
    %dma_start3A_34 = tpu.memref_slice %arg7[%dma_start3A_23, %dma_start3A_32, %dma_start3A_33] : memref<2x24x768xf32, #tpu.memory_space<vmem>> -> memref<1x24x768xf32, #tpu.memory_space<vmem>>
    %dma_start3A_35 = tpu.memref_squeeze %dma_start3A_34 : memref<1x24x768xf32, #tpu.memory_space<vmem>> -> memref<24x768xf32, #tpu.memory_space<vmem>>
    %dma_start3A_36 = arith.constant 0 : i32
    %dma_start3A_37 = arith.constant 0 : i32
    %dma_start3A_38 = tpu.memref_slice %arg2[%add3A_22, %dma_start3A_36, %dma_start3A_37] : memref<3072x24x768xf32, #tpu.memory_space<hbm>> -> memref<1x24x768xf32, #tpu.memory_space<hbm>>
    %dma_start3A_39 = tpu.memref_squeeze %dma_start3A_38 : memref<1x24x768xf32, #tpu.memory_space<hbm>> -> memref<24x768xf32, #tpu.memory_space<hbm>>
    tpu.enqueue_dma source(%dma_start3A_39 : memref<24x768xf32, #tpu.memory_space<hbm>>) target(%dma_start3A_35 : memref<24x768xf32, #tpu.memory_space<vmem>>) target_semaphore(%arg13 : memref<!tpu.dma_semaphore, #tpu.memory_space<semaphore_mem>>)
    tpu.enqueue_dma source(%arg3 : memref<16x256xf32, #tpu.memory_space<hbm>>) target(%arg9 : memref<16x256xf32, #tpu.memory_space<vmem>>) target_semaphore(%arg16 : memref<!tpu.dma_semaphore, #tpu.memory_space<semaphore_mem>>)
    tpu.enqueue_dma source(%arg4 : memref<24x256xf32, #tpu.memory_space<hbm>>) target(%arg10 : memref<24x256xf32, #tpu.memory_space<vmem>>) target_semaphore(%arg16 : memref<!tpu.dma_semaphore, #tpu.memory_space<semaphore_mem>>)
    tpu.enqueue_dma source(%arg5 : memref<24x256xf32, #tpu.memory_space<hbm>>) target(%arg11 : memref<24x256xf32, #tpu.memory_space<vmem>>) target_semaphore(%arg16 : memref<!tpu.dma_semaphore, #tpu.memory_space<semaphore_mem>>)
    tpu.wait_dma2 semaphore(%arg16 : memref<!tpu.dma_semaphore, #tpu.memory_space<semaphore_mem>>) src(%arg3 : memref<16x256xf32, #tpu.memory_space<hbm>>) dst(%arg9 : memref<16x256xf32, #tpu.memory_space<vmem>>)
    tpu.wait_dma2 semaphore(%arg16 : memref<!tpu.dma_semaphore, #tpu.memory_space<semaphore_mem>>) src(%arg4 : memref<24x256xf32, #tpu.memory_space<hbm>>) dst(%arg10 : memref<24x256xf32, #tpu.memory_space<vmem>>)
    tpu.wait_dma2 semaphore(%arg16 : memref<!tpu.dma_semaphore, #tpu.memory_space<semaphore_mem>>) src(%arg5 : memref<24x256xf32, #tpu.memory_space<hbm>>) dst(%arg11 : memref<24x256xf32, #tpu.memory_space<vmem>>)
    %scan3A = arith.constant 0 : i32
    %scan3A_40 = arith.constant 0 : i32
    %scan3A_41 = arith.constant 48 : i32
    %scan3A_42 = arith.addi %scan3A_40, %scan3A_41 : i32
    %scan3A_43 = arith.constant 1 : i32
    scf.for %scan3A_89 = %scan3A_40 to %scan3A_42 step %scan3A_43  : i32 {
      %mul3A_90 = arith.constant 2 : i32
      %mul3A_91 = arith.muli %scan3A_89, %mul3A_90 : i32
      %add3A_92 = arith.constant 0 : i32
      %add3A_93 = arith.addi %mul3A_91, %add3A_92 : i32
      %add3A_94 = arith.addi %mul3A_2, %add3A_93 : i32
      %dma_wait3A_95 = arith.constant 0 : i32
      %dma_wait3A_96 = arith.constant 0 : i32
      %dma_wait3A_97 = arith.constant 0 : i32
      %dma_wait3A_98 = tpu.memref_slice %arg7[%dma_wait3A_95, %dma_wait3A_96, %dma_wait3A_97] : memref<2x24x768xf32, #tpu.memory_space<vmem>> -> memref<1x24x768xf32, #tpu.memory_space<vmem>>
      %dma_wait3A_99 = tpu.memref_squeeze %dma_wait3A_98 : memref<1x24x768xf32, #tpu.memory_space<vmem>> -> memref<24x768xf32, #tpu.memory_space<vmem>>
      %dma_wait3A_100 = arith.constant 0 : i32
      %dma_wait3A_101 = arith.constant 0 : i32
      %dma_wait3A_102 = tpu.memref_slice %arg2[%add3A_94, %dma_wait3A_100, %dma_wait3A_101] : memref<3072x24x768xf32, #tpu.memory_space<hbm>> -> memref<1x24x768xf32, #tpu.memory_space<hbm>>
      %dma_wait3A_103 = tpu.memref_squeeze %dma_wait3A_102 : memref<1x24x768xf32, #tpu.memory_space<hbm>> -> memref<24x768xf32, #tpu.memory_space<hbm>>
      %dma_wait3A_104 = arith.constant 0 : i32
      %dma_wait3A_105 = arith.constant 0 : i32
      %dma_wait3A_106 = tpu.memref_slice %arg7[%dma_wait3A_95, %dma_wait3A_104, %dma_wait3A_105] : memref<2x24x768xf32, #tpu.memory_space<vmem>> -> memref<1x24x768xf32, #tpu.memory_space<vmem>>
      %dma_wait3A_107 = tpu.memref_squeeze %dma_wait3A_106 : memref<1x24x768xf32, #tpu.memory_space<vmem>> -> memref<24x768xf32, #tpu.memory_space<vmem>>
      %dma_wait3A_108 = arith.constant 0 : i32
      %dma_wait3A_109 = arith.constant 0 : i32
      %dma_wait3A_110 = tpu.memref_slice %arg2[%add3A_94, %dma_wait3A_108, %dma_wait3A_109] : memref<3072x24x768xf32, #tpu.memory_space<hbm>> -> memref<1x24x768xf32, #tpu.memory_space<hbm>>
      %dma_wait3A_111 = tpu.memref_squeeze %dma_wait3A_110 : memref<1x24x768xf32, #tpu.memory_space<hbm>> -> memref<24x768xf32, #tpu.memory_space<hbm>>
      tpu.wait_dma2 semaphore(%arg12 : memref<!tpu.dma_semaphore, #tpu.memory_space<semaphore_mem>>) src(%dma_wait3A_111 : memref<24x768xf32, #tpu.memory_space<hbm>>) dst(%dma_wait3A_107 : memref<24x768xf32, #tpu.memory_space<vmem>>)
      %gt3A = arith.constant 0 : i32
      %gt3A_112 = arith.cmpi sgt, %scan3A_89, %gt3A : i32
      %convert_element_type3A = arith.extui %gt3A_112 : i1 to i32
      %cond3A = arith.constant 0 : i32
      %cond3A_113 = arith.cmpi ne, %convert_element_type3A, %cond3A : i32
      scf.if %cond3A_113 {
        %sub3A_460 = arith.constant 2 : i32
        %sub3A_461 = arith.subi %add3A_94, %sub3A_460 : i32
        %dma_wait3A_462 = arith.constant 0 : i32
        %dma_wait3A_463 = arith.constant 0 : i32
        %dma_wait3A_464 = arith.constant 0 : i32
        %dma_wait3A_465 = tpu.memref_slice %arg8[%dma_wait3A_462, %dma_wait3A_463, %dma_wait3A_464] : memref<2x24x768xf32, #tpu.memory_space<vmem>> -> memref<1x24x768xf32, #tpu.memory_space<vmem>>
        %dma_wait3A_466 = tpu.memref_squeeze %dma_wait3A_465 : memref<1x24x768xf32, #tpu.memory_space<vmem>> -> memref<24x768xf32, #tpu.memory_space<vmem>>
        %dma_wait3A_467 = arith.constant 0 : i32
        %dma_wait3A_468 = arith.constant 0 : i32
        %dma_wait3A_469 = tpu.memref_slice %arg6[%sub3A_461, %dma_wait3A_467, %dma_wait3A_468] : memref<3072x24x768xf32, #tpu.memory_space<hbm>> -> memref<1x24x768xf32, #tpu.memory_space<hbm>>
        %dma_wait3A_470 = tpu.memref_squeeze %dma_wait3A_469 : memref<1x24x768xf32, #tpu.memory_space<hbm>> -> memref<24x768xf32, #tpu.memory_space<hbm>>
        %dma_wait3A_471 = arith.constant 0 : i32
        %dma_wait3A_472 = arith.constant 0 : i32
        %dma_wait3A_473 = tpu.memref_slice %arg6[%sub3A_461, %dma_wait3A_471, %dma_wait3A_472] : memref<3072x24x768xf32, #tpu.memory_space<hbm>> -> memref<1x24x768xf32, #tpu.memory_space<hbm>>
        %dma_wait3A_474 = tpu.memref_squeeze %dma_wait3A_473 : memref<1x24x768xf32, #tpu.memory_space<hbm>> -> memref<24x768xf32, #tpu.memory_space<hbm>>
        %dma_wait3A_475 = arith.constant 0 : i32
        %dma_wait3A_476 = arith.constant 0 : i32
        %dma_wait3A_477 = tpu.memref_slice %arg8[%dma_wait3A_462, %dma_wait3A_475, %dma_wait3A_476] : memref<2x24x768xf32, #tpu.memory_space<vmem>> -> memref<1x24x768xf32, #tpu.memory_space<vmem>>
        %dma_wait3A_478 = tpu.memref_squeeze %dma_wait3A_477 : memref<1x24x768xf32, #tpu.memory_space<vmem>> -> memref<24x768xf32, #tpu.memory_space<vmem>>
        tpu.wait_dma2 semaphore(%arg14 : memref<!tpu.dma_semaphore, #tpu.memory_space<semaphore_mem>>) src(%dma_wait3A_478 : memref<24x768xf32, #tpu.memory_space<vmem>>) dst(%dma_wait3A_474 : memref<24x768xf32, #tpu.memory_space<hbm>>)
      } else {
      }
      %rem3A = arith.constant 384 : i32
      %rem3A_114 = arith.remsi %add3A_94, %rem3A : i32
      %div3A = arith.constant 24 : i32
      %div3A_115 = arith.divsi %rem3A_114, %div3A : i32
      %rem3A_116 = arith.constant 24 : i32
      %rem3A_117 = arith.remsi %rem3A_114, %rem3A_116 : i32
      %get3A = arith.index_cast %div3A_115 : i32 to index
      %get3A_118 = arith.constant 0 : index
      %get3A_119 = tpu.vector_load %arg9[%get3A, %get3A_118] {strides = array<i32>} : memref<16x256xf32, #tpu.memory_space<vmem>>, vector<1x16xf32>,
      %get3A_120 = vector.shape_cast %get3A_119 : vector<1x16xf32> to vector<16xf32>
      %get3A_121 = arith.index_cast %div3A_115 : i32 to index
      %get3A_122 = arith.constant 16 : index
      %get3A_123 = tpu.vector_load %arg9[%get3A_121, %get3A_122] {strides = array<i32>} : memref<16x256xf32, #tpu.memory_space<vmem>>, vector<1x16xf32>,
      %get3A_124 = vector.shape_cast %get3A_123 : vector<1x16xf32> to vector<16xf32>
      %get3A_125 = arith.index_cast %div3A_115 : i32 to index
      %get3A_126 = arith.constant 32 : index
      %get3A_127 = tpu.vector_load %arg9[%get3A_125, %get3A_126] {strides = array<i32>} : memref<16x256xf32, #tpu.memory_space<vmem>>, vector<1x16xf32>,
      %get3A_128 = vector.shape_cast %get3A_127 : vector<1x16xf32> to vector<16xf32>
      %get3A_129 = arith.index_cast %div3A_115 : i32 to index
      %get3A_130 = arith.constant 48 : index
      %get3A_131 = tpu.vector_load %arg9[%get3A_129, %get3A_130] {strides = array<i32>} : memref<16x256xf32, #tpu.memory_space<vmem>>, vector<1x16xf32>,
      %get3A_132 = vector.shape_cast %get3A_131 : vector<1x16xf32> to vector<16xf32>
      %get3A_133 = arith.index_cast %div3A_115 : i32 to index
      %get3A_134 = arith.constant 64 : index
      %get3A_135 = tpu.vector_load %arg9[%get3A_133, %get3A_134] {strides = array<i32>} : memref<16x256xf32, #tpu.memory_space<vmem>>, vector<1x16xf32>,
      %get3A_136 = vector.shape_cast %get3A_135 : vector<1x16xf32> to vector<16xf32>
      %get3A_137 = arith.index_cast %div3A_115 : i32 to index
      %get3A_138 = arith.constant 80 : index
      %get3A_139 = tpu.vector_load %arg9[%get3A_137, %get3A_138] {strides = array<i32>} : memref<16x256xf32, #tpu.memory_space<vmem>>, vector<1x16xf32>,
      %get3A_140 = vector.shape_cast %get3A_139 : vector<1x16xf32> to vector<16xf32>
      %get3A_141 = arith.index_cast %div3A_115 : i32 to index
      %get3A_142 = arith.constant 96 : index
      %get3A_143 = tpu.vector_load %arg9[%get3A_141, %get3A_142] {strides = array<i32>} : memref<16x256xf32, #tpu.memory_space<vmem>>, vector<1x16xf32>,
      %get3A_144 = vector.shape_cast %get3A_143 : vector<1x16xf32> to vector<16xf32>
      %get3A_145 = arith.index_cast %div3A_115 : i32 to index
      %get3A_146 = arith.constant 112 : index
      %get3A_147 = tpu.vector_load %arg9[%get3A_145, %get3A_146] {strides = array<i32>} : memref<16x256xf32, #tpu.memory_space<vmem>>, vector<1x16xf32>,
      %get3A_148 = vector.shape_cast %get3A_147 : vector<1x16xf32> to vector<16xf32>
      %get3A_149 = arith.index_cast %div3A_115 : i32 to index
      %get3A_150 = arith.constant 128 : index
      %get3A_151 = tpu.vector_load %arg9[%get3A_149, %get3A_150] {strides = array<i32>} : memref<16x256xf32, #tpu.memory_space<vmem>>, vector<1x16xf32>,
      %get3A_152 = vector.shape_cast %get3A_151 : vector<1x16xf32> to vector<16xf32>
      %get3A_153 = arith.index_cast %div3A_115 : i32 to index
      %get3A_154 = arith.constant 144 : index
      %get3A_155 = tpu.vector_load %arg9[%get3A_153, %get3A_154] {strides = array<i32>} : memref<16x256xf32, #tpu.memory_space<vmem>>, vector<1x16xf32>,
      %get3A_156 = vector.shape_cast %get3A_155 : vector<1x16xf32> to vector<16xf32>
      %get3A_157 = arith.index_cast %div3A_115 : i32 to index
      %get3A_158 = arith.constant 160 : index
      %get3A_159 = tpu.vector_load %arg9[%get3A_157, %get3A_158] {strides = array<i32>} : memref<16x256xf32, #tpu.memory_space<vmem>>, vector<1x16xf32>,
      %get3A_160 = vector.shape_cast %get3A_159 : vector<1x16xf32> to vector<16xf32>
      %get3A_161 = arith.index_cast %div3A_115 : i32 to index
      %get3A_162 = arith.constant 176 : index
      %get3A_163 = tpu.vector_load %arg9[%get3A_161, %get3A_162] {strides = array<i32>} : memref<16x256xf32, #tpu.memory_space<vmem>>, vector<1x16xf32>,
      %get3A_164 = vector.shape_cast %get3A_163 : vector<1x16xf32> to vector<16xf32>
      %get3A_165 = arith.index_cast %div3A_115 : i32 to index
      %get3A_166 = arith.constant 192 : index
      %get3A_167 = tpu.vector_load %arg9[%get3A_165, %get3A_166] {strides = array<i32>} : memref<16x256xf32, #tpu.memory_space<vmem>>, vector<1x16xf32>,
      %get3A_168 = vector.shape_cast %get3A_167 : vector<1x16xf32> to vector<16xf32>
      %get3A_169 = arith.index_cast %div3A_115 : i32 to index
      %get3A_170 = arith.constant 208 : index
      %get3A_171 = tpu.vector_load %arg9[%get3A_169, %get3A_170] {strides = array<i32>} : memref<16x256xf32, #tpu.memory_space<vmem>>, vector<1x16xf32>,
      %get3A_172 = vector.shape_cast %get3A_171 : vector<1x16xf32> to vector<16xf32>
      %get3A_173 = arith.index_cast %div3A_115 : i32 to index
      %get3A_174 = arith.constant 224 : index
      %get3A_175 = tpu.vector_load %arg9[%get3A_173, %get3A_174] {strides = array<i32>} : memref<16x256xf32, #tpu.memory_space<vmem>>, vector<1x16xf32>,
      %get3A_176 = vector.shape_cast %get3A_175 : vector<1x16xf32> to vector<16xf32>
      %get3A_177 = arith.index_cast %div3A_115 : i32 to index
      %get3A_178 = arith.constant 240 : index
      %get3A_179 = tpu.vector_load %arg9[%get3A_177, %get3A_178] {strides = array<i32>} : memref<16x256xf32, #tpu.memory_space<vmem>>, vector<1x16xf32>,
      %get3A_180 = vector.shape_cast %get3A_179 : vector<1x16xf32> to vector<16xf32>
      %get3A_181 = arith.index_cast %rem3A_117 : i32 to index
      %get3A_182 = arith.constant 0 : index
      %get3A_183 = tpu.vector_load %arg10[%get3A_181, %get3A_182] {strides = array<i32>} : memref<24x256xf32, #tpu.memory_space<vmem>>, vector<1x16xf32>,
      %get3A_184 = vector.shape_cast %get3A_183 : vector<1x16xf32> to vector<16xf32>
      %get3A_185 = arith.index_cast %rem3A_117 : i32 to index
      %get3A_186 = arith.constant 16 : index
      %get3A_187 = tpu.vector_load %arg10[%get3A_185, %get3A_186] {strides = array<i32>} : memref<24x256xf32, #tpu.memory_space<vmem>>, vector<1x16xf32>,
      %get3A_188 = vector.shape_cast %get3A_187 : vector<1x16xf32> to vector<16xf32>
      %get3A_189 = arith.index_cast %rem3A_117 : i32 to index
      %get3A_190 = arith.constant 32 : index
      %get3A_191 = tpu.vector_load %arg10[%get3A_189, %get3A_190] {strides = array<i32>} : memref<24x256xf32, #tpu.memory_space<vmem>>, vector<1x16xf32>,
      %get3A_192 = vector.shape_cast %get3A_191 : vector<1x16xf32> to vector<16xf32>
      %get3A_193 = arith.index_cast %rem3A_117 : i32 to index
      %get3A_194 = arith.constant 48 : index
      %get3A_195 = tpu.vector_load %arg10[%get3A_193, %get3A_194] {strides = array<i32>} : memref<24x256xf32, #tpu.memory_space<vmem>>, vector<1x16xf32>,
      %get3A_196 = vector.shape_cast %get3A_195 : vector<1x16xf32> to vector<16xf32>
      %get3A_197 = arith.index_cast %rem3A_117 : i32 to index
      %get3A_198 = arith.constant 64 : index
      %get3A_199 = tpu.vector_load %arg10[%get3A_197, %get3A_198] {strides = array<i32>} : memref<24x256xf32, #tpu.memory_space<vmem>>, vector<1x16xf32>,
      %get3A_200 = vector.shape_cast %get3A_199 : vector<1x16xf32> to vector<16xf32>
      %get3A_201 = arith.index_cast %rem3A_117 : i32 to index
      %get3A_202 = arith.constant 80 : index
      %get3A_203 = tpu.vector_load %arg10[%get3A_201, %get3A_202] {strides = array<i32>} : memref<24x256xf32, #tpu.memory_space<vmem>>, vector<1x16xf32>,
      %get3A_204 = vector.shape_cast %get3A_203 : vector<1x16xf32> to vector<16xf32>
      %get3A_205 = arith.index_cast %rem3A_117 : i32 to index
      %get3A_206 = arith.constant 96 : index
      %get3A_207 = tpu.vector_load %arg10[%get3A_205, %get3A_206] {strides = array<i32>} : memref<24x256xf32, #tpu.memory_space<vmem>>, vector<1x16xf32>,
      %get3A_208 = vector.shape_cast %get3A_207 : vector<1x16xf32> to vector<16xf32>
      %get3A_209 = arith.index_cast %rem3A_117 : i32 to index
      %get3A_210 = arith.constant 112 : index
      %get3A_211 = tpu.vector_load %arg10[%get3A_209, %get3A_210] {strides = array<i32>} : memref<24x256xf32, #tpu.memory_space<vmem>>, vector<1x16xf32>,
      %get3A_212 = vector.shape_cast %get3A_211 : vector<1x16xf32> to vector<16xf32>
      %get3A_213 = arith.index_cast %rem3A_117 : i32 to index
      %get3A_214 = arith.constant 128 : index
      %get3A_215 = tpu.vector_load %arg10[%get3A_213, %get3A_214] {strides = array<i32>} : memref<24x256xf32, #tpu.memory_space<vmem>>, vector<1x16xf32>,
      %get3A_216 = vector.shape_cast %get3A_215 : vector<1x16xf32> to vector<16xf32>
      %get3A_217 = arith.index_cast %rem3A_117 : i32 to index
      %get3A_218 = arith.constant 144 : index
      %get3A_219 = tpu.vector_load %arg10[%get3A_217, %get3A_218] {strides = array<i32>} : memref<24x256xf32, #tpu.memory_space<vmem>>, vector<1x16xf32>,
      %get3A_220 = vector.shape_cast %get3A_219 : vector<1x16xf32> to vector<16xf32>
      %get3A_221 = arith.index_cast %rem3A_117 : i32 to index
      %get3A_222 = arith.constant 160 : index
      %get3A_223 = tpu.vector_load %arg10[%get3A_221, %get3A_222] {strides = array<i32>} : memref<24x256xf32, #tpu.memory_space<vmem>>, vector<1x16xf32>,
      %get3A_224 = vector.shape_cast %get3A_223 : vector<1x16xf32> to vector<16xf32>
      %get3A_225 = arith.index_cast %rem3A_117 : i32 to index
      %get3A_226 = arith.constant 176 : index
      %get3A_227 = tpu.vector_load %arg10[%get3A_225, %get3A_226] {strides = array<i32>} : memref<24x256xf32, #tpu.memory_space<vmem>>, vector<1x16xf32>,
      %get3A_228 = vector.shape_cast %get3A_227 : vector<1x16xf32> to vector<16xf32>
      %get3A_229 = arith.index_cast %rem3A_117 : i32 to index
      %get3A_230 = arith.constant 192 : index
      %get3A_231 = tpu.vector_load %arg10[%get3A_229, %get3A_230] {strides = array<i32>} : memref<24x256xf32, #tpu.memory_space<vmem>>, vector<1x16xf32>,
      %get3A_232 = vector.shape_cast %get3A_231 : vector<1x16xf32> to vector<16xf32>
      %get3A_233 = arith.index_cast %rem3A_117 : i32 to index
      %get3A_234 = arith.constant 208 : index
      %get3A_235 = tpu.vector_load %arg10[%get3A_233, %get3A_234] {strides = array<i32>} : memref<24x256xf32, #tpu.memory_space<vmem>>, vector<1x16xf32>,
      %get3A_236 = vector.shape_cast %get3A_235 : vector<1x16xf32> to vector<16xf32>
      %get3A_237 = arith.index_cast %rem3A_117 : i32 to index
      %get3A_238 = arith.constant 224 : index
      %get3A_239 = tpu.vector_load %arg10[%get3A_237, %get3A_238] {strides = array<i32>} : memref<24x256xf32, #tpu.memory_space<vmem>>, vector<1x16xf32>,
      %get3A_240 = vector.shape_cast %get3A_239 : vector<1x16xf32> to vector<16xf32>
      %get3A_241 = arith.index_cast %rem3A_117 : i32 to index
      %get3A_242 = arith.constant 240 : index
      %get3A_243 = tpu.vector_load %arg10[%get3A_241, %get3A_242] {strides = array<i32>} : memref<24x256xf32, #tpu.memory_space<vmem>>, vector<1x16xf32>,
      %get3A_244 = vector.shape_cast %get3A_243 : vector<1x16xf32> to vector<16xf32>
      %parallel_loop3A = arith.constant 0 : i32
      %parallel_loop3A_245 = arith.constant 24 : i32
      %parallel_loop3A_246 = arith.constant 1 : i32
      scf.for %parallel_loop3A_460 = %parallel_loop3A to %parallel_loop3A_245 step %parallel_loop3A_246  : i32 {
        %parallel_loop3A_461 = arith.constant 0 : i32
        %parallel_loop3A_462 = arith.index_cast %parallel_loop3A_461 : i32 to index
        %parallel_loop3A_463 = arith.index_cast %parallel_loop3A_460 : i32 to index
        %parallel_loop3A_464 = arith.constant 0 : index
        %parallel_loop3A_465 = tpu.vector_load %arg7[%parallel_loop3A_462, %parallel_loop3A_463, %parallel_loop3A_464] {strides = array<i32>} : memref<2x24x768xf32, #tpu.memory_space<vmem>>, vector<1x1x16xf32>,
        %parallel_loop3A_466 = vector.shape_cast %parallel_loop3A_465 : vector<1x1x16xf32> to vector<16xf32>
        %parallel_loop3A_467 = arith.addf %parallel_loop3A_466, %get3A_120 : vector<16xf32>
        %parallel_loop3A_468 = arith.constant 0 : i32
        %parallel_loop3A_469 = arith.index_cast %parallel_loop3A_468 : i32 to index
        %parallel_loop3A_470 = arith.index_cast %parallel_loop3A_460 : i32 to index
        %parallel_loop3A_471 = arith.constant 0 : index
        %parallel_loop3A_472 = tpu.vector_load %arg8[%parallel_loop3A_469, %parallel_loop3A_470, %parallel_loop3A_471] {strides = array<i32>} : memref<2x24x768xf32, #tpu.memory_space<vmem>>, vector<1x1x16xf32>,
        %parallel_loop3A_473 = vector.shape_cast %parallel_loop3A_472 : vector<1x1x16xf32> to vector<16xf32>
        %parallel_loop3A_474 = vector.shape_cast %parallel_loop3A_467 : vector<16xf32> to vector<1x1x16xf32>
        tpu.vector_store %arg8[%parallel_loop3A_469, %parallel_loop3A_470, %parallel_loop3A_471], %parallel_loop3A_474 {strides = array<i32>} : memref<2x24x768xf32, #tpu.memory_space<vmem>>, vector<1x1x16xf32>,
        %parallel_loop3A_475 = arith.constant 0 : i32
        %parallel_loop3A_476 = arith.index_cast %parallel_loop3A_475 : i32 to index
        %parallel_loop3A_477 = arith.index_cast %parallel_loop3A_460 : i32 to index
        %parallel_loop3A_478 = arith.constant 16 : index
        %parallel_loop3A_479 = tpu.vector_load %arg7[%parallel_loop3A_476, %parallel_loop3A_477, %parallel_loop3A_478] {strides = array<i32>} : memref<2x24x768xf32, #tpu.memory_space<vmem>>, vector<1x1x16xf32>,
        %parallel_loop3A_480 = vector.shape_cast %parallel_loop3A_479 : vector<1x1x16xf32> to vector<16xf32>
        %parallel_loop3A_481 = arith.addf %parallel_loop3A_480, %get3A_124 : vector<16xf32>
        %parallel_loop3A_482 = arith.constant 0 : i32
        %parallel_loop3A_483 = arith.index_cast %parallel_loop3A_482 : i32 to index
        %parallel_loop3A_484 = arith.index_cast %parallel_loop3A_460 : i32 to index
        %parallel_loop3A_485 = arith.constant 16 : index
        %parallel_loop3A_486 = tpu.vector_load %arg8[%parallel_loop3A_483, %parallel_loop3A_484, %parallel_loop3A_485] {strides = array<i32>} : memref<2x24x768xf32, #tpu.memory_space<vmem>>, vector<1x1x16xf32>,
        %parallel_loop3A_487 = vector.shape_cast %parallel_loop3A_486 : vector<1x1x16xf32> to vector<16xf32>
        %parallel_loop3A_488 = vector.shape_cast %parallel_loop3A_481 : vector<16xf32> to vector<1x1x16xf32>
        tpu.vector_store %arg8[%parallel_loop3A_483, %parallel_loop3A_484, %parallel_loop3A_485], %parallel_loop3A_488 {strides = array<i32>} : memref<2x24x768xf32, #tpu.memory_space<vmem>>, vector<1x1x16xf32>,
        %parallel_loop3A_489 = arith.constant 0 : i32
        %parallel_loop3A_490 = arith.index_cast %parallel_loop3A_489 : i32 to index
        %parallel_loop3A_491 = arith.index_cast %parallel_loop3A_460 : i32 to index
        %parallel_loop3A_492 = arith.constant 32 : index
        %parallel_loop3A_493 = tpu.vector_load %arg7[%parallel_loop3A_490, %parallel_loop3A_491, %parallel_loop3A_492] {strides = array<i32>} : memref<2x24x768xf32, #tpu.memory_space<vmem>>, vector<1x1x16xf32>,
        %parallel_loop3A_494 = vector.shape_cast %parallel_loop3A_493 : vector<1x1x16xf32> to vector<16xf32>
        %parallel_loop3A_495 = arith.addf %parallel_loop3A_494, %get3A_128 : vector<16xf32>
        %parallel_loop3A_496 = arith.constant 0 : i32
        %parallel_loop3A_497 = arith.index_cast %parallel_loop3A_496 : i32 to index
        %parallel_loop3A_498 = arith.index_cast %parallel_loop3A_460 : i32 to index
        %parallel_loop3A_499 = arith.constant 32 : index
        %parallel_loop3A_500 = tpu.vector_load %arg8[%parallel_loop3A_497, %parallel_loop3A_498, %parallel_loop3A_499] {strides = array<i32>} : memref<2x24x768xf32, #tpu.memory_space<vmem>>, vector<1x1x16xf32>,
        %parallel_loop3A_501 = vector.shape_cast %parallel_loop3A_500 : vector<1x1x16xf32> to vector<16xf32>
        %parallel_loop3A_502 = vector.shape_cast %parallel_loop3A_495 : vector<16xf32> to vector<1x1x16xf32>
        tpu.vector_store %arg8[%parallel_loop3A_497, %parallel_loop3A_498, %parallel_loop3A_499], %parallel_loop3A_502 {strides = array<i32>} : memref<2x24x768xf32, #tpu.memory_space<vmem>>, vector<1x1x16xf32>,
        %parallel_loop3A_503 = arith.constant 0 : i32
        %parallel_loop3A_504 = arith.index_cast %parallel_loop3A_503 : i32 to index
        %parallel_loop3A_505 = arith.index_cast %parallel_loop3A_460 : i32 to index
        %parallel_loop3A_506 = arith.constant 48 : index
        %parallel_loop3A_507 = tpu.vector_load %arg7[%parallel_loop3A_504, %parallel_loop3A_505, %parallel_loop3A_506] {strides = array<i32>} : memref<2x24x768xf32, #tpu.memory_space<vmem>>, vector<1x1x16xf32>,
        %parallel_loop3A_508 = vector.shape_cast %parallel_loop3A_507 : vector<1x1x16xf32> to vector<16xf32>
        %parallel_loop3A_509 = arith.addf %parallel_loop3A_508, %get3A_132 : vector<16xf32>
        %parallel_loop3A_510 = arith.constant 0 : i32
        %parallel_loop3A_511 = arith.index_cast %parallel_loop3A_510 : i32 to index
        %parallel_loop3A_512 = arith.index_cast %parallel_loop3A_460 : i32 to index
        %parallel_loop3A_513 = arith.constant 48 : index
        %parallel_loop3A_514 = tpu.vector_load %arg8[%parallel_loop3A_511, %parallel_loop3A_512, %parallel_loop3A_513] {strides = array<i32>} : memref<2x24x768xf32, #tpu.memory_space<vmem>>, vector<1x1x16xf32>,
        %parallel_loop3A_515 = vector.shape_cast %parallel_loop3A_514 : vector<1x1x16xf32> to vector<16xf32>
        %parallel_loop3A_516 = vector.shape_cast %parallel_loop3A_509 : vector<16xf32> to vector<1x1x16xf32>
        tpu.vector_store %arg8[%parallel_loop3A_511, %parallel_loop3A_512, %parallel_loop3A_513], %parallel_loop3A_516 {strides = array<i32>} : memref<2x24x768xf32, #tpu.memory_space<vmem>>, vector<1x1x16xf32>,
        %parallel_loop3A_517 = arith.constant 0 : i32
        %parallel_loop3A_518 = arith.index_cast %parallel_loop3A_517 : i32 to index
        %parallel_loop3A_519 = arith.index_cast %parallel_loop3A_460 : i32 to index
        %parallel_loop3A_520 = arith.constant 64 : index
        %parallel_loop3A_521 = tpu.vector_load %arg7[%parallel_loop3A_518, %parallel_loop3A_519, %parallel_loop3A_520] {strides = array<i32>} : memref<2x24x768xf32, #tpu.memory_space<vmem>>, vector<1x1x16xf32>,
        %parallel_loop3A_522 = vector.shape_cast %parallel_loop3A_521 : vector<1x1x16xf32> to vector<16xf32>
        %parallel_loop3A_523 = arith.addf %parallel_loop3A_522, %get3A_136 : vector<16xf32>
        %parallel_loop3A_524 = arith.constant 0 : i32
        %parallel_loop3A_525 = arith.index_cast %parallel_loop3A_524 : i32 to index
        %parallel_loop3A_526 = arith.index_cast %parallel_loop3A_460 : i32 to index
        %parallel_loop3A_527 = arith.constant 64 : index
        %parallel_loop3A_528 = tpu.vector_load %arg8[%parallel_loop3A_525, %parallel_loop3A_526, %parallel_loop3A_527] {strides = array<i32>} : memref<2x24x768xf32, #tpu.memory_space<vmem>>, vector<1x1x16xf32>,
        %parallel_loop3A_529 = vector.shape_cast %parallel_loop3A_528 : vector<1x1x16xf32> to vector<16xf32>
        %parallel_loop3A_530 = vector.shape_cast %parallel_loop3A_523 : vector<16xf32> to vector<1x1x16xf32>
        tpu.vector_store %arg8[%parallel_loop3A_525, %parallel_loop3A_526, %parallel_loop3A_527], %parallel_loop3A_530 {strides = array<i32>} : memref<2x24x768xf32, #tpu.memory_space<vmem>>, vector<1x1x16xf32>,
        %parallel_loop3A_531 = arith.constant 0 : i32
        %parallel_loop3A_532 = arith.index_cast %parallel_loop3A_531 : i32 to index
        %parallel_loop3A_533 = arith.index_cast %parallel_loop3A_460 : i32 to index
        %parallel_loop3A_534 = arith.constant 80 : index
        %parallel_loop3A_535 = tpu.vector_load %arg7[%parallel_loop3A_532, %parallel_loop3A_533, %parallel_loop3A_534] {strides = array<i32>} : memref<2x24x768xf32, #tpu.memory_space<vmem>>, vector<1x1x16xf32>,
        %parallel_loop3A_536 = vector.shape_cast %parallel_loop3A_535 : vector<1x1x16xf32> to vector<16xf32>
        %parallel_loop3A_537 = arith.addf %parallel_loop3A_536, %get3A_140 : vector<16xf32>
        %parallel_loop3A_538 = arith.constant 0 : i32
        %parallel_loop3A_539 = arith.index_cast %parallel_loop3A_538 : i32 to index
        %parallel_loop3A_540 = arith.index_cast %parallel_loop3A_460 : i32 to index
        %parallel_loop3A_541 = arith.constant 80 : index
        %parallel_loop3A_542 = tpu.vector_load %arg8[%parallel_loop3A_539, %parallel_loop3A_540, %parallel_loop3A_541] {strides = array<i32>} : memref<2x24x768xf32, #tpu.memory_space<vmem>>, vector<1x1x16xf32>,
        %parallel_loop3A_543 = vector.shape_cast %parallel_loop3A_542 : vector<1x1x16xf32> to vector<16xf32>
        %parallel_loop3A_544 = vector.shape_cast %parallel_loop3A_537 : vector<16xf32> to vector<1x1x16xf32>
        tpu.vector_store %arg8[%parallel_loop3A_539, %parallel_loop3A_540, %parallel_loop3A_541], %parallel_loop3A_544 {strides = array<i32>} : memref<2x24x768xf32, #tpu.memory_space<vmem>>, vector<1x1x16xf32>,
        %parallel_loop3A_545 = arith.constant 0 : i32
        %parallel_loop3A_546 = arith.index_cast %parallel_loop3A_545 : i32 to index
        %parallel_loop3A_547 = arith.index_cast %parallel_loop3A_460 : i32 to index
        %parallel_loop3A_548 = arith.constant 96 : index
        %parallel_loop3A_549 = tpu.vector_load %arg7[%parallel_loop3A_546, %parallel_loop3A_547, %parallel_loop3A_548] {strides = array<i32>} : memref<2x24x768xf32, #tpu.memory_space<vmem>>, vector<1x1x16xf32>,
        %parallel_loop3A_550 = vector.shape_cast %parallel_loop3A_549 : vector<1x1x16xf32> to vector<16xf32>
        %parallel_loop3A_551 = arith.addf %parallel_loop3A_550, %get3A_144 : vector<16xf32>
        %parallel_loop3A_552 = arith.constant 0 : i32
        %parallel_loop3A_553 = arith.index_cast %parallel_loop3A_552 : i32 to index
        %parallel_loop3A_554 = arith.index_cast %parallel_loop3A_460 : i32 to index
        %parallel_loop3A_555 = arith.constant 96 : index
        %parallel_loop3A_556 = tpu.vector_load %arg8[%parallel_loop3A_553, %parallel_loop3A_554, %parallel_loop3A_555] {strides = array<i32>} : memref<2x24x768xf32, #tpu.memory_space<vmem>>, vector<1x1x16xf32>,
        %parallel_loop3A_557 = vector.shape_cast %parallel_loop3A_556 : vector<1x1x16xf32> to vector<16xf32>
        %parallel_loop3A_558 = vector.shape_cast %parallel_loop3A_551 : vector<16xf32> to vector<1x1x16xf32>
        tpu.vector_store %arg8[%parallel_loop3A_553, %parallel_loop3A_554, %parallel_loop3A_555], %parallel_loop3A_558 {strides = array<i32>} : memref<2x24x768xf32, #tpu.memory_space<vmem>>, vector<1x1x16xf32>,
        %parallel_loop3A_559 = arith.constant 0 : i32
        %parallel_loop3A_560 = arith.index_cast %parallel_loop3A_559 : i32 to index
        %parallel_loop3A_561 = arith.index_cast %parallel_loop3A_460 : i32 to index
        %parallel_loop3A_562 = arith.constant 112 : index
        %parallel_loop3A_563 = tpu.vector_load %arg7[%parallel_loop3A_560, %parallel_loop3A_561, %parallel_loop3A_562] {strides = array<i32>} : memref<2x24x768xf32, #tpu.memory_space<vmem>>, vector<1x1x16xf32>,
        %parallel_loop3A_564 = vector.shape_cast %parallel_loop3A_563 : vector<1x1x16xf32> to vector<16xf32>
        %parallel_loop3A_565 = arith.addf %parallel_loop3A_564, %get3A_148 : vector<16xf32>
        %parallel_loop3A_566 = arith.constant 0 : i32
        %parallel_loop3A_567 = arith.index_cast %parallel_loop3A_566 : i32 to index
        %parallel_loop3A_568 = arith.index_cast %parallel_loop3A_460 : i32 to index
        %parallel_loop3A_569 = arith.constant 112 : index
        %parallel_loop3A_570 = tpu.vector_load %arg8[%parallel_loop3A_567, %parallel_loop3A_568, %parallel_loop3A_569] {strides = array<i32>} : memref<2x24x768xf32, #tpu.memory_space<vmem>>, vector<1x1x16xf32>,
        %parallel_loop3A_571 = vector.shape_cast %parallel_loop3A_570 : vector<1x1x16xf32> to vector<16xf32>
        %parallel_loop3A_572 = vector.shape_cast %parallel_loop3A_565 : vector<16xf32> to vector<1x1x16xf32>
        tpu.vector_store %arg8[%parallel_loop3A_567, %parallel_loop3A_568, %parallel_loop3A_569], %parallel_loop3A_572 {strides = array<i32>} : memref<2x24x768xf32, #tpu.memory_space<vmem>>, vector<1x1x16xf32>,
        %parallel_loop3A_573 = arith.constant 0 : i32
        %parallel_loop3A_574 = arith.index_cast %parallel_loop3A_573 : i32 to index
        %parallel_loop3A_575 = arith.index_cast %parallel_loop3A_460 : i32 to index
        %parallel_loop3A_576 = arith.constant 128 : index
        %parallel_loop3A_577 = tpu.vector_load %arg7[%parallel_loop3A_574, %parallel_loop3A_575, %parallel_loop3A_576] {strides = array<i32>} : memref<2x24x768xf32, #tpu.memory_space<vmem>>, vector<1x1x16xf32>,
        %parallel_loop3A_578 = vector.shape_cast %parallel_loop3A_577 : vector<1x1x16xf32> to vector<16xf32>
        %parallel_loop3A_579 = arith.addf %parallel_loop3A_578, %get3A_152 : vector<16xf32>
        %parallel_loop3A_580 = arith.constant 0 : i32
        %parallel_loop3A_581 = arith.index_cast %parallel_loop3A_580 : i32 to index
        %parallel_loop3A_582 = arith.index_cast %parallel_loop3A_460 : i32 to index
        %parallel_loop3A_583 = arith.constant 128 : index
        %parallel_loop3A_584 = tpu.vector_load %arg8[%parallel_loop3A_581, %parallel_loop3A_582, %parallel_loop3A_583] {strides = array<i32>} : memref<2x24x768xf32, #tpu.memory_space<vmem>>, vector<1x1x16xf32>,
        %parallel_loop3A_585 = vector.shape_cast %parallel_loop3A_584 : vector<1x1x16xf32> to vector<16xf32>
        %parallel_loop3A_586 = vector.shape_cast %parallel_loop3A_579 : vector<16xf32> to vector<1x1x16xf32>
        tpu.vector_store %arg8[%parallel_loop3A_581, %parallel_loop3A_582, %parallel_loop3A_583], %parallel_loop3A_586 {strides = array<i32>} : memref<2x24x768xf32, #tpu.memory_space<vmem>>, vector<1x1x16xf32>,
        %parallel_loop3A_587 = arith.constant 0 : i32
        %parallel_loop3A_588 = arith.index_cast %parallel_loop3A_587 : i32 to index
        %parallel_loop3A_589 = arith.index_cast %parallel_loop3A_460 : i32 to index
        %parallel_loop3A_590 = arith.constant 144 : index
        %parallel_loop3A_591 = tpu.vector_load %arg7[%parallel_loop3A_588, %parallel_loop3A_589, %parallel_loop3A_590] {strides = array<i32>} : memref<2x24x768xf32, #tpu.memory_space<vmem>>, vector<1x1x16xf32>,
        %parallel_loop3A_592 = vector.shape_cast %parallel_loop3A_591 : vector<1x1x16xf32> to vector<16xf32>
        %parallel_loop3A_593 = arith.addf %parallel_loop3A_592, %get3A_156 : vector<16xf32>
        %parallel_loop3A_594 = arith.constant 0 : i32
        %parallel_loop3A_595 = arith.index_cast %parallel_loop3A_594 : i32 to index
        %parallel_loop3A_596 = arith.index_cast %parallel_loop3A_460 : i32 to index
        %parallel_loop3A_597 = arith.constant 144 : index
        %parallel_loop3A_598 = tpu.vector_load %arg8[%parallel_loop3A_595, %parallel_loop3A_596, %parallel_loop3A_597] {strides = array<i32>} : memref<2x24x768xf32, #tpu.memory_space<vmem>>, vector<1x1x16xf32>,
        %parallel_loop3A_599 = vector.shape_cast %parallel_loop3A_598 : vector<1x1x16xf32> to vector<16xf32>
        %parallel_loop3A_600 = vector.shape_cast %parallel_loop3A_593 : vector<16xf32> to vector<1x1x16xf32>
        tpu.vector_store %arg8[%parallel_loop3A_595, %parallel_loop3A_596, %parallel_loop3A_597], %parallel_loop3A_600 {strides = array<i32>} : memref<2x24x768xf32, #tpu.memory_space<vmem>>, vector<1x1x16xf32>,
        %parallel_loop3A_601 = arith.constant 0 : i32
        %parallel_loop3A_602 = arith.index_cast %parallel_loop3A_601 : i32 to index
        %parallel_loop3A_603 = arith.index_cast %parallel_loop3A_460 : i32 to index
        %parallel_loop3A_604 = arith.constant 160 : index
        %parallel_loop3A_605 = tpu.vector_load %arg7[%parallel_loop3A_602, %parallel_loop3A_603, %parallel_loop3A_604] {strides = array<i32>} : memref<2x24x768xf32, #tpu.memory_space<vmem>>, vector<1x1x16xf32>,
        %parallel_loop3A_606 = vector.shape_cast %parallel_loop3A_605 : vector<1x1x16xf32> to vector<16xf32>
        %parallel_loop3A_607 = arith.addf %parallel_loop3A_606, %get3A_160 : vector<16xf32>
        %parallel_loop3A_608 = arith.constant 0 : i32
        %parallel_loop3A_609 = arith.index_cast %parallel_loop3A_608 : i32 to index
        %parallel_loop3A_610 = arith.index_cast %parallel_loop3A_460 : i32 to index
        %parallel_loop3A_611 = arith.constant 160 : index
        %parallel_loop3A_612 = tpu.vector_load %arg8[%parallel_loop3A_609, %parallel_loop3A_610, %parallel_loop3A_611] {strides = array<i32>} : memref<2x24x768xf32, #tpu.memory_space<vmem>>, vector<1x1x16xf32>,
        %parallel_loop3A_613 = vector.shape_cast %parallel_loop3A_612 : vector<1x1x16xf32> to vector<16xf32>
        %parallel_loop3A_614 = vector.shape_cast %parallel_loop3A_607 : vector<16xf32> to vector<1x1x16xf32>
        tpu.vector_store %arg8[%parallel_loop3A_609, %parallel_loop3A_610, %parallel_loop3A_611], %parallel_loop3A_614 {strides = array<i32>} : memref<2x24x768xf32, #tpu.memory_space<vmem>>, vector<1x1x16xf32>,
        %parallel_loop3A_615 = arith.constant 0 : i32
        %parallel_loop3A_616 = arith.index_cast %parallel_loop3A_615 : i32 to index
        %parallel_loop3A_617 = arith.index_cast %parallel_loop3A_460 : i32 to index
        %parallel_loop3A_618 = arith.constant 176 : index
        %parallel_loop3A_619 = tpu.vector_load %arg7[%parallel_loop3A_616, %parallel_loop3A_617, %parallel_loop3A_618] {strides = array<i32>} : memref<2x24x768xf32, #tpu.memory_space<vmem>>, vector<1x1x16xf32>,
        %parallel_loop3A_620 = vector.shape_cast %parallel_loop3A_619 : vector<1x1x16xf32> to vector<16xf32>
        %parallel_loop3A_621 = arith.addf %parallel_loop3A_620, %get3A_164 : vector<16xf32>
        %parallel_loop3A_622 = arith.constant 0 : i32
        %parallel_loop3A_623 = arith.index_cast %parallel_loop3A_622 : i32 to index
        %parallel_loop3A_624 = arith.index_cast %parallel_loop3A_460 : i32 to index
        %parallel_loop3A_625 = arith.constant 176 : index
        %parallel_loop3A_626 = tpu.vector_load %arg8[%parallel_loop3A_623, %parallel_loop3A_624, %parallel_loop3A_625] {strides = array<i32>} : memref<2x24x768xf32, #tpu.memory_space<vmem>>, vector<1x1x16xf32>,
        %parallel_loop3A_627 = vector.shape_cast %parallel_loop3A_626 : vector<1x1x16xf32> to vector<16xf32>
        %parallel_loop3A_628 = vector.shape_cast %parallel_loop3A_621 : vector<16xf32> to vector<1x1x16xf32>
        tpu.vector_store %arg8[%parallel_loop3A_623, %parallel_loop3A_624, %parallel_loop3A_625], %parallel_loop3A_628 {strides = array<i32>} : memref<2x24x768xf32, #tpu.memory_space<vmem>>, vector<1x1x16xf32>,
        %parallel_loop3A_629 = arith.constant 0 : i32
        %parallel_loop3A_630 = arith.index_cast %parallel_loop3A_629 : i32 to index
        %parallel_loop3A_631 = arith.index_cast %parallel_loop3A_460 : i32 to index
        %parallel_loop3A_632 = arith.constant 192 : index
        %parallel_loop3A_633 = tpu.vector_load %arg7[%parallel_loop3A_630, %parallel_loop3A_631, %parallel_loop3A_632] {strides = array<i32>} : memref<2x24x768xf32, #tpu.memory_space<vmem>>, vector<1x1x16xf32>,
        %parallel_loop3A_634 = vector.shape_cast %parallel_loop3A_633 : vector<1x1x16xf32> to vector<16xf32>
        %parallel_loop3A_635 = arith.addf %parallel_loop3A_634, %get3A_168 : vector<16xf32>
        %parallel_loop3A_636 = arith.constant 0 : i32
        %parallel_loop3A_637 = arith.index_cast %parallel_loop3A_636 : i32 to index
        %parallel_loop3A_638 = arith.index_cast %parallel_loop3A_460 : i32 to index
        %parallel_loop3A_639 = arith.constant 192 : index
        %parallel_loop3A_640 = tpu.vector_load %arg8[%parallel_loop3A_637, %parallel_loop3A_638, %parallel_loop3A_639] {strides = array<i32>} : memref<2x24x768xf32, #tpu.memory_space<vmem>>, vector<1x1x16xf32>,
        %parallel_loop3A_641 = vector.shape_cast %parallel_loop3A_640 : vector<1x1x16xf32> to vector<16xf32>
        %parallel_loop3A_642 = vector.shape_cast %parallel_loop3A_635 : vector<16xf32> to vector<1x1x16xf32>
        tpu.vector_store %arg8[%parallel_loop3A_637, %parallel_loop3A_638, %parallel_loop3A_639], %parallel_loop3A_642 {strides = array<i32>} : memref<2x24x768xf32, #tpu.memory_space<vmem>>, vector<1x1x16xf32>,
        %parallel_loop3A_643 = arith.constant 0 : i32
        %parallel_loop3A_644 = arith.index_cast %parallel_loop3A_643 : i32 to index
        %parallel_loop3A_645 = arith.index_cast %parallel_loop3A_460 : i32 to index
        %parallel_loop3A_646 = arith.constant 208 : index
        %parallel_loop3A_647 = tpu.vector_load %arg7[%parallel_loop3A_644, %parallel_loop3A_645, %parallel_loop3A_646] {strides = array<i32>} : memref<2x24x768xf32, #tpu.memory_space<vmem>>, vector<1x1x16xf32>,
        %parallel_loop3A_648 = vector.shape_cast %parallel_loop3A_647 : vector<1x1x16xf32> to vector<16xf32>
        %parallel_loop3A_649 = arith.addf %parallel_loop3A_648, %get3A_172 : vector<16xf32>
        %parallel_loop3A_650 = arith.constant 0 : i32
        %parallel_loop3A_651 = arith.index_cast %parallel_loop3A_650 : i32 to index
        %parallel_loop3A_652 = arith.index_cast %parallel_loop3A_460 : i32 to index
        %parallel_loop3A_653 = arith.constant 208 : index
        %parallel_loop3A_654 = tpu.vector_load %arg8[%parallel_loop3A_651, %parallel_loop3A_652, %parallel_loop3A_653] {strides = array<i32>} : memref<2x24x768xf32, #tpu.memory_space<vmem>>, vector<1x1x16xf32>,
        %parallel_loop3A_655 = vector.shape_cast %parallel_loop3A_654 : vector<1x1x16xf32> to vector<16xf32>
        %parallel_loop3A_656 = vector.shape_cast %parallel_loop3A_649 : vector<16xf32> to vector<1x1x16xf32>
        tpu.vector_store %arg8[%parallel_loop3A_651, %parallel_loop3A_652, %parallel_loop3A_653], %parallel_loop3A_656 {strides = array<i32>} : memref<2x24x768xf32, #tpu.memory_space<vmem>>, vector<1x1x16xf32>,
        %parallel_loop3A_657 = arith.constant 0 : i32
        %parallel_loop3A_658 = arith.index_cast %parallel_loop3A_657 : i32 to index
        %parallel_loop3A_659 = arith.index_cast %parallel_loop3A_460 : i32 to index
        %parallel_loop3A_660 = arith.constant 224 : index
        %parallel_loop3A_661 = tpu.vector_load %arg7[%parallel_loop3A_658, %parallel_loop3A_659, %parallel_loop3A_660] {strides = array<i32>} : memref<2x24x768xf32, #tpu.memory_space<vmem>>, vector<1x1x16xf32>,
        %parallel_loop3A_662 = vector.shape_cast %parallel_loop3A_661 : vector<1x1x16xf32> to vector<16xf32>
        %parallel_loop3A_663 = arith.addf %parallel_loop3A_662, %get3A_176 : vector<16xf32>
        %parallel_loop3A_664 = arith.constant 0 : i32
        %parallel_loop3A_665 = arith.index_cast %parallel_loop3A_664 : i32 to index
        %parallel_loop3A_666 = arith.index_cast %parallel_loop3A_460 : i32 to index
        %parallel_loop3A_667 = arith.constant 224 : index
        %parallel_loop3A_668 = tpu.vector_load %arg8[%parallel_loop3A_665, %parallel_loop3A_666, %parallel_loop3A_667] {strides = array<i32>} : memref<2x24x768xf32, #tpu.memory_space<vmem>>, vector<1x1x16xf32>,
        %parallel_loop3A_669 = vector.shape_cast %parallel_loop3A_668 : vector<1x1x16xf32> to vector<16xf32>
        %parallel_loop3A_670 = vector.shape_cast %parallel_loop3A_663 : vector<16xf32> to vector<1x1x16xf32>
        tpu.vector_store %arg8[%parallel_loop3A_665, %parallel_loop3A_666, %parallel_loop3A_667], %parallel_loop3A_670 {strides = array<i32>} : memref<2x24x768xf32, #tpu.memory_space<vmem>>, vector<1x1x16xf32>,
        %parallel_loop3A_671 = arith.constant 0 : i32
        %parallel_loop3A_672 = arith.index_cast %parallel_loop3A_671 : i32 to index
        %parallel_loop3A_673 = arith.index_cast %parallel_loop3A_460 : i32 to index
        %parallel_loop3A_674 = arith.constant 240 : index
        %parallel_loop3A_675 = tpu.vector_load %arg7[%parallel_loop3A_672, %parallel_loop3A_673, %parallel_loop3A_674] {strides = array<i32>} : memref<2x24x768xf32, #tpu.memory_space<vmem>>, vector<1x1x16xf32>,
        %parallel_loop3A_676 = vector.shape_cast %parallel_loop3A_675 : vector<1x1x16xf32> to vector<16xf32>
        %parallel_loop3A_677 = arith.addf %parallel_loop3A_676, %get3A_180 : vector<16xf32>
        %parallel_loop3A_678 = arith.constant 0 : i32
        %parallel_loop3A_679 = arith.index_cast %parallel_loop3A_678 : i32 to index
        %parallel_loop3A_680 = arith.index_cast %parallel_loop3A_460 : i32 to index
        %parallel_loop3A_681 = arith.constant 240 : index
        %parallel_loop3A_682 = tpu.vector_load %arg8[%parallel_loop3A_679, %parallel_loop3A_680, %parallel_loop3A_681] {strides = array<i32>} : memref<2x24x768xf32, #tpu.memory_space<vmem>>, vector<1x1x16xf32>,
        %parallel_loop3A_683 = vector.shape_cast %parallel_loop3A_682 : vector<1x1x16xf32> to vector<16xf32>
        %parallel_loop3A_684 = vector.shape_cast %parallel_loop3A_677 : vector<16xf32> to vector<1x1x16xf32>
        tpu.vector_store %arg8[%parallel_loop3A_679, %parallel_loop3A_680, %parallel_loop3A_681], %parallel_loop3A_684 {strides = array<i32>} : memref<2x24x768xf32, #tpu.memory_space<vmem>>, vector<1x1x16xf32>,
        %parallel_loop3A_685 = arith.constant 0 : i32
        %parallel_loop3A_686 = arith.index_cast %parallel_loop3A_685 : i32 to index
        %parallel_loop3A_687 = arith.index_cast %parallel_loop3A_460 : i32 to index
        %parallel_loop3A_688 = arith.constant 512 : index
        %parallel_loop3A_689 = tpu.vector_load %arg7[%parallel_loop3A_686, %parallel_loop3A_687, %parallel_loop3A_688] {strides = array<i32>} : memref<2x24x768xf32, #tpu.memory_space<vmem>>, vector<1x1x16xf32>,
        %parallel_loop3A_690 = vector.shape_cast %parallel_loop3A_689 : vector<1x1x16xf32> to vector<16xf32>
        %parallel_loop3A_691 = arith.addf %parallel_loop3A_690, %get3A_184 : vector<16xf32>
        %parallel_loop3A_692 = arith.constant 0 : i32
        %parallel_loop3A_693 = arith.index_cast %parallel_loop3A_692 : i32 to index
        %parallel_loop3A_694 = arith.index_cast %parallel_loop3A_460 : i32 to index
        %parallel_loop3A_695 = arith.constant 512 : index
        %parallel_loop3A_696 = tpu.vector_load %arg8[%parallel_loop3A_693, %parallel_loop3A_694, %parallel_loop3A_695] {strides = array<i32>} : memref<2x24x768xf32, #tpu.memory_space<vmem>>, vector<1x1x16xf32>,
        %parallel_loop3A_697 = vector.shape_cast %parallel_loop3A_696 : vector<1x1x16xf32> to vector<16xf32>
        %parallel_loop3A_698 = vector.shape_cast %parallel_loop3A_691 : vector<16xf32> to vector<1x1x16xf32>
        tpu.vector_store %arg8[%parallel_loop3A_693, %parallel_loop3A_694, %parallel_loop3A_695], %parallel_loop3A_698 {strides = array<i32>} : memref<2x24x768xf32, #tpu.memory_space<vmem>>, vector<1x1x16xf32>,
        %parallel_loop3A_699 = arith.constant 0 : i32
        %parallel_loop3A_700 = arith.index_cast %parallel_loop3A_699 : i32 to index
        %parallel_loop3A_701 = arith.index_cast %parallel_loop3A_460 : i32 to index
        %parallel_loop3A_702 = arith.constant 528 : index
        %parallel_loop3A_703 = tpu.vector_load %arg7[%parallel_loop3A_700, %parallel_loop3A_701, %parallel_loop3A_702] {strides = array<i32>} : memref<2x24x768xf32, #tpu.memory_space<vmem>>, vector<1x1x16xf32>,
        %parallel_loop3A_704 = vector.shape_cast %parallel_loop3A_703 : vector<1x1x16xf32> to vector<16xf32>
        %parallel_loop3A_705 = arith.addf %parallel_loop3A_704, %get3A_188 : vector<16xf32>
        %parallel_loop3A_706 = arith.constant 0 : i32
        %parallel_loop3A_707 = arith.index_cast %parallel_loop3A_706 : i32 to index
        %parallel_loop3A_708 = arith.index_cast %parallel_loop3A_460 : i32 to index
        %parallel_loop3A_709 = arith.constant 528 : index
        %parallel_loop3A_710 = tpu.vector_load %arg8[%parallel_loop3A_707, %parallel_loop3A_708, %parallel_loop3A_709] {strides = array<i32>} : memref<2x24x768xf32, #tpu.memory_space<vmem>>, vector<1x1x16xf32>,
        %parallel_loop3A_711 = vector.shape_cast %parallel_loop3A_710 : vector<1x1x16xf32> to vector<16xf32>
        %parallel_loop3A_712 = vector.shape_cast %parallel_loop3A_705 : vector<16xf32> to vector<1x1x16xf32>
        tpu.vector_store %arg8[%parallel_loop3A_707, %parallel_loop3A_708, %parallel_loop3A_709], %parallel_loop3A_712 {strides = array<i32>} : memref<2x24x768xf32, #tpu.memory_space<vmem>>, vector<1x1x16xf32>,
        %parallel_loop3A_713 = arith.constant 0 : i32
        %parallel_loop3A_714 = arith.index_cast %parallel_loop3A_713 : i32 to index
        %parallel_loop3A_715 = arith.index_cast %parallel_loop3A_460 : i32 to index
        %parallel_loop3A_716 = arith.constant 544 : index
        %parallel_loop3A_717 = tpu.vector_load %arg7[%parallel_loop3A_714, %parallel_loop3A_715, %parallel_loop3A_716] {strides = array<i32>} : memref<2x24x768xf32, #tpu.memory_space<vmem>>, vector<1x1x16xf32>,
        %parallel_loop3A_718 = vector.shape_cast %parallel_loop3A_717 : vector<1x1x16xf32> to vector<16xf32>
        %parallel_loop3A_719 = arith.addf %parallel_loop3A_718, %get3A_192 : vector<16xf32>
        %parallel_loop3A_720 = arith.constant 0 : i32
        %parallel_loop3A_721 = arith.index_cast %parallel_loop3A_720 : i32 to index
        %parallel_loop3A_722 = arith.index_cast %parallel_loop3A_460 : i32 to index
        %parallel_loop3A_723 = arith.constant 544 : index
        %parallel_loop3A_724 = tpu.vector_load %arg8[%parallel_loop3A_721, %parallel_loop3A_722, %parallel_loop3A_723] {strides = array<i32>} : memref<2x24x768xf32, #tpu.memory_space<vmem>>, vector<1x1x16xf32>,
        %parallel_loop3A_725 = vector.shape_cast %parallel_loop3A_724 : vector<1x1x16xf32> to vector<16xf32>
        %parallel_loop3A_726 = vector.shape_cast %parallel_loop3A_719 : vector<16xf32> to vector<1x1x16xf32>
        tpu.vector_store %arg8[%parallel_loop3A_721, %parallel_loop3A_722, %parallel_loop3A_723], %parallel_loop3A_726 {strides = array<i32>} : memref<2x24x768xf32, #tpu.memory_space<vmem>>, vector<1x1x16xf32>,
        %parallel_loop3A_727 = arith.constant 0 : i32
        %parallel_loop3A_728 = arith.index_cast %parallel_loop3A_727 : i32 to index
        %parallel_loop3A_729 = arith.index_cast %parallel_loop3A_460 : i32 to index
        %parallel_loop3A_730 = arith.constant 560 : index
        %parallel_loop3A_731 = tpu.vector_load %arg7[%parallel_loop3A_728, %parallel_loop3A_729, %parallel_loop3A_730] {strides = array<i32>} : memref<2x24x768xf32, #tpu.memory_space<vmem>>, vector<1x1x16xf32>,
        %parallel_loop3A_732 = vector.shape_cast %parallel_loop3A_731 : vector<1x1x16xf32> to vector<16xf32>
        %parallel_loop3A_733 = arith.addf %parallel_loop3A_732, %get3A_196 : vector<16xf32>
        %parallel_loop3A_734 = arith.constant 0 : i32
        %parallel_loop3A_735 = arith.index_cast %parallel_loop3A_734 : i32 to index
        %parallel_loop3A_736 = arith.index_cast %parallel_loop3A_460 : i32 to index
        %parallel_loop3A_737 = arith.constant 560 : index
        %parallel_loop3A_738 = tpu.vector_load %arg8[%parallel_loop3A_735, %parallel_loop3A_736, %parallel_loop3A_737] {strides = array<i32>} : memref<2x24x768xf32, #tpu.memory_space<vmem>>, vector<1x1x16xf32>,
        %parallel_loop3A_739 = vector.shape_cast %parallel_loop3A_738 : vector<1x1x16xf32> to vector<16xf32>
        %parallel_loop3A_740 = vector.shape_cast %parallel_loop3A_733 : vector<16xf32> to vector<1x1x16xf32>
        tpu.vector_store %arg8[%parallel_loop3A_735, %parallel_loop3A_736, %parallel_loop3A_737], %parallel_loop3A_740 {strides = array<i32>} : memref<2x24x768xf32, #tpu.memory_space<vmem>>, vector<1x1x16xf32>,
        %parallel_loop3A_741 = arith.constant 0 : i32
        %parallel_loop3A_742 = arith.index_cast %parallel_loop3A_741 : i32 to index
        %parallel_loop3A_743 = arith.index_cast %parallel_loop3A_460 : i32 to index
        %parallel_loop3A_744 = arith.constant 576 : index
        %parallel_loop3A_745 = tpu.vector_load %arg7[%parallel_loop3A_742, %parallel_loop3A_743, %parallel_loop3A_744] {strides = array<i32>} : memref<2x24x768xf32, #tpu.memory_space<vmem>>, vector<1x1x16xf32>,
        %parallel_loop3A_746 = vector.shape_cast %parallel_loop3A_745 : vector<1x1x16xf32> to vector<16xf32>
        %parallel_loop3A_747 = arith.addf %parallel_loop3A_746, %get3A_200 : vector<16xf32>
        %parallel_loop3A_748 = arith.constant 0 : i32
        %parallel_loop3A_749 = arith.index_cast %parallel_loop3A_748 : i32 to index
        %parallel_loop3A_750 = arith.index_cast %parallel_loop3A_460 : i32 to index
        %parallel_loop3A_751 = arith.constant 576 : index
        %parallel_loop3A_752 = tpu.vector_load %arg8[%parallel_loop3A_749, %parallel_loop3A_750, %parallel_loop3A_751] {strides = array<i32>} : memref<2x24x768xf32, #tpu.memory_space<vmem>>, vector<1x1x16xf32>,
        %parallel_loop3A_753 = vector.shape_cast %parallel_loop3A_752 : vector<1x1x16xf32> to vector<16xf32>
        %parallel_loop3A_754 = vector.shape_cast %parallel_loop3A_747 : vector<16xf32> to vector<1x1x16xf32>
        tpu.vector_store %arg8[%parallel_loop3A_749, %parallel_loop3A_750, %parallel_loop3A_751], %parallel_loop3A_754 {strides = array<i32>} : memref<2x24x768xf32, #tpu.memory_space<vmem>>, vector<1x1x16xf32>,
        %parallel_loop3A_755 = arith.constant 0 : i32
        %parallel_loop3A_756 = arith.index_cast %parallel_loop3A_755 : i32 to index
        %parallel_loop3A_757 = arith.index_cast %parallel_loop3A_460 : i32 to index
        %parallel_loop3A_758 = arith.constant 592 : index
        %parallel_loop3A_759 = tpu.vector_load %arg7[%parallel_loop3A_756, %parallel_loop3A_757, %parallel_loop3A_758] {strides = array<i32>} : memref<2x24x768xf32, #tpu.memory_space<vmem>>, vector<1x1x16xf32>,
        %parallel_loop3A_760 = vector.shape_cast %parallel_loop3A_759 : vector<1x1x16xf32> to vector<16xf32>
        %parallel_loop3A_761 = arith.addf %parallel_loop3A_760, %get3A_204 : vector<16xf32>
        %parallel_loop3A_762 = arith.constant 0 : i32
        %parallel_loop3A_763 = arith.index_cast %parallel_loop3A_762 : i32 to index
        %parallel_loop3A_764 = arith.index_cast %parallel_loop3A_460 : i32 to index
        %parallel_loop3A_765 = arith.constant 592 : index
        %parallel_loop3A_766 = tpu.vector_load %arg8[%parallel_loop3A_763, %parallel_loop3A_764, %parallel_loop3A_765] {strides = array<i32>} : memref<2x24x768xf32, #tpu.memory_space<vmem>>, vector<1x1x16xf32>,
        %parallel_loop3A_767 = vector.shape_cast %parallel_loop3A_766 : vector<1x1x16xf32> to vector<16xf32>
        %parallel_loop3A_768 = vector.shape_cast %parallel_loop3A_761 : vector<16xf32> to vector<1x1x16xf32>
        tpu.vector_store %arg8[%parallel_loop3A_763, %parallel_loop3A_764, %parallel_loop3A_765], %parallel_loop3A_768 {strides = array<i32>} : memref<2x24x768xf32, #tpu.memory_space<vmem>>, vector<1x1x16xf32>,
        %parallel_loop3A_769 = arith.constant 0 : i32
        %parallel_loop3A_770 = arith.index_cast %parallel_loop3A_769 : i32 to index
        %parallel_loop3A_771 = arith.index_cast %parallel_loop3A_460 : i32 to index
        %parallel_loop3A_772 = arith.constant 608 : index
        %parallel_loop3A_773 = tpu.vector_load %arg7[%parallel_loop3A_770, %parallel_loop3A_771, %parallel_loop3A_772] {strides = array<i32>} : memref<2x24x768xf32, #tpu.memory_space<vmem>>, vector<1x1x16xf32>,
        %parallel_loop3A_774 = vector.shape_cast %parallel_loop3A_773 : vector<1x1x16xf32> to vector<16xf32>
        %parallel_loop3A_775 = arith.addf %parallel_loop3A_774, %get3A_208 : vector<16xf32>
        %parallel_loop3A_776 = arith.constant 0 : i32
        %parallel_loop3A_777 = arith.index_cast %parallel_loop3A_776 : i32 to index
        %parallel_loop3A_778 = arith.index_cast %parallel_loop3A_460 : i32 to index
        %parallel_loop3A_779 = arith.constant 608 : index
        %parallel_loop3A_780 = tpu.vector_load %arg8[%parallel_loop3A_777, %parallel_loop3A_778, %parallel_loop3A_779] {strides = array<i32>} : memref<2x24x768xf32, #tpu.memory_space<vmem>>, vector<1x1x16xf32>,
        %parallel_loop3A_781 = vector.shape_cast %parallel_loop3A_780 : vector<1x1x16xf32> to vector<16xf32>
        %parallel_loop3A_782 = vector.shape_cast %parallel_loop3A_775 : vector<16xf32> to vector<1x1x16xf32>
        tpu.vector_store %arg8[%parallel_loop3A_777, %parallel_loop3A_778, %parallel_loop3A_779], %parallel_loop3A_782 {strides = array<i32>} : memref<2x24x768xf32, #tpu.memory_space<vmem>>, vector<1x1x16xf32>,
        %parallel_loop3A_783 = arith.constant 0 : i32
        %parallel_loop3A_784 = arith.index_cast %parallel_loop3A_783 : i32 to index
        %parallel_loop3A_785 = arith.index_cast %parallel_loop3A_460 : i32 to index
        %parallel_loop3A_786 = arith.constant 624 : index
        %parallel_loop3A_787 = tpu.vector_load %arg7[%parallel_loop3A_784, %parallel_loop3A_785, %parallel_loop3A_786] {strides = array<i32>} : memref<2x24x768xf32, #tpu.memory_space<vmem>>, vector<1x1x16xf32>,
        %parallel_loop3A_788 = vector.shape_cast %parallel_loop3A_787 : vector<1x1x16xf32> to vector<16xf32>
        %parallel_loop3A_789 = arith.addf %parallel_loop3A_788, %get3A_212 : vector<16xf32>
        %parallel_loop3A_790 = arith.constant 0 : i32
        %parallel_loop3A_791 = arith.index_cast %parallel_loop3A_790 : i32 to index
        %parallel_loop3A_792 = arith.index_cast %parallel_loop3A_460 : i32 to index
        %parallel_loop3A_793 = arith.constant 624 : index
        %parallel_loop3A_794 = tpu.vector_load %arg8[%parallel_loop3A_791, %parallel_loop3A_792, %parallel_loop3A_793] {strides = array<i32>} : memref<2x24x768xf32, #tpu.memory_space<vmem>>, vector<1x1x16xf32>,
        %parallel_loop3A_795 = vector.shape_cast %parallel_loop3A_794 : vector<1x1x16xf32> to vector<16xf32>
        %parallel_loop3A_796 = vector.shape_cast %parallel_loop3A_789 : vector<16xf32> to vector<1x1x16xf32>
        tpu.vector_store %arg8[%parallel_loop3A_791, %parallel_loop3A_792, %parallel_loop3A_793], %parallel_loop3A_796 {strides = array<i32>} : memref<2x24x768xf32, #tpu.memory_space<vmem>>, vector<1x1x16xf32>,
        %parallel_loop3A_797 = arith.constant 0 : i32
        %parallel_loop3A_798 = arith.index_cast %parallel_loop3A_797 : i32 to index
        %parallel_loop3A_799 = arith.index_cast %parallel_loop3A_460 : i32 to index
        %parallel_loop3A_800 = arith.constant 640 : index
        %parallel_loop3A_801 = tpu.vector_load %arg7[%parallel_loop3A_798, %parallel_loop3A_799, %parallel_loop3A_800] {strides = array<i32>} : memref<2x24x768xf32, #tpu.memory_space<vmem>>, vector<1x1x16xf32>,
        %parallel_loop3A_802 = vector.shape_cast %parallel_loop3A_801 : vector<1x1x16xf32> to vector<16xf32>
        %parallel_loop3A_803 = arith.addf %parallel_loop3A_802, %get3A_216 : vector<16xf32>
        %parallel_loop3A_804 = arith.constant 0 : i32
        %parallel_loop3A_805 = arith.index_cast %parallel_loop3A_804 : i32 to index
        %parallel_loop3A_806 = arith.index_cast %parallel_loop3A_460 : i32 to index
        %parallel_loop3A_807 = arith.constant 640 : index
        %parallel_loop3A_808 = tpu.vector_load %arg8[%parallel_loop3A_805, %parallel_loop3A_806, %parallel_loop3A_807] {strides = array<i32>} : memref<2x24x768xf32, #tpu.memory_space<vmem>>, vector<1x1x16xf32>,
        %parallel_loop3A_809 = vector.shape_cast %parallel_loop3A_808 : vector<1x1x16xf32> to vector<16xf32>
        %parallel_loop3A_810 = vector.shape_cast %parallel_loop3A_803 : vector<16xf32> to vector<1x1x16xf32>
        tpu.vector_store %arg8[%parallel_loop3A_805, %parallel_loop3A_806, %parallel_loop3A_807], %parallel_loop3A_810 {strides = array<i32>} : memref<2x24x768xf32, #tpu.memory_space<vmem>>, vector<1x1x16xf32>,
        %parallel_loop3A_811 = arith.constant 0 : i32
        %parallel_loop3A_812 = arith.index_cast %parallel_loop3A_811 : i32 to index
        %parallel_loop3A_813 = arith.index_cast %parallel_loop3A_460 : i32 to index
        %parallel_loop3A_814 = arith.constant 656 : index
        %parallel_loop3A_815 = tpu.vector_load %arg7[%parallel_loop3A_812, %parallel_loop3A_813, %parallel_loop3A_814] {strides = array<i32>} : memref<2x24x768xf32, #tpu.memory_space<vmem>>, vector<1x1x16xf32>,
        %parallel_loop3A_816 = vector.shape_cast %parallel_loop3A_815 : vector<1x1x16xf32> to vector<16xf32>
        %parallel_loop3A_817 = arith.addf %parallel_loop3A_816, %get3A_220 : vector<16xf32>
        %parallel_loop3A_818 = arith.constant 0 : i32
        %parallel_loop3A_819 = arith.index_cast %parallel_loop3A_818 : i32 to index
        %parallel_loop3A_820 = arith.index_cast %parallel_loop3A_460 : i32 to index
        %parallel_loop3A_821 = arith.constant 656 : index
        %parallel_loop3A_822 = tpu.vector_load %arg8[%parallel_loop3A_819, %parallel_loop3A_820, %parallel_loop3A_821] {strides = array<i32>} : memref<2x24x768xf32, #tpu.memory_space<vmem>>, vector<1x1x16xf32>,
        %parallel_loop3A_823 = vector.shape_cast %parallel_loop3A_822 : vector<1x1x16xf32> to vector<16xf32>
        %parallel_loop3A_824 = vector.shape_cast %parallel_loop3A_817 : vector<16xf32> to vector<1x1x16xf32>
        tpu.vector_store %arg8[%parallel_loop3A_819, %parallel_loop3A_820, %parallel_loop3A_821], %parallel_loop3A_824 {strides = array<i32>} : memref<2x24x768xf32, #tpu.memory_space<vmem>>, vector<1x1x16xf32>,
        %parallel_loop3A_825 = arith.constant 0 : i32
        %parallel_loop3A_826 = arith.index_cast %parallel_loop3A_825 : i32 to index
        %parallel_loop3A_827 = arith.index_cast %parallel_loop3A_460 : i32 to index
        %parallel_loop3A_828 = arith.constant 672 : index
        %parallel_loop3A_829 = tpu.vector_load %arg7[%parallel_loop3A_826, %parallel_loop3A_827, %parallel_loop3A_828] {strides = array<i32>} : memref<2x24x768xf32, #tpu.memory_space<vmem>>, vector<1x1x16xf32>,
        %parallel_loop3A_830 = vector.shape_cast %parallel_loop3A_829 : vector<1x1x16xf32> to vector<16xf32>
        %parallel_loop3A_831 = arith.addf %parallel_loop3A_830, %get3A_224 : vector<16xf32>
        %parallel_loop3A_832 = arith.constant 0 : i32
        %parallel_loop3A_833 = arith.index_cast %parallel_loop3A_832 : i32 to index
        %parallel_loop3A_834 = arith.index_cast %parallel_loop3A_460 : i32 to index
        %parallel_loop3A_835 = arith.constant 672 : index
        %parallel_loop3A_836 = tpu.vector_load %arg8[%parallel_loop3A_833, %parallel_loop3A_834, %parallel_loop3A_835] {strides = array<i32>} : memref<2x24x768xf32, #tpu.memory_space<vmem>>, vector<1x1x16xf32>,
        %parallel_loop3A_837 = vector.shape_cast %parallel_loop3A_836 : vector<1x1x16xf32> to vector<16xf32>
        %parallel_loop3A_838 = vector.shape_cast %parallel_loop3A_831 : vector<16xf32> to vector<1x1x16xf32>
        tpu.vector_store %arg8[%parallel_loop3A_833, %parallel_loop3A_834, %parallel_loop3A_835], %parallel_loop3A_838 {strides = array<i32>} : memref<2x24x768xf32, #tpu.memory_space<vmem>>, vector<1x1x16xf32>,
        %parallel_loop3A_839 = arith.constant 0 : i32
        %parallel_loop3A_840 = arith.index_cast %parallel_loop3A_839 : i32 to index
        %parallel_loop3A_841 = arith.index_cast %parallel_loop3A_460 : i32 to index
        %parallel_loop3A_842 = arith.constant 688 : index
        %parallel_loop3A_843 = tpu.vector_load %arg7[%parallel_loop3A_840, %parallel_loop3A_841, %parallel_loop3A_842] {strides = array<i32>} : memref<2x24x768xf32, #tpu.memory_space<vmem>>, vector<1x1x16xf32>,
        %parallel_loop3A_844 = vector.shape_cast %parallel_loop3A_843 : vector<1x1x16xf32> to vector<16xf32>
        %parallel_loop3A_845 = arith.addf %parallel_loop3A_844, %get3A_228 : vector<16xf32>
        %parallel_loop3A_846 = arith.constant 0 : i32
        %parallel_loop3A_847 = arith.index_cast %parallel_loop3A_846 : i32 to index
        %parallel_loop3A_848 = arith.index_cast %parallel_loop3A_460 : i32 to index
        %parallel_loop3A_849 = arith.constant 688 : index
        %parallel_loop3A_850 = tpu.vector_load %arg8[%parallel_loop3A_847, %parallel_loop3A_848, %parallel_loop3A_849] {strides = array<i32>} : memref<2x24x768xf32, #tpu.memory_space<vmem>>, vector<1x1x16xf32>,
        %parallel_loop3A_851 = vector.shape_cast %parallel_loop3A_850 : vector<1x1x16xf32> to vector<16xf32>
        %parallel_loop3A_852 = vector.shape_cast %parallel_loop3A_845 : vector<16xf32> to vector<1x1x16xf32>
        tpu.vector_store %arg8[%parallel_loop3A_847, %parallel_loop3A_848, %parallel_loop3A_849], %parallel_loop3A_852 {strides = array<i32>} : memref<2x24x768xf32, #tpu.memory_space<vmem>>, vector<1x1x16xf32>,
        %parallel_loop3A_853 = arith.constant 0 : i32
        %parallel_loop3A_854 = arith.index_cast %parallel_loop3A_853 : i32 to index
        %parallel_loop3A_855 = arith.index_cast %parallel_loop3A_460 : i32 to index
        %parallel_loop3A_856 = arith.constant 704 : index
        %parallel_loop3A_857 = tpu.vector_load %arg7[%parallel_loop3A_854, %parallel_loop3A_855, %parallel_loop3A_856] {strides = array<i32>} : memref<2x24x768xf32, #tpu.memory_space<vmem>>, vector<1x1x16xf32>,
        %parallel_loop3A_858 = vector.shape_cast %parallel_loop3A_857 : vector<1x1x16xf32> to vector<16xf32>
        %parallel_loop3A_859 = arith.addf %parallel_loop3A_858, %get3A_232 : vector<16xf32>
        %parallel_loop3A_860 = arith.constant 0 : i32
        %parallel_loop3A_861 = arith.index_cast %parallel_loop3A_860 : i32 to index
        %parallel_loop3A_862 = arith.index_cast %parallel_loop3A_460 : i32 to index
        %parallel_loop3A_863 = arith.constant 704 : index
        %parallel_loop3A_864 = tpu.vector_load %arg8[%parallel_loop3A_861, %parallel_loop3A_862, %parallel_loop3A_863] {strides = array<i32>} : memref<2x24x768xf32, #tpu.memory_space<vmem>>, vector<1x1x16xf32>,
        %parallel_loop3A_865 = vector.shape_cast %parallel_loop3A_864 : vector<1x1x16xf32> to vector<16xf32>
        %parallel_loop3A_866 = vector.shape_cast %parallel_loop3A_859 : vector<16xf32> to vector<1x1x16xf32>
        tpu.vector_store %arg8[%parallel_loop3A_861, %parallel_loop3A_862, %parallel_loop3A_863], %parallel_loop3A_866 {strides = array<i32>} : memref<2x24x768xf32, #tpu.memory_space<vmem>>, vector<1x1x16xf32>,
        %parallel_loop3A_867 = arith.constant 0 : i32
        %parallel_loop3A_868 = arith.index_cast %parallel_loop3A_867 : i32 to index
        %parallel_loop3A_869 = arith.index_cast %parallel_loop3A_460 : i32 to index
        %parallel_loop3A_870 = arith.constant 720 : index
        %parallel_loop3A_871 = tpu.vector_load %arg7[%parallel_loop3A_868, %parallel_loop3A_869, %parallel_loop3A_870] {strides = array<i32>} : memref<2x24x768xf32, #tpu.memory_space<vmem>>, vector<1x1x16xf32>,
        %parallel_loop3A_872 = vector.shape_cast %parallel_loop3A_871 : vector<1x1x16xf32> to vector<16xf32>
        %parallel_loop3A_873 = arith.addf %parallel_loop3A_872, %get3A_236 : vector<16xf32>
        %parallel_loop3A_874 = arith.constant 0 : i32
        %parallel_loop3A_875 = arith.index_cast %parallel_loop3A_874 : i32 to index
        %parallel_loop3A_876 = arith.index_cast %parallel_loop3A_460 : i32 to index
        %parallel_loop3A_877 = arith.constant 720 : index
        %parallel_loop3A_878 = tpu.vector_load %arg8[%parallel_loop3A_875, %parallel_loop3A_876, %parallel_loop3A_877] {strides = array<i32>} : memref<2x24x768xf32, #tpu.memory_space<vmem>>, vector<1x1x16xf32>,
        %parallel_loop3A_879 = vector.shape_cast %parallel_loop3A_878 : vector<1x1x16xf32> to vector<16xf32>
        %parallel_loop3A_880 = vector.shape_cast %parallel_loop3A_873 : vector<16xf32> to vector<1x1x16xf32>
        tpu.vector_store %arg8[%parallel_loop3A_875, %parallel_loop3A_876, %parallel_loop3A_877], %parallel_loop3A_880 {strides = array<i32>} : memref<2x24x768xf32, #tpu.memory_space<vmem>>, vector<1x1x16xf32>,
        %parallel_loop3A_881 = arith.constant 0 : i32
        %parallel_loop3A_882 = arith.index_cast %parallel_loop3A_881 : i32 to index
        %parallel_loop3A_883 = arith.index_cast %parallel_loop3A_460 : i32 to index
        %parallel_loop3A_884 = arith.constant 736 : index
        %parallel_loop3A_885 = tpu.vector_load %arg7[%parallel_loop3A_882, %parallel_loop3A_883, %parallel_loop3A_884] {strides = array<i32>} : memref<2x24x768xf32, #tpu.memory_space<vmem>>, vector<1x1x16xf32>,
        %parallel_loop3A_886 = vector.shape_cast %parallel_loop3A_885 : vector<1x1x16xf32> to vector<16xf32>
        %parallel_loop3A_887 = arith.addf %parallel_loop3A_886, %get3A_240 : vector<16xf32>
        %parallel_loop3A_888 = arith.constant 0 : i32
        %parallel_loop3A_889 = arith.index_cast %parallel_loop3A_888 : i32 to index
        %parallel_loop3A_890 = arith.index_cast %parallel_loop3A_460 : i32 to index
        %parallel_loop3A_891 = arith.constant 736 : index
        %parallel_loop3A_892 = tpu.vector_load %arg8[%parallel_loop3A_889, %parallel_loop3A_890, %parallel_loop3A_891] {strides = array<i32>} : memref<2x24x768xf32, #tpu.memory_space<vmem>>, vector<1x1x16xf32>,
        %parallel_loop3A_893 = vector.shape_cast %parallel_loop3A_892 : vector<1x1x16xf32> to vector<16xf32>
        %parallel_loop3A_894 = vector.shape_cast %parallel_loop3A_887 : vector<16xf32> to vector<1x1x16xf32>
        tpu.vector_store %arg8[%parallel_loop3A_889, %parallel_loop3A_890, %parallel_loop3A_891], %parallel_loop3A_894 {strides = array<i32>} : memref<2x24x768xf32, #tpu.memory_space<vmem>>, vector<1x1x16xf32>,
        %parallel_loop3A_895 = arith.constant 0 : i32
        %parallel_loop3A_896 = arith.index_cast %parallel_loop3A_895 : i32 to index
        %parallel_loop3A_897 = arith.index_cast %parallel_loop3A_460 : i32 to index
        %parallel_loop3A_898 = arith.constant 752 : index
        %parallel_loop3A_899 = tpu.vector_load %arg7[%parallel_loop3A_896, %parallel_loop3A_897, %parallel_loop3A_898] {strides = array<i32>} : memref<2x24x768xf32, #tpu.memory_space<vmem>>, vector<1x1x16xf32>,
        %parallel_loop3A_900 = vector.shape_cast %parallel_loop3A_899 : vector<1x1x16xf32> to vector<16xf32>
        %parallel_loop3A_901 = arith.addf %parallel_loop3A_900, %get3A_244 : vector<16xf32>
        %parallel_loop3A_902 = arith.constant 0 : i32
        %parallel_loop3A_903 = arith.index_cast %parallel_loop3A_902 : i32 to index
        %parallel_loop3A_904 = arith.index_cast %parallel_loop3A_460 : i32 to index
        %parallel_loop3A_905 = arith.constant 752 : index
        %parallel_loop3A_906 = tpu.vector_load %arg8[%parallel_loop3A_903, %parallel_loop3A_904, %parallel_loop3A_905] {strides = array<i32>} : memref<2x24x768xf32, #tpu.memory_space<vmem>>, vector<1x1x16xf32>,
        %parallel_loop3A_907 = vector.shape_cast %parallel_loop3A_906 : vector<1x1x16xf32> to vector<16xf32>
        %parallel_loop3A_908 = vector.shape_cast %parallel_loop3A_901 : vector<16xf32> to vector<1x1x16xf32>
        tpu.vector_store %arg8[%parallel_loop3A_903, %parallel_loop3A_904, %parallel_loop3A_905], %parallel_loop3A_908 {strides = array<i32>} : memref<2x24x768xf32, #tpu.memory_space<vmem>>, vector<1x1x16xf32>,
      } {sc.loop_unroll_factor = 1 : i64, sc.parallel_access}
      %parallel_loop3A_247 = arith.constant 0 : i32
      %parallel_loop3A_248 = arith.constant 24 : i32
      %parallel_loop3A_249 = arith.constant 1 : i32
      scf.for %parallel_loop3A_460 = %parallel_loop3A_247 to %parallel_loop3A_248 step %parallel_loop3A_249  : i32 {
        %parallel_loop3A_461 = arith.constant 0 : i32
        %parallel_loop3A_462 = arith.index_cast %parallel_loop3A_461 : i32 to index
        %parallel_loop3A_463 = arith.index_cast %parallel_loop3A_460 : i32 to index
        %parallel_loop3A_464 = arith.constant 256 : index
        %parallel_loop3A_465 = tpu.vector_load %arg7[%parallel_loop3A_462, %parallel_loop3A_463, %parallel_loop3A_464] {strides = array<i32>} : memref<2x24x768xf32, #tpu.memory_space<vmem>>, vector<1x1x16xf32>,
        %parallel_loop3A_466 = vector.shape_cast %parallel_loop3A_465 : vector<1x1x16xf32> to vector<16xf32>
        %parallel_loop3A_467 = arith.index_cast %parallel_loop3A_460 : i32 to index
        %parallel_loop3A_468 = arith.constant 0 : index
        %parallel_loop3A_469 = tpu.vector_load %arg11[%parallel_loop3A_467, %parallel_loop3A_468] {strides = array<i32>} : memref<24x256xf32, #tpu.memory_space<vmem>>, vector<1x16xf32>,
        %parallel_loop3A_470 = vector.shape_cast %parallel_loop3A_469 : vector<1x16xf32> to vector<16xf32>
        %parallel_loop3A_471 = arith.addf %parallel_loop3A_466, %parallel_loop3A_470 : vector<16xf32>
        %parallel_loop3A_472 = arith.constant 0 : i32
        %parallel_loop3A_473 = arith.index_cast %parallel_loop3A_472 : i32 to index
        %parallel_loop3A_474 = arith.index_cast %parallel_loop3A_460 : i32 to index
        %parallel_loop3A_475 = arith.constant 256 : index
        %parallel_loop3A_476 = tpu.vector_load %arg8[%parallel_loop3A_473, %parallel_loop3A_474, %parallel_loop3A_475] {strides = array<i32>} : memref<2x24x768xf32, #tpu.memory_space<vmem>>, vector<1x1x16xf32>,
        %parallel_loop3A_477 = vector.shape_cast %parallel_loop3A_476 : vector<1x1x16xf32> to vector<16xf32>
        %parallel_loop3A_478 = vector.shape_cast %parallel_loop3A_471 : vector<16xf32> to vector<1x1x16xf32>
        tpu.vector_store %arg8[%parallel_loop3A_473, %parallel_loop3A_474, %parallel_loop3A_475], %parallel_loop3A_478 {strides = array<i32>} : memref<2x24x768xf32, #tpu.memory_space<vmem>>, vector<1x1x16xf32>,
        %parallel_loop3A_479 = arith.constant 0 : i32
        %parallel_loop3A_480 = arith.index_cast %parallel_loop3A_479 : i32 to index
        %parallel_loop3A_481 = arith.index_cast %parallel_loop3A_460 : i32 to index
        %parallel_loop3A_482 = arith.constant 272 : index
        %parallel_loop3A_483 = tpu.vector_load %arg7[%parallel_loop3A_480, %parallel_loop3A_481, %parallel_loop3A_482] {strides = array<i32>} : memref<2x24x768xf32, #tpu.memory_space<vmem>>, vector<1x1x16xf32>,
        %parallel_loop3A_484 = vector.shape_cast %parallel_loop3A_483 : vector<1x1x16xf32> to vector<16xf32>
        %parallel_loop3A_485 = arith.index_cast %parallel_loop3A_460 : i32 to index
        %parallel_loop3A_486 = arith.constant 16 : index
        %parallel_loop3A_487 = tpu.vector_load %arg11[%parallel_loop3A_485, %parallel_loop3A_486] {strides = array<i32>} : memref<24x256xf32, #tpu.memory_space<vmem>>, vector<1x16xf32>,
        %parallel_loop3A_488 = vector.shape_cast %parallel_loop3A_487 : vector<1x16xf32> to vector<16xf32>
        %parallel_loop3A_489 = arith.addf %parallel_loop3A_484, %parallel_loop3A_488 : vector<16xf32>
        %parallel_loop3A_490 = arith.constant 0 : i32
        %parallel_loop3A_491 = arith.index_cast %parallel_loop3A_490 : i32 to index
        %parallel_loop3A_492 = arith.index_cast %parallel_loop3A_460 : i32 to index
        %parallel_loop3A_493 = arith.constant 272 : index
        %parallel_loop3A_494 = tpu.vector_load %arg8[%parallel_loop3A_491, %parallel_loop3A_492, %parallel_loop3A_493] {strides = array<i32>} : memref<2x24x768xf32, #tpu.memory_space<vmem>>, vector<1x1x16xf32>,
        %parallel_loop3A_495 = vector.shape_cast %parallel_loop3A_494 : vector<1x1x16xf32> to vector<16xf32>
        %parallel_loop3A_496 = vector.shape_cast %parallel_loop3A_489 : vector<16xf32> to vector<1x1x16xf32>
        tpu.vector_store %arg8[%parallel_loop3A_491, %parallel_loop3A_492, %parallel_loop3A_493], %parallel_loop3A_496 {strides = array<i32>} : memref<2x24x768xf32, #tpu.memory_space<vmem>>, vector<1x1x16xf32>,
        %parallel_loop3A_497 = arith.constant 0 : i32
        %parallel_loop3A_498 = arith.index_cast %parallel_loop3A_497 : i32 to index
        %parallel_loop3A_499 = arith.index_cast %parallel_loop3A_460 : i32 to index
        %parallel_loop3A_500 = arith.constant 288 : index
        %parallel_loop3A_501 = tpu.vector_load %arg7[%parallel_loop3A_498, %parallel_loop3A_499, %parallel_loop3A_500] {strides = array<i32>} : memref<2x24x768xf32, #tpu.memory_space<vmem>>, vector<1x1x16xf32>,
        %parallel_loop3A_502 = vector.shape_cast %parallel_loop3A_501 : vector<1x1x16xf32> to vector<16xf32>
        %parallel_loop3A_503 = arith.index_cast %parallel_loop3A_460 : i32 to index
        %parallel_loop3A_504 = arith.constant 32 : index
        %parallel_loop3A_505 = tpu.vector_load %arg11[%parallel_loop3A_503, %parallel_loop3A_504] {strides = array<i32>} : memref<24x256xf32, #tpu.memory_space<vmem>>, vector<1x16xf32>,
        %parallel_loop3A_506 = vector.shape_cast %parallel_loop3A_505 : vector<1x16xf32> to vector<16xf32>
        %parallel_loop3A_507 = arith.addf %parallel_loop3A_502, %parallel_loop3A_506 : vector<16xf32>
        %parallel_loop3A_508 = arith.constant 0 : i32
        %parallel_loop3A_509 = arith.index_cast %parallel_loop3A_508 : i32 to index
        %parallel_loop3A_510 = arith.index_cast %parallel_loop3A_460 : i32 to index
        %parallel_loop3A_511 = arith.constant 288 : index
        %parallel_loop3A_512 = tpu.vector_load %arg8[%parallel_loop3A_509, %parallel_loop3A_510, %parallel_loop3A_511] {strides = array<i32>} : memref<2x24x768xf32, #tpu.memory_space<vmem>>, vector<1x1x16xf32>,
        %parallel_loop3A_513 = vector.shape_cast %parallel_loop3A_512 : vector<1x1x16xf32> to vector<16xf32>
        %parallel_loop3A_514 = vector.shape_cast %parallel_loop3A_507 : vector<16xf32> to vector<1x1x16xf32>
        tpu.vector_store %arg8[%parallel_loop3A_509, %parallel_loop3A_510, %parallel_loop3A_511], %parallel_loop3A_514 {strides = array<i32>} : memref<2x24x768xf32, #tpu.memory_space<vmem>>, vector<1x1x16xf32>,
        %parallel_loop3A_515 = arith.constant 0 : i32
        %parallel_loop3A_516 = arith.index_cast %parallel_loop3A_515 : i32 to index
        %parallel_loop3A_517 = arith.index_cast %parallel_loop3A_460 : i32 to index
        %parallel_loop3A_518 = arith.constant 304 : index
        %parallel_loop3A_519 = tpu.vector_load %arg7[%parallel_loop3A_516, %parallel_loop3A_517, %parallel_loop3A_518] {strides = array<i32>} : memref<2x24x768xf32, #tpu.memory_space<vmem>>, vector<1x1x16xf32>,
        %parallel_loop3A_520 = vector.shape_cast %parallel_loop3A_519 : vector<1x1x16xf32> to vector<16xf32>
        %parallel_loop3A_521 = arith.index_cast %parallel_loop3A_460 : i32 to index
        %parallel_loop3A_522 = arith.constant 48 : index
        %parallel_loop3A_523 = tpu.vector_load %arg11[%parallel_loop3A_521, %parallel_loop3A_522] {strides = array<i32>} : memref<24x256xf32, #tpu.memory_space<vmem>>, vector<1x16xf32>,
        %parallel_loop3A_524 = vector.shape_cast %parallel_loop3A_523 : vector<1x16xf32> to vector<16xf32>
        %parallel_loop3A_525 = arith.addf %parallel_loop3A_520, %parallel_loop3A_524 : vector<16xf32>
        %parallel_loop3A_526 = arith.constant 0 : i32
        %parallel_loop3A_527 = arith.index_cast %parallel_loop3A_526 : i32 to index
        %parallel_loop3A_528 = arith.index_cast %parallel_loop3A_460 : i32 to index
        %parallel_loop3A_529 = arith.constant 304 : index
        %parallel_loop3A_530 = tpu.vector_load %arg8[%parallel_loop3A_527, %parallel_loop3A_528, %parallel_loop3A_529] {strides = array<i32>} : memref<2x24x768xf32, #tpu.memory_space<vmem>>, vector<1x1x16xf32>,
        %parallel_loop3A_531 = vector.shape_cast %parallel_loop3A_530 : vector<1x1x16xf32> to vector<16xf32>
        %parallel_loop3A_532 = vector.shape_cast %parallel_loop3A_525 : vector<16xf32> to vector<1x1x16xf32>
        tpu.vector_store %arg8[%parallel_loop3A_527, %parallel_loop3A_528, %parallel_loop3A_529], %parallel_loop3A_532 {strides = array<i32>} : memref<2x24x768xf32, #tpu.memory_space<vmem>>, vector<1x1x16xf32>,
        %parallel_loop3A_533 = arith.constant 0 : i32
        %parallel_loop3A_534 = arith.index_cast %parallel_loop3A_533 : i32 to index
        %parallel_loop3A_535 = arith.index_cast %parallel_loop3A_460 : i32 to index
        %parallel_loop3A_536 = arith.constant 320 : index
        %parallel_loop3A_537 = tpu.vector_load %arg7[%parallel_loop3A_534, %parallel_loop3A_535, %parallel_loop3A_536] {strides = array<i32>} : memref<2x24x768xf32, #tpu.memory_space<vmem>>, vector<1x1x16xf32>,
        %parallel_loop3A_538 = vector.shape_cast %parallel_loop3A_537 : vector<1x1x16xf32> to vector<16xf32>
        %parallel_loop3A_539 = arith.index_cast %parallel_loop3A_460 : i32 to index
        %parallel_loop3A_540 = arith.constant 64 : index
        %parallel_loop3A_541 = tpu.vector_load %arg11[%parallel_loop3A_539, %parallel_loop3A_540] {strides = array<i32>} : memref<24x256xf32, #tpu.memory_space<vmem>>, vector<1x16xf32>,
        %parallel_loop3A_542 = vector.shape_cast %parallel_loop3A_541 : vector<1x16xf32> to vector<16xf32>
        %parallel_loop3A_543 = arith.addf %parallel_loop3A_538, %parallel_loop3A_542 : vector<16xf32>
        %parallel_loop3A_544 = arith.constant 0 : i32
        %parallel_loop3A_545 = arith.index_cast %parallel_loop3A_544 : i32 to index
        %parallel_loop3A_546 = arith.index_cast %parallel_loop3A_460 : i32 to index
        %parallel_loop3A_547 = arith.constant 320 : index
        %parallel_loop3A_548 = tpu.vector_load %arg8[%parallel_loop3A_545, %parallel_loop3A_546, %parallel_loop3A_547] {strides = array<i32>} : memref<2x24x768xf32, #tpu.memory_space<vmem>>, vector<1x1x16xf32>,
        %parallel_loop3A_549 = vector.shape_cast %parallel_loop3A_548 : vector<1x1x16xf32> to vector<16xf32>
        %parallel_loop3A_550 = vector.shape_cast %parallel_loop3A_543 : vector<16xf32> to vector<1x1x16xf32>
        tpu.vector_store %arg8[%parallel_loop3A_545, %parallel_loop3A_546, %parallel_loop3A_547], %parallel_loop3A_550 {strides = array<i32>} : memref<2x24x768xf32, #tpu.memory_space<vmem>>, vector<1x1x16xf32>,
        %parallel_loop3A_551 = arith.constant 0 : i32
        %parallel_loop3A_552 = arith.index_cast %parallel_loop3A_551 : i32 to index
        %parallel_loop3A_553 = arith.index_cast %parallel_loop3A_460 : i32 to index
        %parallel_loop3A_554 = arith.constant 336 : index
        %parallel_loop3A_555 = tpu.vector_load %arg7[%parallel_loop3A_552, %parallel_loop3A_553, %parallel_loop3A_554] {strides = array<i32>} : memref<2x24x768xf32, #tpu.memory_space<vmem>>, vector<1x1x16xf32>,
        %parallel_loop3A_556 = vector.shape_cast %parallel_loop3A_555 : vector<1x1x16xf32> to vector<16xf32>
        %parallel_loop3A_557 = arith.index_cast %parallel_loop3A_460 : i32 to index
        %parallel_loop3A_558 = arith.constant 80 : index
        %parallel_loop3A_559 = tpu.vector_load %arg11[%parallel_loop3A_557, %parallel_loop3A_558] {strides = array<i32>} : memref<24x256xf32, #tpu.memory_space<vmem>>, vector<1x16xf32>,
        %parallel_loop3A_560 = vector.shape_cast %parallel_loop3A_559 : vector<1x16xf32> to vector<16xf32>
        %parallel_loop3A_561 = arith.addf %parallel_loop3A_556, %parallel_loop3A_560 : vector<16xf32>
        %parallel_loop3A_562 = arith.constant 0 : i32
        %parallel_loop3A_563 = arith.index_cast %parallel_loop3A_562 : i32 to index
        %parallel_loop3A_564 = arith.index_cast %parallel_loop3A_460 : i32 to index
        %parallel_loop3A_565 = arith.constant 336 : index
        %parallel_loop3A_566 = tpu.vector_load %arg8[%parallel_loop3A_563, %parallel_loop3A_564, %parallel_loop3A_565] {strides = array<i32>} : memref<2x24x768xf32, #tpu.memory_space<vmem>>, vector<1x1x16xf32>,
        %parallel_loop3A_567 = vector.shape_cast %parallel_loop3A_566 : vector<1x1x16xf32> to vector<16xf32>
        %parallel_loop3A_568 = vector.shape_cast %parallel_loop3A_561 : vector<16xf32> to vector<1x1x16xf32>
        tpu.vector_store %arg8[%parallel_loop3A_563, %parallel_loop3A_564, %parallel_loop3A_565], %parallel_loop3A_568 {strides = array<i32>} : memref<2x24x768xf32, #tpu.memory_space<vmem>>, vector<1x1x16xf32>,
        %parallel_loop3A_569 = arith.constant 0 : i32
        %parallel_loop3A_570 = arith.index_cast %parallel_loop3A_569 : i32 to index
        %parallel_loop3A_571 = arith.index_cast %parallel_loop3A_460 : i32 to index
        %parallel_loop3A_572 = arith.constant 352 : index
        %parallel_loop3A_573 = tpu.vector_load %arg7[%parallel_loop3A_570, %parallel_loop3A_571, %parallel_loop3A_572] {strides = array<i32>} : memref<2x24x768xf32, #tpu.memory_space<vmem>>, vector<1x1x16xf32>,
        %parallel_loop3A_574 = vector.shape_cast %parallel_loop3A_573 : vector<1x1x16xf32> to vector<16xf32>
        %parallel_loop3A_575 = arith.index_cast %parallel_loop3A_460 : i32 to index
        %parallel_loop3A_576 = arith.constant 96 : index
        %parallel_loop3A_577 = tpu.vector_load %arg11[%parallel_loop3A_575, %parallel_loop3A_576] {strides = array<i32>} : memref<24x256xf32, #tpu.memory_space<vmem>>, vector<1x16xf32>,
        %parallel_loop3A_578 = vector.shape_cast %parallel_loop3A_577 : vector<1x16xf32> to vector<16xf32>
        %parallel_loop3A_579 = arith.addf %parallel_loop3A_574, %parallel_loop3A_578 : vector<16xf32>
        %parallel_loop3A_580 = arith.constant 0 : i32
        %parallel_loop3A_581 = arith.index_cast %parallel_loop3A_580 : i32 to index
        %parallel_loop3A_582 = arith.index_cast %parallel_loop3A_460 : i32 to index
        %parallel_loop3A_583 = arith.constant 352 : index
        %parallel_loop3A_584 = tpu.vector_load %arg8[%parallel_loop3A_581, %parallel_loop3A_582, %parallel_loop3A_583] {strides = array<i32>} : memref<2x24x768xf32, #tpu.memory_space<vmem>>, vector<1x1x16xf32>,
        %parallel_loop3A_585 = vector.shape_cast %parallel_loop3A_584 : vector<1x1x16xf32> to vector<16xf32>
        %parallel_loop3A_586 = vector.shape_cast %parallel_loop3A_579 : vector<16xf32> to vector<1x1x16xf32>
        tpu.vector_store %arg8[%parallel_loop3A_581, %parallel_loop3A_582, %parallel_loop3A_583], %parallel_loop3A_586 {strides = array<i32>} : memref<2x24x768xf32, #tpu.memory_space<vmem>>, vector<1x1x16xf32>,
        %parallel_loop3A_587 = arith.constant 0 : i32
        %parallel_loop3A_588 = arith.index_cast %parallel_loop3A_587 : i32 to index
        %parallel_loop3A_589 = arith.index_cast %parallel_loop3A_460 : i32 to index
        %parallel_loop3A_590 = arith.constant 368 : index
        %parallel_loop3A_591 = tpu.vector_load %arg7[%parallel_loop3A_588, %parallel_loop3A_589, %parallel_loop3A_590] {strides = array<i32>} : memref<2x24x768xf32, #tpu.memory_space<vmem>>, vector<1x1x16xf32>,
        %parallel_loop3A_592 = vector.shape_cast %parallel_loop3A_591 : vector<1x1x16xf32> to vector<16xf32>
        %parallel_loop3A_593 = arith.index_cast %parallel_loop3A_460 : i32 to index
        %parallel_loop3A_594 = arith.constant 112 : index
        %parallel_loop3A_595 = tpu.vector_load %arg11[%parallel_loop3A_593, %parallel_loop3A_594] {strides = array<i32>} : memref<24x256xf32, #tpu.memory_space<vmem>>, vector<1x16xf32>,
        %parallel_loop3A_596 = vector.shape_cast %parallel_loop3A_595 : vector<1x16xf32> to vector<16xf32>
        %parallel_loop3A_597 = arith.addf %parallel_loop3A_592, %parallel_loop3A_596 : vector<16xf32>
        %parallel_loop3A_598 = arith.constant 0 : i32
        %parallel_loop3A_599 = arith.index_cast %parallel_loop3A_598 : i32 to index
        %parallel_loop3A_600 = arith.index_cast %parallel_loop3A_460 : i32 to index
        %parallel_loop3A_601 = arith.constant 368 : index
        %parallel_loop3A_602 = tpu.vector_load %arg8[%parallel_loop3A_599, %parallel_loop3A_600, %parallel_loop3A_601] {strides = array<i32>} : memref<2x24x768xf32, #tpu.memory_space<vmem>>, vector<1x1x16xf32>,
        %parallel_loop3A_603 = vector.shape_cast %parallel_loop3A_602 : vector<1x1x16xf32> to vector<16xf32>
        %parallel_loop3A_604 = vector.shape_cast %parallel_loop3A_597 : vector<16xf32> to vector<1x1x16xf32>
        tpu.vector_store %arg8[%parallel_loop3A_599, %parallel_loop3A_600, %parallel_loop3A_601], %parallel_loop3A_604 {strides = array<i32>} : memref<2x24x768xf32, #tpu.memory_space<vmem>>, vector<1x1x16xf32>,
        %parallel_loop3A_605 = arith.constant 0 : i32
        %parallel_loop3A_606 = arith.index_cast %parallel_loop3A_605 : i32 to index
        %parallel_loop3A_607 = arith.index_cast %parallel_loop3A_460 : i32 to index
        %parallel_loop3A_608 = arith.constant 384 : index
        %parallel_loop3A_609 = tpu.vector_load %arg7[%parallel_loop3A_606, %parallel_loop3A_607, %parallel_loop3A_608] {strides = array<i32>} : memref<2x24x768xf32, #tpu.memory_space<vmem>>, vector<1x1x16xf32>,
        %parallel_loop3A_610 = vector.shape_cast %parallel_loop3A_609 : vector<1x1x16xf32> to vector<16xf32>
        %parallel_loop3A_611 = arith.index_cast %parallel_loop3A_460 : i32 to index
        %parallel_loop3A_612 = arith.constant 128 : index
        %parallel_loop3A_613 = tpu.vector_load %arg11[%parallel_loop3A_611, %parallel_loop3A_612] {strides = array<i32>} : memref<24x256xf32, #tpu.memory_space<vmem>>, vector<1x16xf32>,
        %parallel_loop3A_614 = vector.shape_cast %parallel_loop3A_613 : vector<1x16xf32> to vector<16xf32>
        %parallel_loop3A_615 = arith.addf %parallel_loop3A_610, %parallel_loop3A_614 : vector<16xf32>
        %parallel_loop3A_616 = arith.constant 0 : i32
        %parallel_loop3A_617 = arith.index_cast %parallel_loop3A_616 : i32 to index
        %parallel_loop3A_618 = arith.index_cast %parallel_loop3A_460 : i32 to index
        %parallel_loop3A_619 = arith.constant 384 : index
        %parallel_loop3A_620 = tpu.vector_load %arg8[%parallel_loop3A_617, %parallel_loop3A_618, %parallel_loop3A_619] {strides = array<i32>} : memref<2x24x768xf32, #tpu.memory_space<vmem>>, vector<1x1x16xf32>,
        %parallel_loop3A_621 = vector.shape_cast %parallel_loop3A_620 : vector<1x1x16xf32> to vector<16xf32>
        %parallel_loop3A_622 = vector.shape_cast %parallel_loop3A_615 : vector<16xf32> to vector<1x1x16xf32>
        tpu.vector_store %arg8[%parallel_loop3A_617, %parallel_loop3A_618, %parallel_loop3A_619], %parallel_loop3A_622 {strides = array<i32>} : memref<2x24x768xf32, #tpu.memory_space<vmem>>, vector<1x1x16xf32>,
        %parallel_loop3A_623 = arith.constant 0 : i32
        %parallel_loop3A_624 = arith.index_cast %parallel_loop3A_623 : i32 to index
        %parallel_loop3A_625 = arith.index_cast %parallel_loop3A_460 : i32 to index
        %parallel_loop3A_626 = arith.constant 400 : index
        %parallel_loop3A_627 = tpu.vector_load %arg7[%parallel_loop3A_624, %parallel_loop3A_625, %parallel_loop3A_626] {strides = array<i32>} : memref<2x24x768xf32, #tpu.memory_space<vmem>>, vector<1x1x16xf32>,
        %parallel_loop3A_628 = vector.shape_cast %parallel_loop3A_627 : vector<1x1x16xf32> to vector<16xf32>
        %parallel_loop3A_629 = arith.index_cast %parallel_loop3A_460 : i32 to index
        %parallel_loop3A_630 = arith.constant 144 : index
        %parallel_loop3A_631 = tpu.vector_load %arg11[%parallel_loop3A_629, %parallel_loop3A_630] {strides = array<i32>} : memref<24x256xf32, #tpu.memory_space<vmem>>, vector<1x16xf32>,
        %parallel_loop3A_632 = vector.shape_cast %parallel_loop3A_631 : vector<1x16xf32> to vector<16xf32>
        %parallel_loop3A_633 = arith.addf %parallel_loop3A_628, %parallel_loop3A_632 : vector<16xf32>
        %parallel_loop3A_634 = arith.constant 0 : i32
        %parallel_loop3A_635 = arith.index_cast %parallel_loop3A_634 : i32 to index
        %parallel_loop3A_636 = arith.index_cast %parallel_loop3A_460 : i32 to index
        %parallel_loop3A_637 = arith.constant 400 : index
        %parallel_loop3A_638 = tpu.vector_load %arg8[%parallel_loop3A_635, %parallel_loop3A_636, %parallel_loop3A_637] {strides = array<i32>} : memref<2x24x768xf32, #tpu.memory_space<vmem>>, vector<1x1x16xf32>,
        %parallel_loop3A_639 = vector.shape_cast %parallel_loop3A_638 : vector<1x1x16xf32> to vector<16xf32>
        %parallel_loop3A_640 = vector.shape_cast %parallel_loop3A_633 : vector<16xf32> to vector<1x1x16xf32>
        tpu.vector_store %arg8[%parallel_loop3A_635, %parallel_loop3A_636, %parallel_loop3A_637], %parallel_loop3A_640 {strides = array<i32>} : memref<2x24x768xf32, #tpu.memory_space<vmem>>, vector<1x1x16xf32>,
        %parallel_loop3A_641 = arith.constant 0 : i32
        %parallel_loop3A_642 = arith.index_cast %parallel_loop3A_641 : i32 to index
        %parallel_loop3A_643 = arith.index_cast %parallel_loop3A_460 : i32 to index
        %parallel_loop3A_644 = arith.constant 416 : index
        %parallel_loop3A_645 = tpu.vector_load %arg7[%parallel_loop3A_642, %parallel_loop3A_643, %parallel_loop3A_644] {strides = array<i32>} : memref<2x24x768xf32, #tpu.memory_space<vmem>>, vector<1x1x16xf32>,
        %parallel_loop3A_646 = vector.shape_cast %parallel_loop3A_645 : vector<1x1x16xf32> to vector<16xf32>
        %parallel_loop3A_647 = arith.index_cast %parallel_loop3A_460 : i32 to index
        %parallel_loop3A_648 = arith.constant 160 : index
        %parallel_loop3A_649 = tpu.vector_load %arg11[%parallel_loop3A_647, %parallel_loop3A_648] {strides = array<i32>} : memref<24x256xf32, #tpu.memory_space<vmem>>, vector<1x16xf32>,
        %parallel_loop3A_650 = vector.shape_cast %parallel_loop3A_649 : vector<1x16xf32> to vector<16xf32>
        %parallel_loop3A_651 = arith.addf %parallel_loop3A_646, %parallel_loop3A_650 : vector<16xf32>
        %parallel_loop3A_652 = arith.constant 0 : i32
        %parallel_loop3A_653 = arith.index_cast %parallel_loop3A_652 : i32 to index
        %parallel_loop3A_654 = arith.index_cast %parallel_loop3A_460 : i32 to index
        %parallel_loop3A_655 = arith.constant 416 : index
        %parallel_loop3A_656 = tpu.vector_load %arg8[%parallel_loop3A_653, %parallel_loop3A_654, %parallel_loop3A_655] {strides = array<i32>} : memref<2x24x768xf32, #tpu.memory_space<vmem>>, vector<1x1x16xf32>,
        %parallel_loop3A_657 = vector.shape_cast %parallel_loop3A_656 : vector<1x1x16xf32> to vector<16xf32>
        %parallel_loop3A_658 = vector.shape_cast %parallel_loop3A_651 : vector<16xf32> to vector<1x1x16xf32>
        tpu.vector_store %arg8[%parallel_loop3A_653, %parallel_loop3A_654, %parallel_loop3A_655], %parallel_loop3A_658 {strides = array<i32>} : memref<2x24x768xf32, #tpu.memory_space<vmem>>, vector<1x1x16xf32>,
        %parallel_loop3A_659 = arith.constant 0 : i32
        %parallel_loop3A_660 = arith.index_cast %parallel_loop3A_659 : i32 to index
        %parallel_loop3A_661 = arith.index_cast %parallel_loop3A_460 : i32 to index
        %parallel_loop3A_662 = arith.constant 432 : index
        %parallel_loop3A_663 = tpu.vector_load %arg7[%parallel_loop3A_660, %parallel_loop3A_661, %parallel_loop3A_662] {strides = array<i32>} : memref<2x24x768xf32, #tpu.memory_space<vmem>>, vector<1x1x16xf32>,
        %parallel_loop3A_664 = vector.shape_cast %parallel_loop3A_663 : vector<1x1x16xf32> to vector<16xf32>
        %parallel_loop3A_665 = arith.index_cast %parallel_loop3A_460 : i32 to index
        %parallel_loop3A_666 = arith.constant 176 : index
        %parallel_loop3A_667 = tpu.vector_load %arg11[%parallel_loop3A_665, %parallel_loop3A_666] {strides = array<i32>} : memref<24x256xf32, #tpu.memory_space<vmem>>, vector<1x16xf32>,
        %parallel_loop3A_668 = vector.shape_cast %parallel_loop3A_667 : vector<1x16xf32> to vector<16xf32>
        %parallel_loop3A_669 = arith.addf %parallel_loop3A_664, %parallel_loop3A_668 : vector<16xf32>
        %parallel_loop3A_670 = arith.constant 0 : i32
        %parallel_loop3A_671 = arith.index_cast %parallel_loop3A_670 : i32 to index
        %parallel_loop3A_672 = arith.index_cast %parallel_loop3A_460 : i32 to index
        %parallel_loop3A_673 = arith.constant 432 : index
        %parallel_loop3A_674 = tpu.vector_load %arg8[%parallel_loop3A_671, %parallel_loop3A_672, %parallel_loop3A_673] {strides = array<i32>} : memref<2x24x768xf32, #tpu.memory_space<vmem>>, vector<1x1x16xf32>,
        %parallel_loop3A_675 = vector.shape_cast %parallel_loop3A_674 : vector<1x1x16xf32> to vector<16xf32>
        %parallel_loop3A_676 = vector.shape_cast %parallel_loop3A_669 : vector<16xf32> to vector<1x1x16xf32>
        tpu.vector_store %arg8[%parallel_loop3A_671, %parallel_loop3A_672, %parallel_loop3A_673], %parallel_loop3A_676 {strides = array<i32>} : memref<2x24x768xf32, #tpu.memory_space<vmem>>, vector<1x1x16xf32>,
        %parallel_loop3A_677 = arith.constant 0 : i32
        %parallel_loop3A_678 = arith.index_cast %parallel_loop3A_677 : i32 to index
        %parallel_loop3A_679 = arith.index_cast %parallel_loop3A_460 : i32 to index
        %parallel_loop3A_680 = arith.constant 448 : index
        %parallel_loop3A_681 = tpu.vector_load %arg7[%parallel_loop3A_678, %parallel_loop3A_679, %parallel_loop3A_680] {strides = array<i32>} : memref<2x24x768xf32, #tpu.memory_space<vmem>>, vector<1x1x16xf32>,
        %parallel_loop3A_682 = vector.shape_cast %parallel_loop3A_681 : vector<1x1x16xf32> to vector<16xf32>
        %parallel_loop3A_683 = arith.index_cast %parallel_loop3A_460 : i32 to index
        %parallel_loop3A_684 = arith.constant 192 : index
        %parallel_loop3A_685 = tpu.vector_load %arg11[%parallel_loop3A_683, %parallel_loop3A_684] {strides = array<i32>} : memref<24x256xf32, #tpu.memory_space<vmem>>, vector<1x16xf32>,
        %parallel_loop3A_686 = vector.shape_cast %parallel_loop3A_685 : vector<1x16xf32> to vector<16xf32>
        %parallel_loop3A_687 = arith.addf %parallel_loop3A_682, %parallel_loop3A_686 : vector<16xf32>
        %parallel_loop3A_688 = arith.constant 0 : i32
        %parallel_loop3A_689 = arith.index_cast %parallel_loop3A_688 : i32 to index
        %parallel_loop3A_690 = arith.index_cast %parallel_loop3A_460 : i32 to index
        %parallel_loop3A_691 = arith.constant 448 : index
        %parallel_loop3A_692 = tpu.vector_load %arg8[%parallel_loop3A_689, %parallel_loop3A_690, %parallel_loop3A_691] {strides = array<i32>} : memref<2x24x768xf32, #tpu.memory_space<vmem>>, vector<1x1x16xf32>,
        %parallel_loop3A_693 = vector.shape_cast %parallel_loop3A_692 : vector<1x1x16xf32> to vector<16xf32>
        %parallel_loop3A_694 = vector.shape_cast %parallel_loop3A_687 : vector<16xf32> to vector<1x1x16xf32>
        tpu.vector_store %arg8[%parallel_loop3A_689, %parallel_loop3A_690, %parallel_loop3A_691], %parallel_loop3A_694 {strides = array<i32>} : memref<2x24x768xf32, #tpu.memory_space<vmem>>, vector<1x1x16xf32>,
        %parallel_loop3A_695 = arith.constant 0 : i32
        %parallel_loop3A_696 = arith.index_cast %parallel_loop3A_695 : i32 to index
        %parallel_loop3A_697 = arith.index_cast %parallel_loop3A_460 : i32 to index
        %parallel_loop3A_698 = arith.constant 464 : index
        %parallel_loop3A_699 = tpu.vector_load %arg7[%parallel_loop3A_696, %parallel_loop3A_697, %parallel_loop3A_698] {strides = array<i32>} : memref<2x24x768xf32, #tpu.memory_space<vmem>>, vector<1x1x16xf32>,
        %parallel_loop3A_700 = vector.shape_cast %parallel_loop3A_699 : vector<1x1x16xf32> to vector<16xf32>
        %parallel_loop3A_701 = arith.index_cast %parallel_loop3A_460 : i32 to index
        %parallel_loop3A_702 = arith.constant 208 : index
        %parallel_loop3A_703 = tpu.vector_load %arg11[%parallel_loop3A_701, %parallel_loop3A_702] {strides = array<i32>} : memref<24x256xf32, #tpu.memory_space<vmem>>, vector<1x16xf32>,
        %parallel_loop3A_704 = vector.shape_cast %parallel_loop3A_703 : vector<1x16xf32> to vector<16xf32>
        %parallel_loop3A_705 = arith.addf %parallel_loop3A_700, %parallel_loop3A_704 : vector<16xf32>
        %parallel_loop3A_706 = arith.constant 0 : i32
        %parallel_loop3A_707 = arith.index_cast %parallel_loop3A_706 : i32 to index
        %parallel_loop3A_708 = arith.index_cast %parallel_loop3A_460 : i32 to index
        %parallel_loop3A_709 = arith.constant 464 : index
        %parallel_loop3A_710 = tpu.vector_load %arg8[%parallel_loop3A_707, %parallel_loop3A_708, %parallel_loop3A_709] {strides = array<i32>} : memref<2x24x768xf32, #tpu.memory_space<vmem>>, vector<1x1x16xf32>,
        %parallel_loop3A_711 = vector.shape_cast %parallel_loop3A_710 : vector<1x1x16xf32> to vector<16xf32>
        %parallel_loop3A_712 = vector.shape_cast %parallel_loop3A_705 : vector<16xf32> to vector<1x1x16xf32>
        tpu.vector_store %arg8[%parallel_loop3A_707, %parallel_loop3A_708, %parallel_loop3A_709], %parallel_loop3A_712 {strides = array<i32>} : memref<2x24x768xf32, #tpu.memory_space<vmem>>, vector<1x1x16xf32>,
        %parallel_loop3A_713 = arith.constant 0 : i32
        %parallel_loop3A_714 = arith.index_cast %parallel_loop3A_713 : i32 to index
        %parallel_loop3A_715 = arith.index_cast %parallel_loop3A_460 : i32 to index
        %parallel_loop3A_716 = arith.constant 480 : index
        %parallel_loop3A_717 = tpu.vector_load %arg7[%parallel_loop3A_714, %parallel_loop3A_715, %parallel_loop3A_716] {strides = array<i32>} : memref<2x24x768xf32, #tpu.memory_space<vmem>>, vector<1x1x16xf32>,
        %parallel_loop3A_718 = vector.shape_cast %parallel_loop3A_717 : vector<1x1x16xf32> to vector<16xf32>
        %parallel_loop3A_719 = arith.index_cast %parallel_loop3A_460 : i32 to index
        %parallel_loop3A_720 = arith.constant 224 : index
        %parallel_loop3A_721 = tpu.vector_load %arg11[%parallel_loop3A_719, %parallel_loop3A_720] {strides = array<i32>} : memref<24x256xf32, #tpu.memory_space<vmem>>, vector<1x16xf32>,
        %parallel_loop3A_722 = vector.shape_cast %parallel_loop3A_721 : vector<1x16xf32> to vector<16xf32>
        %parallel_loop3A_723 = arith.addf %parallel_loop3A_718, %parallel_loop3A_722 : vector<16xf32>
        %parallel_loop3A_724 = arith.constant 0 : i32
        %parallel_loop3A_725 = arith.index_cast %parallel_loop3A_724 : i32 to index
        %parallel_loop3A_726 = arith.index_cast %parallel_loop3A_460 : i32 to index
        %parallel_loop3A_727 = arith.constant 480 : index
        %parallel_loop3A_728 = tpu.vector_load %arg8[%parallel_loop3A_725, %parallel_loop3A_726, %parallel_loop3A_727] {strides = array<i32>} : memref<2x24x768xf32, #tpu.memory_space<vmem>>, vector<1x1x16xf32>,
        %parallel_loop3A_729 = vector.shape_cast %parallel_loop3A_728 : vector<1x1x16xf32> to vector<16xf32>
        %parallel_loop3A_730 = vector.shape_cast %parallel_loop3A_723 : vector<16xf32> to vector<1x1x16xf32>
        tpu.vector_store %arg8[%parallel_loop3A_725, %parallel_loop3A_726, %parallel_loop3A_727], %parallel_loop3A_730 {strides = array<i32>} : memref<2x24x768xf32, #tpu.memory_space<vmem>>, vector<1x1x16xf32>,
        %parallel_loop3A_731 = arith.constant 0 : i32
        %parallel_loop3A_732 = arith.index_cast %parallel_loop3A_731 : i32 to index
        %parallel_loop3A_733 = arith.index_cast %parallel_loop3A_460 : i32 to index
        %parallel_loop3A_734 = arith.constant 496 : index
        %parallel_loop3A_735 = tpu.vector_load %arg7[%parallel_loop3A_732, %parallel_loop3A_733, %parallel_loop3A_734] {strides = array<i32>} : memref<2x24x768xf32, #tpu.memory_space<vmem>>, vector<1x1x16xf32>,
        %parallel_loop3A_736 = vector.shape_cast %parallel_loop3A_735 : vector<1x1x16xf32> to vector<16xf32>
        %parallel_loop3A_737 = arith.index_cast %parallel_loop3A_460 : i32 to index
        %parallel_loop3A_738 = arith.constant 240 : index
        %parallel_loop3A_739 = tpu.vector_load %arg11[%parallel_loop3A_737, %parallel_loop3A_738] {strides = array<i32>} : memref<24x256xf32, #tpu.memory_space<vmem>>, vector<1x16xf32>,
        %parallel_loop3A_740 = vector.shape_cast %parallel_loop3A_739 : vector<1x16xf32> to vector<16xf32>
        %parallel_loop3A_741 = arith.addf %parallel_loop3A_736, %parallel_loop3A_740 : vector<16xf32>
        %parallel_loop3A_742 = arith.constant 0 : i32
        %parallel_loop3A_743 = arith.index_cast %parallel_loop3A_742 : i32 to index
        %parallel_loop3A_744 = arith.index_cast %parallel_loop3A_460 : i32 to index
        %parallel_loop3A_745 = arith.constant 496 : index
        %parallel_loop3A_746 = tpu.vector_load %arg8[%parallel_loop3A_743, %parallel_loop3A_744, %parallel_loop3A_745] {strides = array<i32>} : memref<2x24x768xf32, #tpu.memory_space<vmem>>, vector<1x1x16xf32>,
        %parallel_loop3A_747 = vector.shape_cast %parallel_loop3A_746 : vector<1x1x16xf32> to vector<16xf32>
        %parallel_loop3A_748 = vector.shape_cast %parallel_loop3A_741 : vector<16xf32> to vector<1x1x16xf32>
        tpu.vector_store %arg8[%parallel_loop3A_743, %parallel_loop3A_744, %parallel_loop3A_745], %parallel_loop3A_748 {strides = array<i32>} : memref<2x24x768xf32, #tpu.memory_space<vmem>>, vector<1x1x16xf32>,
      } {sc.loop_unroll_factor = 1 : i64, sc.parallel_access}
      %dma_start3A_250 = arith.constant 0 : i32
      %dma_start3A_251 = arith.constant 0 : i32
      %dma_start3A_252 = arith.constant 0 : i32
      %dma_start3A_253 = tpu.memref_slice %arg8[%dma_start3A_250, %dma_start3A_251, %dma_start3A_252] : memref<2x24x768xf32, #tpu.memory_space<vmem>> -> memref<1x24x768xf32, #tpu.memory_space<vmem>>
      %dma_start3A_254 = tpu.memref_squeeze %dma_start3A_253 : memref<1x24x768xf32, #tpu.memory_space<vmem>> -> memref<24x768xf32, #tpu.memory_space<vmem>>
      %dma_start3A_255 = arith.constant 0 : i32
      %dma_start3A_256 = arith.constant 0 : i32
      %dma_start3A_257 = tpu.memref_slice %arg6[%add3A_94, %dma_start3A_255, %dma_start3A_256] : memref<3072x24x768xf32, #tpu.memory_space<hbm>> -> memref<1x24x768xf32, #tpu.memory_space<hbm>>
      %dma_start3A_258 = tpu.memref_squeeze %dma_start3A_257 : memref<1x24x768xf32, #tpu.memory_space<hbm>> -> memref<24x768xf32, #tpu.memory_space<hbm>>
      %dma_start3A_259 = arith.constant 0 : i32
      %dma_start3A_260 = arith.constant 0 : i32
      %dma_start3A_261 = tpu.memref_slice %arg6[%add3A_94, %dma_start3A_259, %dma_start3A_260] : memref<3072x24x768xf32, #tpu.memory_space<hbm>> -> memref<1x24x768xf32, #tpu.memory_space<hbm>>
      %dma_start3A_262 = tpu.memref_squeeze %dma_start3A_261 : memref<1x24x768xf32, #tpu.memory_space<hbm>> -> memref<24x768xf32, #tpu.memory_space<hbm>>
      %dma_start3A_263 = arith.constant 0 : i32
      %dma_start3A_264 = arith.constant 0 : i32
      %dma_start3A_265 = tpu.memref_slice %arg8[%dma_start3A_250, %dma_start3A_263, %dma_start3A_264] : memref<2x24x768xf32, #tpu.memory_space<vmem>> -> memref<1x24x768xf32, #tpu.memory_space<vmem>>
      %dma_start3A_266 = tpu.memref_squeeze %dma_start3A_265 : memref<1x24x768xf32, #tpu.memory_space<vmem>> -> memref<24x768xf32, #tpu.memory_space<vmem>>
      tpu.enqueue_dma source(%dma_start3A_266 : memref<24x768xf32, #tpu.memory_space<vmem>>) target(%dma_start3A_262 : memref<24x768xf32, #tpu.memory_space<hbm>>) target_semaphore(%arg14 : memref<!tpu.dma_semaphore, #tpu.memory_space<semaphore_mem>>)
      %lt3A = arith.constant 47 : i32
      %lt3A_267 = arith.cmpi slt, %scan3A_89, %lt3A : i32
      %convert_element_type3A_268 = arith.extui %lt3A_267 : i1 to i32
      %cond3A_269 = arith.constant 0 : i32
      %cond3A_270 = arith.cmpi ne, %convert_element_type3A_268, %cond3A_269 : i32
      scf.if %cond3A_270 {
        %add3A_460 = arith.constant 2 : i32
        %add3A_461 = arith.addi %add3A_94, %add3A_460 : i32
        %dma_start3A_462 = arith.constant 0 : i32
        %dma_start3A_463 = arith.constant 0 : i32
        %dma_start3A_464 = arith.constant 0 : i32
        %dma_start3A_465 = tpu.memref_slice %arg7[%dma_start3A_462, %dma_start3A_463, %dma_start3A_464] : memref<2x24x768xf32, #tpu.memory_space<vmem>> -> memref<1x24x768xf32, #tpu.memory_space<vmem>>
        %dma_start3A_466 = tpu.memref_squeeze %dma_start3A_465 : memref<1x24x768xf32, #tpu.memory_space<vmem>> -> memref<24x768xf32, #tpu.memory_space<vmem>>
        %dma_start3A_467 = arith.constant 0 : i32
        %dma_start3A_468 = arith.constant 0 : i32
        %dma_start3A_469 = tpu.memref_slice %arg2[%add3A_461, %dma_start3A_467, %dma_start3A_468] : memref<3072x24x768xf32, #tpu.memory_space<hbm>> -> memref<1x24x768xf32, #tpu.memory_space<hbm>>
        %dma_start3A_470 = tpu.memref_squeeze %dma_start3A_469 : memref<1x24x768xf32, #tpu.memory_space<hbm>> -> memref<24x768xf32, #tpu.memory_space<hbm>>
        %dma_start3A_471 = arith.constant 0 : i32
        %dma_start3A_472 = arith.constant 0 : i32
        %dma_start3A_473 = tpu.memref_slice %arg7[%dma_start3A_462, %dma_start3A_471, %dma_start3A_472] : memref<2x24x768xf32, #tpu.memory_space<vmem>> -> memref<1x24x768xf32, #tpu.memory_space<vmem>>
        %dma_start3A_474 = tpu.memref_squeeze %dma_start3A_473 : memref<1x24x768xf32, #tpu.memory_space<vmem>> -> memref<24x768xf32, #tpu.memory_space<vmem>>
        %dma_start3A_475 = arith.constant 0 : i32
        %dma_start3A_476 = arith.constant 0 : i32
        %dma_start3A_477 = tpu.memref_slice %arg2[%add3A_461, %dma_start3A_475, %dma_start3A_476] : memref<3072x24x768xf32, #tpu.memory_space<hbm>> -> memref<1x24x768xf32, #tpu.memory_space<hbm>>
        %dma_start3A_478 = tpu.memref_squeeze %dma_start3A_477 : memref<1x24x768xf32, #tpu.memory_space<hbm>> -> memref<24x768xf32, #tpu.memory_space<hbm>>
        tpu.enqueue_dma source(%dma_start3A_478 : memref<24x768xf32, #tpu.memory_space<hbm>>) target(%dma_start3A_474 : memref<24x768xf32, #tpu.memory_space<vmem>>) target_semaphore(%arg12 : memref<!tpu.dma_semaphore, #tpu.memory_space<semaphore_mem>>)
      } else {
      }
      %mul3A_271 = arith.constant 2 : i32
      %mul3A_272 = arith.muli %scan3A_89, %mul3A_271 : i32
      %add3A_273 = arith.constant 1 : i32
      %add3A_274 = arith.addi %mul3A_272, %add3A_273 : i32
      %add3A_275 = arith.addi %mul3A_2, %add3A_274 : i32
      %dma_wait3A_276 = arith.constant 1 : i32
      %dma_wait3A_277 = arith.constant 0 : i32
      %dma_wait3A_278 = arith.constant 0 : i32
      %dma_wait3A_279 = tpu.memref_slice %arg7[%dma_wait3A_276, %dma_wait3A_277, %dma_wait3A_278] : memref<2x24x768xf32, #tpu.memory_space<vmem>> -> memref<1x24x768xf32, #tpu.memory_space<vmem>>
      %dma_wait3A_280 = tpu.memref_squeeze %dma_wait3A_279 : memref<1x24x768xf32, #tpu.memory_space<vmem>> -> memref<24x768xf32, #tpu.memory_space<vmem>>
      %dma_wait3A_281 = arith.constant 0 : i32
      %dma_wait3A_282 = arith.constant 0 : i32
      %dma_wait3A_283 = tpu.memref_slice %arg2[%add3A_275, %dma_wait3A_281, %dma_wait3A_282] : memref<3072x24x768xf32, #tpu.memory_space<hbm>> -> memref<1x24x768xf32, #tpu.memory_space<hbm>>
      %dma_wait3A_284 = tpu.memref_squeeze %dma_wait3A_283 : memref<1x24x768xf32, #tpu.memory_space<hbm>> -> memref<24x768xf32, #tpu.memory_space<hbm>>
      %dma_wait3A_285 = arith.constant 0 : i32
      %dma_wait3A_286 = arith.constant 0 : i32
      %dma_wait3A_287 = tpu.memref_slice %arg7[%dma_wait3A_276, %dma_wait3A_285, %dma_wait3A_286] : memref<2x24x768xf32, #tpu.memory_space<vmem>> -> memref<1x24x768xf32, #tpu.memory_space<vmem>>
      %dma_wait3A_288 = tpu.memref_squeeze %dma_wait3A_287 : memref<1x24x768xf32, #tpu.memory_space<vmem>> -> memref<24x768xf32, #tpu.memory_space<vmem>>
      %dma_wait3A_289 = arith.constant 0 : i32
      %dma_wait3A_290 = arith.constant 0 : i32
      %dma_wait3A_291 = tpu.memref_slice %arg2[%add3A_275, %dma_wait3A_289, %dma_wait3A_290] : memref<3072x24x768xf32, #tpu.memory_space<hbm>> -> memref<1x24x768xf32, #tpu.memory_space<hbm>>
      %dma_wait3A_292 = tpu.memref_squeeze %dma_wait3A_291 : memref<1x24x768xf32, #tpu.memory_space<hbm>> -> memref<24x768xf32, #tpu.memory_space<hbm>>
      tpu.wait_dma2 semaphore(%arg13 : memref<!tpu.dma_semaphore, #tpu.memory_space<semaphore_mem>>) src(%dma_wait3A_292 : memref<24x768xf32, #tpu.memory_space<hbm>>) dst(%dma_wait3A_288 : memref<24x768xf32, #tpu.memory_space<vmem>>)
      %gt3A_293 = arith.constant 0 : i32
      %gt3A_294 = arith.cmpi sgt, %scan3A_89, %gt3A_293 : i32
      %convert_element_type3A_295 = arith.extui %gt3A_294 : i1 to i32
      %cond3A_296 = arith.constant 0 : i32
      %cond3A_297 = arith.cmpi ne, %convert_element_type3A_295, %cond3A_296 : i32
      scf.if %cond3A_297 {
        %sub3A_460 = arith.constant 2 : i32
        %sub3A_461 = arith.subi %add3A_275, %sub3A_460 : i32
        %dma_wait3A_462 = arith.constant 1 : i32
        %dma_wait3A_463 = arith.constant 0 : i32
        %dma_wait3A_464 = arith.constant 0 : i32
        %dma_wait3A_465 = tpu.memref_slice %arg8[%dma_wait3A_462, %dma_wait3A_463, %dma_wait3A_464] : memref<2x24x768xf32, #tpu.memory_space<vmem>> -> memref<1x24x768xf32, #tpu.memory_space<vmem>>
        %dma_wait3A_466 = tpu.memref_squeeze %dma_wait3A_465 : memref<1x24x768xf32, #tpu.memory_space<vmem>> -> memref<24x768xf32, #tpu.memory_space<vmem>>
        %dma_wait3A_467 = arith.constant 0 : i32
        %dma_wait3A_468 = arith.constant 0 : i32
        %dma_wait3A_469 = tpu.memref_slice %arg6[%sub3A_461, %dma_wait3A_467, %dma_wait3A_468] : memref<3072x24x768xf32, #tpu.memory_space<hbm>> -> memref<1x24x768xf32, #tpu.memory_space<hbm>>
        %dma_wait3A_470 = tpu.memref_squeeze %dma_wait3A_469 : memref<1x24x768xf32, #tpu.memory_space<hbm>> -> memref<24x768xf32, #tpu.memory_space<hbm>>
        %dma_wait3A_471 = arith.constant 0 : i32
        %dma_wait3A_472 = arith.constant 0 : i32
        %dma_wait3A_473 = tpu.memref_slice %arg6[%sub3A_461, %dma_wait3A_471, %dma_wait3A_472] : memref<3072x24x768xf32, #tpu.memory_space<hbm>> -> memref<1x24x768xf32, #tpu.memory_space<hbm>>
        %dma_wait3A_474 = tpu.memref_squeeze %dma_wait3A_473 : memref<1x24x768xf32, #tpu.memory_space<hbm>> -> memref<24x768xf32, #tpu.memory_space<hbm>>
        %dma_wait3A_475 = arith.constant 0 : i32
        %dma_wait3A_476 = arith.constant 0 : i32
        %dma_wait3A_477 = tpu.memref_slice %arg8[%dma_wait3A_462, %dma_wait3A_475, %dma_wait3A_476] : memref<2x24x768xf32, #tpu.memory_space<vmem>> -> memref<1x24x768xf32, #tpu.memory_space<vmem>>
        %dma_wait3A_478 = tpu.memref_squeeze %dma_wait3A_477 : memref<1x24x768xf32, #tpu.memory_space<vmem>> -> memref<24x768xf32, #tpu.memory_space<vmem>>
        tpu.wait_dma2 semaphore(%arg15 : memref<!tpu.dma_semaphore, #tpu.memory_space<semaphore_mem>>) src(%dma_wait3A_478 : memref<24x768xf32, #tpu.memory_space<vmem>>) dst(%dma_wait3A_474 : memref<24x768xf32, #tpu.memory_space<hbm>>)
      } else {
      }
      %rem3A_298 = arith.constant 384 : i32
      %rem3A_299 = arith.remsi %add3A_275, %rem3A_298 : i32
      %div3A_300 = arith.constant 24 : i32
      %div3A_301 = arith.divsi %rem3A_299, %div3A_300 : i32
      %rem3A_302 = arith.constant 24 : i32
      %rem3A_303 = arith.remsi %rem3A_299, %rem3A_302 : i32
      %get3A_304 = arith.index_cast %div3A_301 : i32 to index
      %get3A_305 = arith.constant 0 : index
      %get3A_306 = tpu.vector_load %arg9[%get3A_304, %get3A_305] {strides = array<i32>} : memref<16x256xf32, #tpu.memory_space<vmem>>, vector<1x16xf32>,
      %get3A_307 = vector.shape_cast %get3A_306 : vector<1x16xf32> to vector<16xf32>
      %get3A_308 = arith.index_cast %div3A_301 : i32 to index
      %get3A_309 = arith.constant 16 : index
      %get3A_310 = tpu.vector_load %arg9[%get3A_308, %get3A_309] {strides = array<i32>} : memref<16x256xf32, #tpu.memory_space<vmem>>, vector<1x16xf32>,
      %get3A_311 = vector.shape_cast %get3A_310 : vector<1x16xf32> to vector<16xf32>
      %get3A_312 = arith.index_cast %div3A_301 : i32 to index
      %get3A_313 = arith.constant 32 : index
      %get3A_314 = tpu.vector_load %arg9[%get3A_312, %get3A_313] {strides = array<i32>} : memref<16x256xf32, #tpu.memory_space<vmem>>, vector<1x16xf32>,
      %get3A_315 = vector.shape_cast %get3A_314 : vector<1x16xf32> to vector<16xf32>
      %get3A_316 = arith.index_cast %div3A_301 : i32 to index
      %get3A_317 = arith.constant 48 : index
      %get3A_318 = tpu.vector_load %arg9[%get3A_316, %get3A_317] {strides = array<i32>} : memref<16x256xf32, #tpu.memory_space<vmem>>, vector<1x16xf32>,
      %get3A_319 = vector.shape_cast %get3A_318 : vector<1x16xf32> to vector<16xf32>
      %get3A_320 = arith.index_cast %div3A_301 : i32 to index
      %get3A_321 = arith.constant 64 : index
      %get3A_322 = tpu.vector_load %arg9[%get3A_320, %get3A_321] {strides = array<i32>} : memref<16x256xf32, #tpu.memory_space<vmem>>, vector<1x16xf32>,
      %get3A_323 = vector.shape_cast %get3A_322 : vector<1x16xf32> to vector<16xf32>
      %get3A_324 = arith.index_cast %div3A_301 : i32 to index
      %get3A_325 = arith.constant 80 : index
      %get3A_326 = tpu.vector_load %arg9[%get3A_324, %get3A_325] {strides = array<i32>} : memref<16x256xf32, #tpu.memory_space<vmem>>, vector<1x16xf32>,
      %get3A_327 = vector.shape_cast %get3A_326 : vector<1x16xf32> to vector<16xf32>
      %get3A_328 = arith.index_cast %div3A_301 : i32 to index
      %get3A_329 = arith.constant 96 : index
      %get3A_330 = tpu.vector_load %arg9[%get3A_328, %get3A_329] {strides = array<i32>} : memref<16x256xf32, #tpu.memory_space<vmem>>, vector<1x16xf32>,
      %get3A_331 = vector.shape_cast %get3A_330 : vector<1x16xf32> to vector<16xf32>
      %get3A_332 = arith.index_cast %div3A_301 : i32 to index
      %get3A_333 = arith.constant 112 : index
      %get3A_334 = tpu.vector_load %arg9[%get3A_332, %get3A_333] {strides = array<i32>} : memref<16x256xf32, #tpu.memory_space<vmem>>, vector<1x16xf32>,
      %get3A_335 = vector.shape_cast %get3A_334 : vector<1x16xf32> to vector<16xf32>
      %get3A_336 = arith.index_cast %div3A_301 : i32 to index
      %get3A_337 = arith.constant 128 : index
      %get3A_338 = tpu.vector_load %arg9[%get3A_336, %get3A_337] {strides = array<i32>} : memref<16x256xf32, #tpu.memory_space<vmem>>, vector<1x16xf32>,
      %get3A_339 = vector.shape_cast %get3A_338 : vector<1x16xf32> to vector<16xf32>
      %get3A_340 = arith.index_cast %div3A_301 : i32 to index
      %get3A_341 = arith.constant 144 : index
      %get3A_342 = tpu.vector_load %arg9[%get3A_340, %get3A_341] {strides = array<i32>} : memref<16x256xf32, #tpu.memory_space<vmem>>, vector<1x16xf32>,
      %get3A_343 = vector.shape_cast %get3A_342 : vector<1x16xf32> to vector<16xf32>
      %get3A_344 = arith.index_cast %div3A_301 : i32 to index
      %get3A_345 = arith.constant 160 : index
      %get3A_346 = tpu.vector_load %arg9[%get3A_344, %get3A_345] {strides = array<i32>} : memref<16x256xf32, #tpu.memory_space<vmem>>, vector<1x16xf32>,
      %get3A_347 = vector.shape_cast %get3A_346 : vector<1x16xf32> to vector<16xf32>
      %get3A_348 = arith.index_cast %div3A_301 : i32 to index
      %get3A_349 = arith.constant 176 : index
      %get3A_350 = tpu.vector_load %arg9[%get3A_348, %get3A_349] {strides = array<i32>} : memref<16x256xf32, #tpu.memory_space<vmem>>, vector<1x16xf32>,
      %get3A_351 = vector.shape_cast %get3A_350 : vector<1x16xf32> to vector<16xf32>
      %get3A_352 = arith.index_cast %div3A_301 : i32 to index
      %get3A_353 = arith.constant 192 : index
      %get3A_354 = tpu.vector_load %arg9[%get3A_352, %get3A_353] {strides = array<i32>} : memref<16x256xf32, #tpu.memory_space<vmem>>, vector<1x16xf32>,
      %get3A_355 = vector.shape_cast %get3A_354 : vector<1x16xf32> to vector<16xf32>
      %get3A_356 = arith.index_cast %div3A_301 : i32 to index
      %get3A_357 = arith.constant 208 : index
      %get3A_358 = tpu.vector_load %arg9[%get3A_356, %get3A_357] {strides = array<i32>} : memref<16x256xf32, #tpu.memory_space<vmem>>, vector<1x16xf32>,
      %get3A_359 = vector.shape_cast %get3A_358 : vector<1x16xf32> to vector<16xf32>
      %get3A_360 = arith.index_cast %div3A_301 : i32 to index
      %get3A_361 = arith.constant 224 : index
      %get3A_362 = tpu.vector_load %arg9[%get3A_360, %get3A_361] {strides = array<i32>} : memref<16x256xf32, #tpu.memory_space<vmem>>, vector<1x16xf32>,
      %get3A_363 = vector.shape_cast %get3A_362 : vector<1x16xf32> to vector<16xf32>
      %get3A_364 = arith.index_cast %div3A_301 : i32 to index
      %get3A_365 = arith.constant 240 : index
      %get3A_366 = tpu.vector_load %arg9[%get3A_364, %get3A_365] {strides = array<i32>} : memref<16x256xf32, #tpu.memory_space<vmem>>, vector<1x16xf32>,
      %get3A_367 = vector.shape_cast %get3A_366 : vector<1x16xf32> to vector<16xf32>
      %get3A_368 = arith.index_cast %rem3A_303 : i32 to index
      %get3A_369 = arith.constant 0 : index
      %get3A_370 = tpu.vector_load %arg10[%get3A_368, %get3A_369] {strides = array<i32>} : memref<24x256xf32, #tpu.memory_space<vmem>>, vector<1x16xf32>,
      %get3A_371 = vector.shape_cast %get3A_370 : vector<1x16xf32> to vector<16xf32>
      %get3A_372 = arith.index_cast %rem3A_303 : i32 to index
      %get3A_373 = arith.constant 16 : index
      %get3A_374 = tpu.vector_load %arg10[%get3A_372, %get3A_373] {strides = array<i32>} : memref<24x256xf32, #tpu.memory_space<vmem>>, vector<1x16xf32>,
      %get3A_375 = vector.shape_cast %get3A_374 : vector<1x16xf32> to vector<16xf32>
      %get3A_376 = arith.index_cast %rem3A_303 : i32 to index
      %get3A_377 = arith.constant 32 : index
      %get3A_378 = tpu.vector_load %arg10[%get3A_376, %get3A_377] {strides = array<i32>} : memref<24x256xf32, #tpu.memory_space<vmem>>, vector<1x16xf32>,
      %get3A_379 = vector.shape_cast %get3A_378 : vector<1x16xf32> to vector<16xf32>
      %get3A_380 = arith.index_cast %rem3A_303 : i32 to index
      %get3A_381 = arith.constant 48 : index
      %get3A_382 = tpu.vector_load %arg10[%get3A_380, %get3A_381] {strides = array<i32>} : memref<24x256xf32, #tpu.memory_space<vmem>>, vector<1x16xf32>,
      %get3A_383 = vector.shape_cast %get3A_382 : vector<1x16xf32> to vector<16xf32>
      %get3A_384 = arith.index_cast %rem3A_303 : i32 to index
      %get3A_385 = arith.constant 64 : index
      %get3A_386 = tpu.vector_load %arg10[%get3A_384, %get3A_385] {strides = array<i32>} : memref<24x256xf32, #tpu.memory_space<vmem>>, vector<1x16xf32>,
      %get3A_387 = vector.shape_cast %get3A_386 : vector<1x16xf32> to vector<16xf32>
      %get3A_388 = arith.index_cast %rem3A_303 : i32 to index
      %get3A_389 = arith.constant 80 : index
      %get3A_390 = tpu.vector_load %arg10[%get3A_388, %get3A_389] {strides = array<i32>} : memref<24x256xf32, #tpu.memory_space<vmem>>, vector<1x16xf32>,
      %get3A_391 = vector.shape_cast %get3A_390 : vector<1x16xf32> to vector<16xf32>
      %get3A_392 = arith.index_cast %rem3A_303 : i32 to index
      %get3A_393 = arith.constant 96 : index
      %get3A_394 = tpu.vector_load %arg10[%get3A_392, %get3A_393] {strides = array<i32>} : memref<24x256xf32, #tpu.memory_space<vmem>>, vector<1x16xf32>,
      %get3A_395 = vector.shape_cast %get3A_394 : vector<1x16xf32> to vector<16xf32>
      %get3A_396 = arith.index_cast %rem3A_303 : i32 to index
      %get3A_397 = arith.constant 112 : index
      %get3A_398 = tpu.vector_load %arg10[%get3A_396, %get3A_397] {strides = array<i32>} : memref<24x256xf32, #tpu.memory_space<vmem>>, vector<1x16xf32>,
      %get3A_399 = vector.shape_cast %get3A_398 : vector<1x16xf32> to vector<16xf32>
      %get3A_400 = arith.index_cast %rem3A_303 : i32 to index
      %get3A_401 = arith.constant 128 : index
      %get3A_402 = tpu.vector_load %arg10[%get3A_400, %get3A_401] {strides = array<i32>} : memref<24x256xf32, #tpu.memory_space<vmem>>, vector<1x16xf32>,
      %get3A_403 = vector.shape_cast %get3A_402 : vector<1x16xf32> to vector<16xf32>
      %get3A_404 = arith.index_cast %rem3A_303 : i32 to index
      %get3A_405 = arith.constant 144 : index
      %get3A_406 = tpu.vector_load %arg10[%get3A_404, %get3A_405] {strides = array<i32>} : memref<24x256xf32, #tpu.memory_space<vmem>>, vector<1x16xf32>,
      %get3A_407 = vector.shape_cast %get3A_406 : vector<1x16xf32> to vector<16xf32>
      %get3A_408 = arith.index_cast %rem3A_303 : i32 to index
      %get3A_409 = arith.constant 160 : index
      %get3A_410 = tpu.vector_load %arg10[%get3A_408, %get3A_409] {strides = array<i32>} : memref<24x256xf32, #tpu.memory_space<vmem>>, vector<1x16xf32>,
      %get3A_411 = vector.shape_cast %get3A_410 : vector<1x16xf32> to vector<16xf32>
      %get3A_412 = arith.index_cast %rem3A_303 : i32 to index
      %get3A_413 = arith.constant 176 : index
      %get3A_414 = tpu.vector_load %arg10[%get3A_412, %get3A_413] {strides = array<i32>} : memref<24x256xf32, #tpu.memory_space<vmem>>, vector<1x16xf32>,
      %get3A_415 = vector.shape_cast %get3A_414 : vector<1x16xf32> to vector<16xf32>
      %get3A_416 = arith.index_cast %rem3A_303 : i32 to index
      %get3A_417 = arith.constant 192 : index
      %get3A_418 = tpu.vector_load %arg10[%get3A_416, %get3A_417] {strides = array<i32>} : memref<24x256xf32, #tpu.memory_space<vmem>>, vector<1x16xf32>,
      %get3A_419 = vector.shape_cast %get3A_418 : vector<1x16xf32> to vector<16xf32>
      %get3A_420 = arith.index_cast %rem3A_303 : i32 to index
      %get3A_421 = arith.constant 208 : index
      %get3A_422 = tpu.vector_load %arg10[%get3A_420, %get3A_421] {strides = array<i32>} : memref<24x256xf32, #tpu.memory_space<vmem>>, vector<1x16xf32>,
      %get3A_423 = vector.shape_cast %get3A_422 : vector<1x16xf32> to vector<16xf32>
      %get3A_424 = arith.index_cast %rem3A_303 : i32 to index
      %get3A_425 = arith.constant 224 : index
      %get3A_426 = tpu.vector_load %arg10[%get3A_424, %get3A_425] {strides = array<i32>} : memref<24x256xf32, #tpu.memory_space<vmem>>, vector<1x16xf32>,
      %get3A_427 = vector.shape_cast %get3A_426 : vector<1x16xf32> to vector<16xf32>
      %get3A_428 = arith.index_cast %rem3A_303 : i32 to index
      %get3A_429 = arith.constant 240 : index
      %get3A_430 = tpu.vector_load %arg10[%get3A_428, %get3A_429] {strides = array<i32>} : memref<24x256xf32, #tpu.memory_space<vmem>>, vector<1x16xf32>,
      %get3A_431 = vector.shape_cast %get3A_430 : vector<1x16xf32> to vector<16xf32>
      %parallel_loop3A_432 = arith.constant 0 : i32
      %parallel_loop3A_433 = arith.constant 24 : i32
      %parallel_loop3A_434 = arith.constant 1 : i32
      scf.for %parallel_loop3A_460 = %parallel_loop3A_432 to %parallel_loop3A_433 step %parallel_loop3A_434  : i32 {
        %parallel_loop3A_461 = arith.constant 1 : i32
        %parallel_loop3A_462 = arith.index_cast %parallel_loop3A_461 : i32 to index
        %parallel_loop3A_463 = arith.index_cast %parallel_loop3A_460 : i32 to index
        %parallel_loop3A_464 = arith.constant 0 : index
        %parallel_loop3A_465 = tpu.vector_load %arg7[%parallel_loop3A_462, %parallel_loop3A_463, %parallel_loop3A_464] {strides = array<i32>} : memref<2x24x768xf32, #tpu.memory_space<vmem>>, vector<1x1x16xf32>,
        %parallel_loop3A_466 = vector.shape_cast %parallel_loop3A_465 : vector<1x1x16xf32> to vector<16xf32>
        %parallel_loop3A_467 = arith.addf %parallel_loop3A_466, %get3A_307 : vector<16xf32>
        %parallel_loop3A_468 = arith.constant 1 : i32
        %parallel_loop3A_469 = arith.index_cast %parallel_loop3A_468 : i32 to index
        %parallel_loop3A_470 = arith.index_cast %parallel_loop3A_460 : i32 to index
        %parallel_loop3A_471 = arith.constant 0 : index
        %parallel_loop3A_472 = tpu.vector_load %arg8[%parallel_loop3A_469, %parallel_loop3A_470, %parallel_loop3A_471] {strides = array<i32>} : memref<2x24x768xf32, #tpu.memory_space<vmem>>, vector<1x1x16xf32>,
        %parallel_loop3A_473 = vector.shape_cast %parallel_loop3A_472 : vector<1x1x16xf32> to vector<16xf32>
        %parallel_loop3A_474 = vector.shape_cast %parallel_loop3A_467 : vector<16xf32> to vector<1x1x16xf32>
        tpu.vector_store %arg8[%parallel_loop3A_469, %parallel_loop3A_470, %parallel_loop3A_471], %parallel_loop3A_474 {strides = array<i32>} : memref<2x24x768xf32, #tpu.memory_space<vmem>>, vector<1x1x16xf32>,
        %parallel_loop3A_475 = arith.constant 1 : i32
        %parallel_loop3A_476 = arith.index_cast %parallel_loop3A_475 : i32 to index
        %parallel_loop3A_477 = arith.index_cast %parallel_loop3A_460 : i32 to index
        %parallel_loop3A_478 = arith.constant 16 : index
        %parallel_loop3A_479 = tpu.vector_load %arg7[%parallel_loop3A_476, %parallel_loop3A_477, %parallel_loop3A_478] {strides = array<i32>} : memref<2x24x768xf32, #tpu.memory_space<vmem>>, vector<1x1x16xf32>,
        %parallel_loop3A_480 = vector.shape_cast %parallel_loop3A_479 : vector<1x1x16xf32> to vector<16xf32>
        %parallel_loop3A_481 = arith.addf %parallel_loop3A_480, %get3A_311 : vector<16xf32>
        %parallel_loop3A_482 = arith.constant 1 : i32
        %parallel_loop3A_483 = arith.index_cast %parallel_loop3A_482 : i32 to index
        %parallel_loop3A_484 = arith.index_cast %parallel_loop3A_460 : i32 to index
        %parallel_loop3A_485 = arith.constant 16 : index
        %parallel_loop3A_486 = tpu.vector_load %arg8[%parallel_loop3A_483, %parallel_loop3A_484, %parallel_loop3A_485] {strides = array<i32>} : memref<2x24x768xf32, #tpu.memory_space<vmem>>, vector<1x1x16xf32>,
        %parallel_loop3A_487 = vector.shape_cast %parallel_loop3A_486 : vector<1x1x16xf32> to vector<16xf32>
        %parallel_loop3A_488 = vector.shape_cast %parallel_loop3A_481 : vector<16xf32> to vector<1x1x16xf32>
        tpu.vector_store %arg8[%parallel_loop3A_483, %parallel_loop3A_484, %parallel_loop3A_485], %parallel_loop3A_488 {strides = array<i32>} : memref<2x24x768xf32, #tpu.memory_space<vmem>>, vector<1x1x16xf32>,
        %parallel_loop3A_489 = arith.constant 1 : i32
        %parallel_loop3A_490 = arith.index_cast %parallel_loop3A_489 : i32 to index
        %parallel_loop3A_491 = arith.index_cast %parallel_loop3A_460 : i32 to index
        %parallel_loop3A_492 = arith.constant 32 : index
        %parallel_loop3A_493 = tpu.vector_load %arg7[%parallel_loop3A_490, %parallel_loop3A_491, %parallel_loop3A_492] {strides = array<i32>} : memref<2x24x768xf32, #tpu.memory_space<vmem>>, vector<1x1x16xf32>,
        %parallel_loop3A_494 = vector.shape_cast %parallel_loop3A_493 : vector<1x1x16xf32> to vector<16xf32>
        %parallel_loop3A_495 = arith.addf %parallel_loop3A_494, %get3A_315 : vector<16xf32>
        %parallel_loop3A_496 = arith.constant 1 : i32
        %parallel_loop3A_497 = arith.index_cast %parallel_loop3A_496 : i32 to index
        %parallel_loop3A_498 = arith.index_cast %parallel_loop3A_460 : i32 to index
        %parallel_loop3A_499 = arith.constant 32 : index
        %parallel_loop3A_500 = tpu.vector_load %arg8[%parallel_loop3A_497, %parallel_loop3A_498, %parallel_loop3A_499] {strides = array<i32>} : memref<2x24x768xf32, #tpu.memory_space<vmem>>, vector<1x1x16xf32>,
        %parallel_loop3A_501 = vector.shape_cast %parallel_loop3A_500 : vector<1x1x16xf32> to vector<16xf32>
        %parallel_loop3A_502 = vector.shape_cast %parallel_loop3A_495 : vector<16xf32> to vector<1x1x16xf32>
        tpu.vector_store %arg8[%parallel_loop3A_497, %parallel_loop3A_498, %parallel_loop3A_499], %parallel_loop3A_502 {strides = array<i32>} : memref<2x24x768xf32, #tpu.memory_space<vmem>>, vector<1x1x16xf32>,
        %parallel_loop3A_503 = arith.constant 1 : i32
        %parallel_loop3A_504 = arith.index_cast %parallel_loop3A_503 : i32 to index
        %parallel_loop3A_505 = arith.index_cast %parallel_loop3A_460 : i32 to index
        %parallel_loop3A_506 = arith.constant 48 : index
        %parallel_loop3A_507 = tpu.vector_load %arg7[%parallel_loop3A_504, %parallel_loop3A_505, %parallel_loop3A_506] {strides = array<i32>} : memref<2x24x768xf32, #tpu.memory_space<vmem>>, vector<1x1x16xf32>,
        %parallel_loop3A_508 = vector.shape_cast %parallel_loop3A_507 : vector<1x1x16xf32> to vector<16xf32>
        %parallel_loop3A_509 = arith.addf %parallel_loop3A_508, %get3A_319 : vector<16xf32>
        %parallel_loop3A_510 = arith.constant 1 : i32
        %parallel_loop3A_511 = arith.index_cast %parallel_loop3A_510 : i32 to index
        %parallel_loop3A_512 = arith.index_cast %parallel_loop3A_460 : i32 to index
        %parallel_loop3A_513 = arith.constant 48 : index
        %parallel_loop3A_514 = tpu.vector_load %arg8[%parallel_loop3A_511, %parallel_loop3A_512, %parallel_loop3A_513] {strides = array<i32>} : memref<2x24x768xf32, #tpu.memory_space<vmem>>, vector<1x1x16xf32>,
        %parallel_loop3A_515 = vector.shape_cast %parallel_loop3A_514 : vector<1x1x16xf32> to vector<16xf32>
        %parallel_loop3A_516 = vector.shape_cast %parallel_loop3A_509 : vector<16xf32> to vector<1x1x16xf32>
        tpu.vector_store %arg8[%parallel_loop3A_511, %parallel_loop3A_512, %parallel_loop3A_513], %parallel_loop3A_516 {strides = array<i32>} : memref<2x24x768xf32, #tpu.memory_space<vmem>>, vector<1x1x16xf32>,
        %parallel_loop3A_517 = arith.constant 1 : i32
        %parallel_loop3A_518 = arith.index_cast %parallel_loop3A_517 : i32 to index
        %parallel_loop3A_519 = arith.index_cast %parallel_loop3A_460 : i32 to index
        %parallel_loop3A_520 = arith.constant 64 : index
        %parallel_loop3A_521 = tpu.vector_load %arg7[%parallel_loop3A_518, %parallel_loop3A_519, %parallel_loop3A_520] {strides = array<i32>} : memref<2x24x768xf32, #tpu.memory_space<vmem>>, vector<1x1x16xf32>,
        %parallel_loop3A_522 = vector.shape_cast %parallel_loop3A_521 : vector<1x1x16xf32> to vector<16xf32>
        %parallel_loop3A_523 = arith.addf %parallel_loop3A_522, %get3A_323 : vector<16xf32>
        %parallel_loop3A_524 = arith.constant 1 : i32
        %parallel_loop3A_525 = arith.index_cast %parallel_loop3A_524 : i32 to index
        %parallel_loop3A_526 = arith.index_cast %parallel_loop3A_460 : i32 to index
        %parallel_loop3A_527 = arith.constant 64 : index
        %parallel_loop3A_528 = tpu.vector_load %arg8[%parallel_loop3A_525, %parallel_loop3A_526, %parallel_loop3A_527] {strides = array<i32>} : memref<2x24x768xf32, #tpu.memory_space<vmem>>, vector<1x1x16xf32>,
        %parallel_loop3A_529 = vector.shape_cast %parallel_loop3A_528 : vector<1x1x16xf32> to vector<16xf32>
        %parallel_loop3A_530 = vector.shape_cast %parallel_loop3A_523 : vector<16xf32> to vector<1x1x16xf32>
        tpu.vector_store %arg8[%parallel_loop3A_525, %parallel_loop3A_526, %parallel_loop3A_527], %parallel_loop3A_530 {strides = array<i32>} : memref<2x24x768xf32, #tpu.memory_space<vmem>>, vector<1x1x16xf32>,
        %parallel_loop3A_531 = arith.constant 1 : i32
        %parallel_loop3A_532 = arith.index_cast %parallel_loop3A_531 : i32 to index
        %parallel_loop3A_533 = arith.index_cast %parallel_loop3A_460 : i32 to index
        %parallel_loop3A_534 = arith.constant 80 : index
        %parallel_loop3A_535 = tpu.vector_load %arg7[%parallel_loop3A_532, %parallel_loop3A_533, %parallel_loop3A_534] {strides = array<i32>} : memref<2x24x768xf32, #tpu.memory_space<vmem>>, vector<1x1x16xf32>,
        %parallel_loop3A_536 = vector.shape_cast %parallel_loop3A_535 : vector<1x1x16xf32> to vector<16xf32>
        %parallel_loop3A_537 = arith.addf %parallel_loop3A_536, %get3A_327 : vector<16xf32>
        %parallel_loop3A_538 = arith.constant 1 : i32
        %parallel_loop3A_539 = arith.index_cast %parallel_loop3A_538 : i32 to index
        %parallel_loop3A_540 = arith.index_cast %parallel_loop3A_460 : i32 to index
        %parallel_loop3A_541 = arith.constant 80 : index
        %parallel_loop3A_542 = tpu.vector_load %arg8[%parallel_loop3A_539, %parallel_loop3A_540, %parallel_loop3A_541] {strides = array<i32>} : memref<2x24x768xf32, #tpu.memory_space<vmem>>, vector<1x1x16xf32>,
        %parallel_loop3A_543 = vector.shape_cast %parallel_loop3A_542 : vector<1x1x16xf32> to vector<16xf32>
        %parallel_loop3A_544 = vector.shape_cast %parallel_loop3A_537 : vector<16xf32> to vector<1x1x16xf32>
        tpu.vector_store %arg8[%parallel_loop3A_539, %parallel_loop3A_540, %parallel_loop3A_541], %parallel_loop3A_544 {strides = array<i32>} : memref<2x24x768xf32, #tpu.memory_space<vmem>>, vector<1x1x16xf32>,
        %parallel_loop3A_545 = arith.constant 1 : i32
        %parallel_loop3A_546 = arith.index_cast %parallel_loop3A_545 : i32 to index
        %parallel_loop3A_547 = arith.index_cast %parallel_loop3A_460 : i32 to index
        %parallel_loop3A_548 = arith.constant 96 : index
        %parallel_loop3A_549 = tpu.vector_load %arg7[%parallel_loop3A_546, %parallel_loop3A_547, %parallel_loop3A_548] {strides = array<i32>} : memref<2x24x768xf32, #tpu.memory_space<vmem>>, vector<1x1x16xf32>,
        %parallel_loop3A_550 = vector.shape_cast %parallel_loop3A_549 : vector<1x1x16xf32> to vector<16xf32>
        %parallel_loop3A_551 = arith.addf %parallel_loop3A_550, %get3A_331 : vector<16xf32>
        %parallel_loop3A_552 = arith.constant 1 : i32
        %parallel_loop3A_553 = arith.index_cast %parallel_loop3A_552 : i32 to index
        %parallel_loop3A_554 = arith.index_cast %parallel_loop3A_460 : i32 to index
        %parallel_loop3A_555 = arith.constant 96 : index
        %parallel_loop3A_556 = tpu.vector_load %arg8[%parallel_loop3A_553, %parallel_loop3A_554, %parallel_loop3A_555] {strides = array<i32>} : memref<2x24x768xf32, #tpu.memory_space<vmem>>, vector<1x1x16xf32>,
        %parallel_loop3A_557 = vector.shape_cast %parallel_loop3A_556 : vector<1x1x16xf32> to vector<16xf32>
        %parallel_loop3A_558 = vector.shape_cast %parallel_loop3A_551 : vector<16xf32> to vector<1x1x16xf32>
        tpu.vector_store %arg8[%parallel_loop3A_553, %parallel_loop3A_554, %parallel_loop3A_555], %parallel_loop3A_558 {strides = array<i32>} : memref<2x24x768xf32, #tpu.memory_space<vmem>>, vector<1x1x16xf32>,
        %parallel_loop3A_559 = arith.constant 1 : i32
        %parallel_loop3A_560 = arith.index_cast %parallel_loop3A_559 : i32 to index
        %parallel_loop3A_561 = arith.index_cast %parallel_loop3A_460 : i32 to index
        %parallel_loop3A_562 = arith.constant 112 : index
        %parallel_loop3A_563 = tpu.vector_load %arg7[%parallel_loop3A_560, %parallel_loop3A_561, %parallel_loop3A_562] {strides = array<i32>} : memref<2x24x768xf32, #tpu.memory_space<vmem>>, vector<1x1x16xf32>,
        %parallel_loop3A_564 = vector.shape_cast %parallel_loop3A_563 : vector<1x1x16xf32> to vector<16xf32>
        %parallel_loop3A_565 = arith.addf %parallel_loop3A_564, %get3A_335 : vector<16xf32>
        %parallel_loop3A_566 = arith.constant 1 : i32
        %parallel_loop3A_567 = arith.index_cast %parallel_loop3A_566 : i32 to index
        %parallel_loop3A_568 = arith.index_cast %parallel_loop3A_460 : i32 to index
        %parallel_loop3A_569 = arith.constant 112 : index
        %parallel_loop3A_570 = tpu.vector_load %arg8[%parallel_loop3A_567, %parallel_loop3A_568, %parallel_loop3A_569] {strides = array<i32>} : memref<2x24x768xf32, #tpu.memory_space<vmem>>, vector<1x1x16xf32>,
        %parallel_loop3A_571 = vector.shape_cast %parallel_loop3A_570 : vector<1x1x16xf32> to vector<16xf32>
        %parallel_loop3A_572 = vector.shape_cast %parallel_loop3A_565 : vector<16xf32> to vector<1x1x16xf32>
        tpu.vector_store %arg8[%parallel_loop3A_567, %parallel_loop3A_568, %parallel_loop3A_569], %parallel_loop3A_572 {strides = array<i32>} : memref<2x24x768xf32, #tpu.memory_space<vmem>>, vector<1x1x16xf32>,
        %parallel_loop3A_573 = arith.constant 1 : i32
        %parallel_loop3A_574 = arith.index_cast %parallel_loop3A_573 : i32 to index
        %parallel_loop3A_575 = arith.index_cast %parallel_loop3A_460 : i32 to index
        %parallel_loop3A_576 = arith.constant 128 : index
        %parallel_loop3A_577 = tpu.vector_load %arg7[%parallel_loop3A_574, %parallel_loop3A_575, %parallel_loop3A_576] {strides = array<i32>} : memref<2x24x768xf32, #tpu.memory_space<vmem>>, vector<1x1x16xf32>,
        %parallel_loop3A_578 = vector.shape_cast %parallel_loop3A_577 : vector<1x1x16xf32> to vector<16xf32>
        %parallel_loop3A_579 = arith.addf %parallel_loop3A_578, %get3A_339 : vector<16xf32>
        %parallel_loop3A_580 = arith.constant 1 : i32
        %parallel_loop3A_581 = arith.index_cast %parallel_loop3A_580 : i32 to index
        %parallel_loop3A_582 = arith.index_cast %parallel_loop3A_460 : i32 to index
        %parallel_loop3A_583 = arith.constant 128 : index
        %parallel_loop3A_584 = tpu.vector_load %arg8[%parallel_loop3A_581, %parallel_loop3A_582, %parallel_loop3A_583] {strides = array<i32>} : memref<2x24x768xf32, #tpu.memory_space<vmem>>, vector<1x1x16xf32>,
        %parallel_loop3A_585 = vector.shape_cast %parallel_loop3A_584 : vector<1x1x16xf32> to vector<16xf32>
        %parallel_loop3A_586 = vector.shape_cast %parallel_loop3A_579 : vector<16xf32> to vector<1x1x16xf32>
        tpu.vector_store %arg8[%parallel_loop3A_581, %parallel_loop3A_582, %parallel_loop3A_583], %parallel_loop3A_586 {strides = array<i32>} : memref<2x24x768xf32, #tpu.memory_space<vmem>>, vector<1x1x16xf32>,
        %parallel_loop3A_587 = arith.constant 1 : i32
        %parallel_loop3A_588 = arith.index_cast %parallel_loop3A_587 : i32 to index
        %parallel_loop3A_589 = arith.index_cast %parallel_loop3A_460 : i32 to index
        %parallel_loop3A_590 = arith.constant 144 : index
        %parallel_loop3A_591 = tpu.vector_load %arg7[%parallel_loop3A_588, %parallel_loop3A_589, %parallel_loop3A_590] {strides = array<i32>} : memref<2x24x768xf32, #tpu.memory_space<vmem>>, vector<1x1x16xf32>,
        %parallel_loop3A_592 = vector.shape_cast %parallel_loop3A_591 : vector<1x1x16xf32> to vector<16xf32>
        %parallel_loop3A_593 = arith.addf %parallel_loop3A_592, %get3A_343 : vector<16xf32>
        %parallel_loop3A_594 = arith.constant 1 : i32
        %parallel_loop3A_595 = arith.index_cast %parallel_loop3A_594 : i32 to index
        %parallel_loop3A_596 = arith.index_cast %parallel_loop3A_460 : i32 to index
        %parallel_loop3A_597 = arith.constant 144 : index
        %parallel_loop3A_598 = tpu.vector_load %arg8[%parallel_loop3A_595, %parallel_loop3A_596, %parallel_loop3A_597] {strides = array<i32>} : memref<2x24x768xf32, #tpu.memory_space<vmem>>, vector<1x1x16xf32>,
        %parallel_loop3A_599 = vector.shape_cast %parallel_loop3A_598 : vector<1x1x16xf32> to vector<16xf32>
        %parallel_loop3A_600 = vector.shape_cast %parallel_loop3A_593 : vector<16xf32> to vector<1x1x16xf32>
        tpu.vector_store %arg8[%parallel_loop3A_595, %parallel_loop3A_596, %parallel_loop3A_597], %parallel_loop3A_600 {strides = array<i32>} : memref<2x24x768xf32, #tpu.memory_space<vmem>>, vector<1x1x16xf32>,
        %parallel_loop3A_601 = arith.constant 1 : i32
        %parallel_loop3A_602 = arith.index_cast %parallel_loop3A_601 : i32 to index
        %parallel_loop3A_603 = arith.index_cast %parallel_loop3A_460 : i32 to index
        %parallel_loop3A_604 = arith.constant 160 : index
        %parallel_loop3A_605 = tpu.vector_load %arg7[%parallel_loop3A_602, %parallel_loop3A_603, %parallel_loop3A_604] {strides = array<i32>} : memref<2x24x768xf32, #tpu.memory_space<vmem>>, vector<1x1x16xf32>,
        %parallel_loop3A_606 = vector.shape_cast %parallel_loop3A_605 : vector<1x1x16xf32> to vector<16xf32>
        %parallel_loop3A_607 = arith.addf %parallel_loop3A_606, %get3A_347 : vector<16xf32>
        %parallel_loop3A_608 = arith.constant 1 : i32
        %parallel_loop3A_609 = arith.index_cast %parallel_loop3A_608 : i32 to index
        %parallel_loop3A_610 = arith.index_cast %parallel_loop3A_460 : i32 to index
        %parallel_loop3A_611 = arith.constant 160 : index
        %parallel_loop3A_612 = tpu.vector_load %arg8[%parallel_loop3A_609, %parallel_loop3A_610, %parallel_loop3A_611] {strides = array<i32>} : memref<2x24x768xf32, #tpu.memory_space<vmem>>, vector<1x1x16xf32>,
        %parallel_loop3A_613 = vector.shape_cast %parallel_loop3A_612 : vector<1x1x16xf32> to vector<16xf32>
        %parallel_loop3A_614 = vector.shape_cast %parallel_loop3A_607 : vector<16xf32> to vector<1x1x16xf32>
        tpu.vector_store %arg8[%parallel_loop3A_609, %parallel_loop3A_610, %parallel_loop3A_611], %parallel_loop3A_614 {strides = array<i32>} : memref<2x24x768xf32, #tpu.memory_space<vmem>>, vector<1x1x16xf32>,
        %parallel_loop3A_615 = arith.constant 1 : i32
        %parallel_loop3A_616 = arith.index_cast %parallel_loop3A_615 : i32 to index
        %parallel_loop3A_617 = arith.index_cast %parallel_loop3A_460 : i32 to index
        %parallel_loop3A_618 = arith.constant 176 : index
        %parallel_loop3A_619 = tpu.vector_load %arg7[%parallel_loop3A_616, %parallel_loop3A_617, %parallel_loop3A_618] {strides = array<i32>} : memref<2x24x768xf32, #tpu.memory_space<vmem>>, vector<1x1x16xf32>,
        %parallel_loop3A_620 = vector.shape_cast %parallel_loop3A_619 : vector<1x1x16xf32> to vector<16xf32>
        %parallel_loop3A_621 = arith.addf %parallel_loop3A_620, %get3A_351 : vector<16xf32>
        %parallel_loop3A_622 = arith.constant 1 : i32
        %parallel_loop3A_623 = arith.index_cast %parallel_loop3A_622 : i32 to index
        %parallel_loop3A_624 = arith.index_cast %parallel_loop3A_460 : i32 to index
        %parallel_loop3A_625 = arith.constant 176 : index
        %parallel_loop3A_626 = tpu.vector_load %arg8[%parallel_loop3A_623, %parallel_loop3A_624, %parallel_loop3A_625] {strides = array<i32>} : memref<2x24x768xf32, #tpu.memory_space<vmem>>, vector<1x1x16xf32>,
        %parallel_loop3A_627 = vector.shape_cast %parallel_loop3A_626 : vector<1x1x16xf32> to vector<16xf32>
        %parallel_loop3A_628 = vector.shape_cast %parallel_loop3A_621 : vector<16xf32> to vector<1x1x16xf32>
        tpu.vector_store %arg8[%parallel_loop3A_623, %parallel_loop3A_624, %parallel_loop3A_625], %parallel_loop3A_628 {strides = array<i32>} : memref<2x24x768xf32, #tpu.memory_space<vmem>>, vector<1x1x16xf32>,
        %parallel_loop3A_629 = arith.constant 1 : i32
        %parallel_loop3A_630 = arith.index_cast %parallel_loop3A_629 : i32 to index
        %parallel_loop3A_631 = arith.index_cast %parallel_loop3A_460 : i32 to index
        %parallel_loop3A_632 = arith.constant 192 : index
        %parallel_loop3A_633 = tpu.vector_load %arg7[%parallel_loop3A_630, %parallel_loop3A_631, %parallel_loop3A_632] {strides = array<i32>} : memref<2x24x768xf32, #tpu.memory_space<vmem>>, vector<1x1x16xf32>,
        %parallel_loop3A_634 = vector.shape_cast %parallel_loop3A_633 : vector<1x1x16xf32> to vector<16xf32>
        %parallel_loop3A_635 = arith.addf %parallel_loop3A_634, %get3A_355 : vector<16xf32>
        %parallel_loop3A_636 = arith.constant 1 : i32
        %parallel_loop3A_637 = arith.index_cast %parallel_loop3A_636 : i32 to index
        %parallel_loop3A_638 = arith.index_cast %parallel_loop3A_460 : i32 to index
        %parallel_loop3A_639 = arith.constant 192 : index
        %parallel_loop3A_640 = tpu.vector_load %arg8[%parallel_loop3A_637, %parallel_loop3A_638, %parallel_loop3A_639] {strides = array<i32>} : memref<2x24x768xf32, #tpu.memory_space<vmem>>, vector<1x1x16xf32>,
        %parallel_loop3A_641 = vector.shape_cast %parallel_loop3A_640 : vector<1x1x16xf32> to vector<16xf32>
        %parallel_loop3A_642 = vector.shape_cast %parallel_loop3A_635 : vector<16xf32> to vector<1x1x16xf32>
        tpu.vector_store %arg8[%parallel_loop3A_637, %parallel_loop3A_638, %parallel_loop3A_639], %parallel_loop3A_642 {strides = array<i32>} : memref<2x24x768xf32, #tpu.memory_space<vmem>>, vector<1x1x16xf32>,
        %parallel_loop3A_643 = arith.constant 1 : i32
        %parallel_loop3A_644 = arith.index_cast %parallel_loop3A_643 : i32 to index
        %parallel_loop3A_645 = arith.index_cast %parallel_loop3A_460 : i32 to index
        %parallel_loop3A_646 = arith.constant 208 : index
        %parallel_loop3A_647 = tpu.vector_load %arg7[%parallel_loop3A_644, %parallel_loop3A_645, %parallel_loop3A_646] {strides = array<i32>} : memref<2x24x768xf32, #tpu.memory_space<vmem>>, vector<1x1x16xf32>,
        %parallel_loop3A_648 = vector.shape_cast %parallel_loop3A_647 : vector<1x1x16xf32> to vector<16xf32>
        %parallel_loop3A_649 = arith.addf %parallel_loop3A_648, %get3A_359 : vector<16xf32>
        %parallel_loop3A_650 = arith.constant 1 : i32
        %parallel_loop3A_651 = arith.index_cast %parallel_loop3A_650 : i32 to index
        %parallel_loop3A_652 = arith.index_cast %parallel_loop3A_460 : i32 to index
        %parallel_loop3A_653 = arith.constant 208 : index
        %parallel_loop3A_654 = tpu.vector_load %arg8[%parallel_loop3A_651, %parallel_loop3A_652, %parallel_loop3A_653] {strides = array<i32>} : memref<2x24x768xf32, #tpu.memory_space<vmem>>, vector<1x1x16xf32>,
        %parallel_loop3A_655 = vector.shape_cast %parallel_loop3A_654 : vector<1x1x16xf32> to vector<16xf32>
        %parallel_loop3A_656 = vector.shape_cast %parallel_loop3A_649 : vector<16xf32> to vector<1x1x16xf32>
        tpu.vector_store %arg8[%parallel_loop3A_651, %parallel_loop3A_652, %parallel_loop3A_653], %parallel_loop3A_656 {strides = array<i32>} : memref<2x24x768xf32, #tpu.memory_space<vmem>>, vector<1x1x16xf32>,
        %parallel_loop3A_657 = arith.constant 1 : i32
        %parallel_loop3A_658 = arith.index_cast %parallel_loop3A_657 : i32 to index
        %parallel_loop3A_659 = arith.index_cast %parallel_loop3A_460 : i32 to index
        %parallel_loop3A_660 = arith.constant 224 : index
        %parallel_loop3A_661 = tpu.vector_load %arg7[%parallel_loop3A_658, %parallel_loop3A_659, %parallel_loop3A_660] {strides = array<i32>} : memref<2x24x768xf32, #tpu.memory_space<vmem>>, vector<1x1x16xf32>,
        %parallel_loop3A_662 = vector.shape_cast %parallel_loop3A_661 : vector<1x1x16xf32> to vector<16xf32>
        %parallel_loop3A_663 = arith.addf %parallel_loop3A_662, %get3A_363 : vector<16xf32>
        %parallel_loop3A_664 = arith.constant 1 : i32
        %parallel_loop3A_665 = arith.index_cast %parallel_loop3A_664 : i32 to index
        %parallel_loop3A_666 = arith.index_cast %parallel_loop3A_460 : i32 to index
        %parallel_loop3A_667 = arith.constant 224 : index
        %parallel_loop3A_668 = tpu.vector_load %arg8[%parallel_loop3A_665, %parallel_loop3A_666, %parallel_loop3A_667] {strides = array<i32>} : memref<2x24x768xf32, #tpu.memory_space<vmem>>, vector<1x1x16xf32>,
        %parallel_loop3A_669 = vector.shape_cast %parallel_loop3A_668 : vector<1x1x16xf32> to vector<16xf32>
        %parallel_loop3A_670 = vector.shape_cast %parallel_loop3A_663 : vector<16xf32> to vector<1x1x16xf32>
        tpu.vector_store %arg8[%parallel_loop3A_665, %parallel_loop3A_666, %parallel_loop3A_667], %parallel_loop3A_670 {strides = array<i32>} : memref<2x24x768xf32, #tpu.memory_space<vmem>>, vector<1x1x16xf32>,
        %parallel_loop3A_671 = arith.constant 1 : i32
        %parallel_loop3A_672 = arith.index_cast %parallel_loop3A_671 : i32 to index
        %parallel_loop3A_673 = arith.index_cast %parallel_loop3A_460 : i32 to index
        %parallel_loop3A_674 = arith.constant 240 : index
        %parallel_loop3A_675 = tpu.vector_load %arg7[%parallel_loop3A_672, %parallel_loop3A_673, %parallel_loop3A_674] {strides = array<i32>} : memref<2x24x768xf32, #tpu.memory_space<vmem>>, vector<1x1x16xf32>,
        %parallel_loop3A_676 = vector.shape_cast %parallel_loop3A_675 : vector<1x1x16xf32> to vector<16xf32>
        %parallel_loop3A_677 = arith.addf %parallel_loop3A_676, %get3A_367 : vector<16xf32>
        %parallel_loop3A_678 = arith.constant 1 : i32
        %parallel_loop3A_679 = arith.index_cast %parallel_loop3A_678 : i32 to index
        %parallel_loop3A_680 = arith.index_cast %parallel_loop3A_460 : i32 to index
        %parallel_loop3A_681 = arith.constant 240 : index
        %parallel_loop3A_682 = tpu.vector_load %arg8[%parallel_loop3A_679, %parallel_loop3A_680, %parallel_loop3A_681] {strides = array<i32>} : memref<2x24x768xf32, #tpu.memory_space<vmem>>, vector<1x1x16xf32>,
        %parallel_loop3A_683 = vector.shape_cast %parallel_loop3A_682 : vector<1x1x16xf32> to vector<16xf32>
        %parallel_loop3A_684 = vector.shape_cast %parallel_loop3A_677 : vector<16xf32> to vector<1x1x16xf32>
        tpu.vector_store %arg8[%parallel_loop3A_679, %parallel_loop3A_680, %parallel_loop3A_681], %parallel_loop3A_684 {strides = array<i32>} : memref<2x24x768xf32, #tpu.memory_space<vmem>>, vector<1x1x16xf32>,
        %parallel_loop3A_685 = arith.constant 1 : i32
        %parallel_loop3A_686 = arith.index_cast %parallel_loop3A_685 : i32 to index
        %parallel_loop3A_687 = arith.index_cast %parallel_loop3A_460 : i32 to index
        %parallel_loop3A_688 = arith.constant 512 : index
        %parallel_loop3A_689 = tpu.vector_load %arg7[%parallel_loop3A_686, %parallel_loop3A_687, %parallel_loop3A_688] {strides = array<i32>} : memref<2x24x768xf32, #tpu.memory_space<vmem>>, vector<1x1x16xf32>,
        %parallel_loop3A_690 = vector.shape_cast %parallel_loop3A_689 : vector<1x1x16xf32> to vector<16xf32>
        %parallel_loop3A_691 = arith.addf %parallel_loop3A_690, %get3A_371 : vector<16xf32>
        %parallel_loop3A_692 = arith.constant 1 : i32
        %parallel_loop3A_693 = arith.index_cast %parallel_loop3A_692 : i32 to index
        %parallel_loop3A_694 = arith.index_cast %parallel_loop3A_460 : i32 to index
        %parallel_loop3A_695 = arith.constant 512 : index
        %parallel_loop3A_696 = tpu.vector_load %arg8[%parallel_loop3A_693, %parallel_loop3A_694, %parallel_loop3A_695] {strides = array<i32>} : memref<2x24x768xf32, #tpu.memory_space<vmem>>, vector<1x1x16xf32>,
        %parallel_loop3A_697 = vector.shape_cast %parallel_loop3A_696 : vector<1x1x16xf32> to vector<16xf32>
        %parallel_loop3A_698 = vector.shape_cast %parallel_loop3A_691 : vector<16xf32> to vector<1x1x16xf32>
        tpu.vector_store %arg8[%parallel_loop3A_693, %parallel_loop3A_694, %parallel_loop3A_695], %parallel_loop3A_698 {strides = array<i32>} : memref<2x24x768xf32, #tpu.memory_space<vmem>>, vector<1x1x16xf32>,
        %parallel_loop3A_699 = arith.constant 1 : i32
        %parallel_loop3A_700 = arith.index_cast %parallel_loop3A_699 : i32 to index
        %parallel_loop3A_701 = arith.index_cast %parallel_loop3A_460 : i32 to index
        %parallel_loop3A_702 = arith.constant 528 : index
        %parallel_loop3A_703 = tpu.vector_load %arg7[%parallel_loop3A_700, %parallel_loop3A_701, %parallel_loop3A_702] {strides = array<i32>} : memref<2x24x768xf32, #tpu.memory_space<vmem>>, vector<1x1x16xf32>,
        %parallel_loop3A_704 = vector.shape_cast %parallel_loop3A_703 : vector<1x1x16xf32> to vector<16xf32>
        %parallel_loop3A_705 = arith.addf %parallel_loop3A_704, %get3A_375 : vector<16xf32>
        %parallel_loop3A_706 = arith.constant 1 : i32
        %parallel_loop3A_707 = arith.index_cast %parallel_loop3A_706 : i32 to index
        %parallel_loop3A_708 = arith.index_cast %parallel_loop3A_460 : i32 to index
        %parallel_loop3A_709 = arith.constant 528 : index
        %parallel_loop3A_710 = tpu.vector_load %arg8[%parallel_loop3A_707, %parallel_loop3A_708, %parallel_loop3A_709] {strides = array<i32>} : memref<2x24x768xf32, #tpu.memory_space<vmem>>, vector<1x1x16xf32>,
        %parallel_loop3A_711 = vector.shape_cast %parallel_loop3A_710 : vector<1x1x16xf32> to vector<16xf32>
        %parallel_loop3A_712 = vector.shape_cast %parallel_loop3A_705 : vector<16xf32> to vector<1x1x16xf32>
        tpu.vector_store %arg8[%parallel_loop3A_707, %parallel_loop3A_708, %parallel_loop3A_709], %parallel_loop3A_712 {strides = array<i32>} : memref<2x24x768xf32, #tpu.memory_space<vmem>>, vector<1x1x16xf32>,
        %parallel_loop3A_713 = arith.constant 1 : i32
        %parallel_loop3A_714 = arith.index_cast %parallel_loop3A_713 : i32 to index
        %parallel_loop3A_715 = arith.index_cast %parallel_loop3A_460 : i32 to index
        %parallel_loop3A_716 = arith.constant 544 : index
        %parallel_loop3A_717 = tpu.vector_load %arg7[%parallel_loop3A_714, %parallel_loop3A_715, %parallel_loop3A_716] {strides = array<i32>} : memref<2x24x768xf32, #tpu.memory_space<vmem>>, vector<1x1x16xf32>,
        %parallel_loop3A_718 = vector.shape_cast %parallel_loop3A_717 : vector<1x1x16xf32> to vector<16xf32>
        %parallel_loop3A_719 = arith.addf %parallel_loop3A_718, %get3A_379 : vector<16xf32>
        %parallel_loop3A_720 = arith.constant 1 : i32
        %parallel_loop3A_721 = arith.index_cast %parallel_loop3A_720 : i32 to index
        %parallel_loop3A_722 = arith.index_cast %parallel_loop3A_460 : i32 to index
        %parallel_loop3A_723 = arith.constant 544 : index
        %parallel_loop3A_724 = tpu.vector_load %arg8[%parallel_loop3A_721, %parallel_loop3A_722, %parallel_loop3A_723] {strides = array<i32>} : memref<2x24x768xf32, #tpu.memory_space<vmem>>, vector<1x1x16xf32>,
        %parallel_loop3A_725 = vector.shape_cast %parallel_loop3A_724 : vector<1x1x16xf32> to vector<16xf32>
        %parallel_loop3A_726 = vector.shape_cast %parallel_loop3A_719 : vector<16xf32> to vector<1x1x16xf32>
        tpu.vector_store %arg8[%parallel_loop3A_721, %parallel_loop3A_722, %parallel_loop3A_723], %parallel_loop3A_726 {strides = array<i32>} : memref<2x24x768xf32, #tpu.memory_space<vmem>>, vector<1x1x16xf32>,
        %parallel_loop3A_727 = arith.constant 1 : i32
        %parallel_loop3A_728 = arith.index_cast %parallel_loop3A_727 : i32 to index
        %parallel_loop3A_729 = arith.index_cast %parallel_loop3A_460 : i32 to index
        %parallel_loop3A_730 = arith.constant 560 : index
        %parallel_loop3A_731 = tpu.vector_load %arg7[%parallel_loop3A_728, %parallel_loop3A_729, %parallel_loop3A_730] {strides = array<i32>} : memref<2x24x768xf32, #tpu.memory_space<vmem>>, vector<1x1x16xf32>,
        %parallel_loop3A_732 = vector.shape_cast %parallel_loop3A_731 : vector<1x1x16xf32> to vector<16xf32>
        %parallel_loop3A_733 = arith.addf %parallel_loop3A_732, %get3A_383 : vector<16xf32>
        %parallel_loop3A_734 = arith.constant 1 : i32
        %parallel_loop3A_735 = arith.index_cast %parallel_loop3A_734 : i32 to index
        %parallel_loop3A_736 = arith.index_cast %parallel_loop3A_460 : i32 to index
        %parallel_loop3A_737 = arith.constant 560 : index
        %parallel_loop3A_738 = tpu.vector_load %arg8[%parallel_loop3A_735, %parallel_loop3A_736, %parallel_loop3A_737] {strides = array<i32>} : memref<2x24x768xf32, #tpu.memory_space<vmem>>, vector<1x1x16xf32>,
        %parallel_loop3A_739 = vector.shape_cast %parallel_loop3A_738 : vector<1x1x16xf32> to vector<16xf32>
        %parallel_loop3A_740 = vector.shape_cast %parallel_loop3A_733 : vector<16xf32> to vector<1x1x16xf32>
        tpu.vector_store %arg8[%parallel_loop3A_735, %parallel_loop3A_736, %parallel_loop3A_737], %parallel_loop3A_740 {strides = array<i32>} : memref<2x24x768xf32, #tpu.memory_space<vmem>>, vector<1x1x16xf32>,
        %parallel_loop3A_741 = arith.constant 1 : i32
        %parallel_loop3A_742 = arith.index_cast %parallel_loop3A_741 : i32 to index
        %parallel_loop3A_743 = arith.index_cast %parallel_loop3A_460 : i32 to index
        %parallel_loop3A_744 = arith.constant 576 : index
        %parallel_loop3A_745 = tpu.vector_load %arg7[%parallel_loop3A_742, %parallel_loop3A_743, %parallel_loop3A_744] {strides = array<i32>} : memref<2x24x768xf32, #tpu.memory_space<vmem>>, vector<1x1x16xf32>,
        %parallel_loop3A_746 = vector.shape_cast %parallel_loop3A_745 : vector<1x1x16xf32> to vector<16xf32>
        %parallel_loop3A_747 = arith.addf %parallel_loop3A_746, %get3A_387 : vector<16xf32>
        %parallel_loop3A_748 = arith.constant 1 : i32
        %parallel_loop3A_749 = arith.index_cast %parallel_loop3A_748 : i32 to index
        %parallel_loop3A_750 = arith.index_cast %parallel_loop3A_460 : i32 to index
        %parallel_loop3A_751 = arith.constant 576 : index
        %parallel_loop3A_752 = tpu.vector_load %arg8[%parallel_loop3A_749, %parallel_loop3A_750, %parallel_loop3A_751] {strides = array<i32>} : memref<2x24x768xf32, #tpu.memory_space<vmem>>, vector<1x1x16xf32>,
        %parallel_loop3A_753 = vector.shape_cast %parallel_loop3A_752 : vector<1x1x16xf32> to vector<16xf32>
        %parallel_loop3A_754 = vector.shape_cast %parallel_loop3A_747 : vector<16xf32> to vector<1x1x16xf32>
        tpu.vector_store %arg8[%parallel_loop3A_749, %parallel_loop3A_750, %parallel_loop3A_751], %parallel_loop3A_754 {strides = array<i32>} : memref<2x24x768xf32, #tpu.memory_space<vmem>>, vector<1x1x16xf32>,
        %parallel_loop3A_755 = arith.constant 1 : i32
        %parallel_loop3A_756 = arith.index_cast %parallel_loop3A_755 : i32 to index
        %parallel_loop3A_757 = arith.index_cast %parallel_loop3A_460 : i32 to index
        %parallel_loop3A_758 = arith.constant 592 : index
        %parallel_loop3A_759 = tpu.vector_load %arg7[%parallel_loop3A_756, %parallel_loop3A_757, %parallel_loop3A_758] {strides = array<i32>} : memref<2x24x768xf32, #tpu.memory_space<vmem>>, vector<1x1x16xf32>,
        %parallel_loop3A_760 = vector.shape_cast %parallel_loop3A_759 : vector<1x1x16xf32> to vector<16xf32>
        %parallel_loop3A_761 = arith.addf %parallel_loop3A_760, %get3A_391 : vector<16xf32>
        %parallel_loop3A_762 = arith.constant 1 : i32
        %parallel_loop3A_763 = arith.index_cast %parallel_loop3A_762 : i32 to index
        %parallel_loop3A_764 = arith.index_cast %parallel_loop3A_460 : i32 to index
        %parallel_loop3A_765 = arith.constant 592 : index
        %parallel_loop3A_766 = tpu.vector_load %arg8[%parallel_loop3A_763, %parallel_loop3A_764, %parallel_loop3A_765] {strides = array<i32>} : memref<2x24x768xf32, #tpu.memory_space<vmem>>, vector<1x1x16xf32>,
        %parallel_loop3A_767 = vector.shape_cast %parallel_loop3A_766 : vector<1x1x16xf32> to vector<16xf32>
        %parallel_loop3A_768 = vector.shape_cast %parallel_loop3A_761 : vector<16xf32> to vector<1x1x16xf32>
        tpu.vector_store %arg8[%parallel_loop3A_763, %parallel_loop3A_764, %parallel_loop3A_765], %parallel_loop3A_768 {strides = array<i32>} : memref<2x24x768xf32, #tpu.memory_space<vmem>>, vector<1x1x16xf32>,
        %parallel_loop3A_769 = arith.constant 1 : i32
        %parallel_loop3A_770 = arith.index_cast %parallel_loop3A_769 : i32 to index
        %parallel_loop3A_771 = arith.index_cast %parallel_loop3A_460 : i32 to index
        %parallel_loop3A_772 = arith.constant 608 : index
        %parallel_loop3A_773 = tpu.vector_load %arg7[%parallel_loop3A_770, %parallel_loop3A_771, %parallel_loop3A_772] {strides = array<i32>} : memref<2x24x768xf32, #tpu.memory_space<vmem>>, vector<1x1x16xf32>,
        %parallel_loop3A_774 = vector.shape_cast %parallel_loop3A_773 : vector<1x1x16xf32> to vector<16xf32>
        %parallel_loop3A_775 = arith.addf %parallel_loop3A_774, %get3A_395 : vector<16xf32>
        %parallel_loop3A_776 = arith.constant 1 : i32
        %parallel_loop3A_777 = arith.index_cast %parallel_loop3A_776 : i32 to index
        %parallel_loop3A_778 = arith.index_cast %parallel_loop3A_460 : i32 to index
        %parallel_loop3A_779 = arith.constant 608 : index
        %parallel_loop3A_780 = tpu.vector_load %arg8[%parallel_loop3A_777, %parallel_loop3A_778, %parallel_loop3A_779] {strides = array<i32>} : memref<2x24x768xf32, #tpu.memory_space<vmem>>, vector<1x1x16xf32>,
        %parallel_loop3A_781 = vector.shape_cast %parallel_loop3A_780 : vector<1x1x16xf32> to vector<16xf32>
        %parallel_loop3A_782 = vector.shape_cast %parallel_loop3A_775 : vector<16xf32> to vector<1x1x16xf32>
        tpu.vector_store %arg8[%parallel_loop3A_777, %parallel_loop3A_778, %parallel_loop3A_779], %parallel_loop3A_782 {strides = array<i32>} : memref<2x24x768xf32, #tpu.memory_space<vmem>>, vector<1x1x16xf32>,
        %parallel_loop3A_783 = arith.constant 1 : i32
        %parallel_loop3A_784 = arith.index_cast %parallel_loop3A_783 : i32 to index
        %parallel_loop3A_785 = arith.index_cast %parallel_loop3A_460 : i32 to index
        %parallel_loop3A_786 = arith.constant 624 : index
        %parallel_loop3A_787 = tpu.vector_load %arg7[%parallel_loop3A_784, %parallel_loop3A_785, %parallel_loop3A_786] {strides = array<i32>} : memref<2x24x768xf32, #tpu.memory_space<vmem>>, vector<1x1x16xf32>,
        %parallel_loop3A_788 = vector.shape_cast %parallel_loop3A_787 : vector<1x1x16xf32> to vector<16xf32>
        %parallel_loop3A_789 = arith.addf %parallel_loop3A_788, %get3A_399 : vector<16xf32>
        %parallel_loop3A_790 = arith.constant 1 : i32
        %parallel_loop3A_791 = arith.index_cast %parallel_loop3A_790 : i32 to index
        %parallel_loop3A_792 = arith.index_cast %parallel_loop3A_460 : i32 to index
        %parallel_loop3A_793 = arith.constant 624 : index
        %parallel_loop3A_794 = tpu.vector_load %arg8[%parallel_loop3A_791, %parallel_loop3A_792, %parallel_loop3A_793] {strides = array<i32>} : memref<2x24x768xf32, #tpu.memory_space<vmem>>, vector<1x1x16xf32>,
        %parallel_loop3A_795 = vector.shape_cast %parallel_loop3A_794 : vector<1x1x16xf32> to vector<16xf32>
        %parallel_loop3A_796 = vector.shape_cast %parallel_loop3A_789 : vector<16xf32> to vector<1x1x16xf32>
        tpu.vector_store %arg8[%parallel_loop3A_791, %parallel_loop3A_792, %parallel_loop3A_793], %parallel_loop3A_796 {strides = array<i32>} : memref<2x24x768xf32, #tpu.memory_space<vmem>>, vector<1x1x16xf32>,
        %parallel_loop3A_797 = arith.constant 1 : i32
        %parallel_loop3A_798 = arith.index_cast %parallel_loop3A_797 : i32 to index
        %parallel_loop3A_799 = arith.index_cast %parallel_loop3A_460 : i32 to index
        %parallel_loop3A_800 = arith.constant 640 : index
        %parallel_loop3A_801 = tpu.vector_load %arg7[%parallel_loop3A_798, %parallel_loop3A_799, %parallel_loop3A_800] {strides = array<i32>} : memref<2x24x768xf32, #tpu.memory_space<vmem>>, vector<1x1x16xf32>,
        %parallel_loop3A_802 = vector.shape_cast %parallel_loop3A_801 : vector<1x1x16xf32> to vector<16xf32>
        %parallel_loop3A_803 = arith.addf %parallel_loop3A_802, %get3A_403 : vector<16xf32>
        %parallel_loop3A_804 = arith.constant 1 : i32
        %parallel_loop3A_805 = arith.index_cast %parallel_loop3A_804 : i32 to index
        %parallel_loop3A_806 = arith.index_cast %parallel_loop3A_460 : i32 to index
        %parallel_loop3A_807 = arith.constant 640 : index
        %parallel_loop3A_808 = tpu.vector_load %arg8[%parallel_loop3A_805, %parallel_loop3A_806, %parallel_loop3A_807] {strides = array<i32>} : memref<2x24x768xf32, #tpu.memory_space<vmem>>, vector<1x1x16xf32>,
        %parallel_loop3A_809 = vector.shape_cast %parallel_loop3A_808 : vector<1x1x16xf32> to vector<16xf32>
        %parallel_loop3A_810 = vector.shape_cast %parallel_loop3A_803 : vector<16xf32> to vector<1x1x16xf32>
        tpu.vector_store %arg8[%parallel_loop3A_805, %parallel_loop3A_806, %parallel_loop3A_807], %parallel_loop3A_810 {strides = array<i32>} : memref<2x24x768xf32, #tpu.memory_space<vmem>>, vector<1x1x16xf32>,
        %parallel_loop3A_811 = arith.constant 1 : i32
        %parallel_loop3A_812 = arith.index_cast %parallel_loop3A_811 : i32 to index
        %parallel_loop3A_813 = arith.index_cast %parallel_loop3A_460 : i32 to index
        %parallel_loop3A_814 = arith.constant 656 : index
        %parallel_loop3A_815 = tpu.vector_load %arg7[%parallel_loop3A_812, %parallel_loop3A_813, %parallel_loop3A_814] {strides = array<i32>} : memref<2x24x768xf32, #tpu.memory_space<vmem>>, vector<1x1x16xf32>,
        %parallel_loop3A_816 = vector.shape_cast %parallel_loop3A_815 : vector<1x1x16xf32> to vector<16xf32>
        %parallel_loop3A_817 = arith.addf %parallel_loop3A_816, %get3A_407 : vector<16xf32>
        %parallel_loop3A_818 = arith.constant 1 : i32
        %parallel_loop3A_819 = arith.index_cast %parallel_loop3A_818 : i32 to index
        %parallel_loop3A_820 = arith.index_cast %parallel_loop3A_460 : i32 to index
        %parallel_loop3A_821 = arith.constant 656 : index
        %parallel_loop3A_822 = tpu.vector_load %arg8[%parallel_loop3A_819, %parallel_loop3A_820, %parallel_loop3A_821] {strides = array<i32>} : memref<2x24x768xf32, #tpu.memory_space<vmem>>, vector<1x1x16xf32>,
        %parallel_loop3A_823 = vector.shape_cast %parallel_loop3A_822 : vector<1x1x16xf32> to vector<16xf32>
        %parallel_loop3A_824 = vector.shape_cast %parallel_loop3A_817 : vector<16xf32> to vector<1x1x16xf32>
        tpu.vector_store %arg8[%parallel_loop3A_819, %parallel_loop3A_820, %parallel_loop3A_821], %parallel_loop3A_824 {strides = array<i32>} : memref<2x24x768xf32, #tpu.memory_space<vmem>>, vector<1x1x16xf32>,
        %parallel_loop3A_825 = arith.constant 1 : i32
        %parallel_loop3A_826 = arith.index_cast %parallel_loop3A_825 : i32 to index
        %parallel_loop3A_827 = arith.index_cast %parallel_loop3A_460 : i32 to index
        %parallel_loop3A_828 = arith.constant 672 : index
        %parallel_loop3A_829 = tpu.vector_load %arg7[%parallel_loop3A_826, %parallel_loop3A_827, %parallel_loop3A_828] {strides = array<i32>} : memref<2x24x768xf32, #tpu.memory_space<vmem>>, vector<1x1x16xf32>,
        %parallel_loop3A_830 = vector.shape_cast %parallel_loop3A_829 : vector<1x1x16xf32> to vector<16xf32>
        %parallel_loop3A_831 = arith.addf %parallel_loop3A_830, %get3A_411 : vector<16xf32>
        %parallel_loop3A_832 = arith.constant 1 : i32
        %parallel_loop3A_833 = arith.index_cast %parallel_loop3A_832 : i32 to index
        %parallel_loop3A_834 = arith.index_cast %parallel_loop3A_460 : i32 to index
        %parallel_loop3A_835 = arith.constant 672 : index
        %parallel_loop3A_836 = tpu.vector_load %arg8[%parallel_loop3A_833, %parallel_loop3A_834, %parallel_loop3A_835] {strides = array<i32>} : memref<2x24x768xf32, #tpu.memory_space<vmem>>, vector<1x1x16xf32>,
        %parallel_loop3A_837 = vector.shape_cast %parallel_loop3A_836 : vector<1x1x16xf32> to vector<16xf32>
        %parallel_loop3A_838 = vector.shape_cast %parallel_loop3A_831 : vector<16xf32> to vector<1x1x16xf32>
        tpu.vector_store %arg8[%parallel_loop3A_833, %parallel_loop3A_834, %parallel_loop3A_835], %parallel_loop3A_838 {strides = array<i32>} : memref<2x24x768xf32, #tpu.memory_space<vmem>>, vector<1x1x16xf32>,
        %parallel_loop3A_839 = arith.constant 1 : i32
        %parallel_loop3A_840 = arith.index_cast %parallel_loop3A_839 : i32 to index
        %parallel_loop3A_841 = arith.index_cast %parallel_loop3A_460 : i32 to index
        %parallel_loop3A_842 = arith.constant 688 : index
        %parallel_loop3A_843 = tpu.vector_load %arg7[%parallel_loop3A_840, %parallel_loop3A_841, %parallel_loop3A_842] {strides = array<i32>} : memref<2x24x768xf32, #tpu.memory_space<vmem>>, vector<1x1x16xf32>,
        %parallel_loop3A_844 = vector.shape_cast %parallel_loop3A_843 : vector<1x1x16xf32> to vector<16xf32>
        %parallel_loop3A_845 = arith.addf %parallel_loop3A_844, %get3A_415 : vector<16xf32>
        %parallel_loop3A_846 = arith.constant 1 : i32
        %parallel_loop3A_847 = arith.index_cast %parallel_loop3A_846 : i32 to index
        %parallel_loop3A_848 = arith.index_cast %parallel_loop3A_460 : i32 to index
        %parallel_loop3A_849 = arith.constant 688 : index
        %parallel_loop3A_850 = tpu.vector_load %arg8[%parallel_loop3A_847, %parallel_loop3A_848, %parallel_loop3A_849] {strides = array<i32>} : memref<2x24x768xf32, #tpu.memory_space<vmem>>, vector<1x1x16xf32>,
        %parallel_loop3A_851 = vector.shape_cast %parallel_loop3A_850 : vector<1x1x16xf32> to vector<16xf32>
        %parallel_loop3A_852 = vector.shape_cast %parallel_loop3A_845 : vector<16xf32> to vector<1x1x16xf32>
        tpu.vector_store %arg8[%parallel_loop3A_847, %parallel_loop3A_848, %parallel_loop3A_849], %parallel_loop3A_852 {strides = array<i32>} : memref<2x24x768xf32, #tpu.memory_space<vmem>>, vector<1x1x16xf32>,
        %parallel_loop3A_853 = arith.constant 1 : i32
        %parallel_loop3A_854 = arith.index_cast %parallel_loop3A_853 : i32 to index
        %parallel_loop3A_855 = arith.index_cast %parallel_loop3A_460 : i32 to index
        %parallel_loop3A_856 = arith.constant 704 : index
        %parallel_loop3A_857 = tpu.vector_load %arg7[%parallel_loop3A_854, %parallel_loop3A_855, %parallel_loop3A_856] {strides = array<i32>} : memref<2x24x768xf32, #tpu.memory_space<vmem>>, vector<1x1x16xf32>,
        %parallel_loop3A_858 = vector.shape_cast %parallel_loop3A_857 : vector<1x1x16xf32> to vector<16xf32>
        %parallel_loop3A_859 = arith.addf %parallel_loop3A_858, %get3A_419 : vector<16xf32>
        %parallel_loop3A_860 = arith.constant 1 : i32
        %parallel_loop3A_861 = arith.index_cast %parallel_loop3A_860 : i32 to index
        %parallel_loop3A_862 = arith.index_cast %parallel_loop3A_460 : i32 to index
        %parallel_loop3A_863 = arith.constant 704 : index
        %parallel_loop3A_864 = tpu.vector_load %arg8[%parallel_loop3A_861, %parallel_loop3A_862, %parallel_loop3A_863] {strides = array<i32>} : memref<2x24x768xf32, #tpu.memory_space<vmem>>, vector<1x1x16xf32>,
        %parallel_loop3A_865 = vector.shape_cast %parallel_loop3A_864 : vector<1x1x16xf32> to vector<16xf32>
        %parallel_loop3A_866 = vector.shape_cast %parallel_loop3A_859 : vector<16xf32> to vector<1x1x16xf32>
        tpu.vector_store %arg8[%parallel_loop3A_861, %parallel_loop3A_862, %parallel_loop3A_863], %parallel_loop3A_866 {strides = array<i32>} : memref<2x24x768xf32, #tpu.memory_space<vmem>>, vector<1x1x16xf32>,
        %parallel_loop3A_867 = arith.constant 1 : i32
        %parallel_loop3A_868 = arith.index_cast %parallel_loop3A_867 : i32 to index
        %parallel_loop3A_869 = arith.index_cast %parallel_loop3A_460 : i32 to index
        %parallel_loop3A_870 = arith.constant 720 : index
        %parallel_loop3A_871 = tpu.vector_load %arg7[%parallel_loop3A_868, %parallel_loop3A_869, %parallel_loop3A_870] {strides = array<i32>} : memref<2x24x768xf32, #tpu.memory_space<vmem>>, vector<1x1x16xf32>,
        %parallel_loop3A_872 = vector.shape_cast %parallel_loop3A_871 : vector<1x1x16xf32> to vector<16xf32>
        %parallel_loop3A_873 = arith.addf %parallel_loop3A_872, %get3A_423 : vector<16xf32>
        %parallel_loop3A_874 = arith.constant 1 : i32
        %parallel_loop3A_875 = arith.index_cast %parallel_loop3A_874 : i32 to index
        %parallel_loop3A_876 = arith.index_cast %parallel_loop3A_460 : i32 to index
        %parallel_loop3A_877 = arith.constant 720 : index
        %parallel_loop3A_878 = tpu.vector_load %arg8[%parallel_loop3A_875, %parallel_loop3A_876, %parallel_loop3A_877] {strides = array<i32>} : memref<2x24x768xf32, #tpu.memory_space<vmem>>, vector<1x1x16xf32>,
        %parallel_loop3A_879 = vector.shape_cast %parallel_loop3A_878 : vector<1x1x16xf32> to vector<16xf32>
        %parallel_loop3A_880 = vector.shape_cast %parallel_loop3A_873 : vector<16xf32> to vector<1x1x16xf32>
        tpu.vector_store %arg8[%parallel_loop3A_875, %parallel_loop3A_876, %parallel_loop3A_877], %parallel_loop3A_880 {strides = array<i32>} : memref<2x24x768xf32, #tpu.memory_space<vmem>>, vector<1x1x16xf32>,
        %parallel_loop3A_881 = arith.constant 1 : i32
        %parallel_loop3A_882 = arith.index_cast %parallel_loop3A_881 : i32 to index
        %parallel_loop3A_883 = arith.index_cast %parallel_loop3A_460 : i32 to index
        %parallel_loop3A_884 = arith.constant 736 : index
        %parallel_loop3A_885 = tpu.vector_load %arg7[%parallel_loop3A_882, %parallel_loop3A_883, %parallel_loop3A_884] {strides = array<i32>} : memref<2x24x768xf32, #tpu.memory_space<vmem>>, vector<1x1x16xf32>,
        %parallel_loop3A_886 = vector.shape_cast %parallel_loop3A_885 : vector<1x1x16xf32> to vector<16xf32>
        %parallel_loop3A_887 = arith.addf %parallel_loop3A_886, %get3A_427 : vector<16xf32>
        %parallel_loop3A_888 = arith.constant 1 : i32
        %parallel_loop3A_889 = arith.index_cast %parallel_loop3A_888 : i32 to index
        %parallel_loop3A_890 = arith.index_cast %parallel_loop3A_460 : i32 to index
        %parallel_loop3A_891 = arith.constant 736 : index
        %parallel_loop3A_892 = tpu.vector_load %arg8[%parallel_loop3A_889, %parallel_loop3A_890, %parallel_loop3A_891] {strides = array<i32>} : memref<2x24x768xf32, #tpu.memory_space<vmem>>, vector<1x1x16xf32>,
        %parallel_loop3A_893 = vector.shape_cast %parallel_loop3A_892 : vector<1x1x16xf32> to vector<16xf32>
        %parallel_loop3A_894 = vector.shape_cast %parallel_loop3A_887 : vector<16xf32> to vector<1x1x16xf32>
        tpu.vector_store %arg8[%parallel_loop3A_889, %parallel_loop3A_890, %parallel_loop3A_891], %parallel_loop3A_894 {strides = array<i32>} : memref<2x24x768xf32, #tpu.memory_space<vmem>>, vector<1x1x16xf32>,
        %parallel_loop3A_895 = arith.constant 1 : i32
        %parallel_loop3A_896 = arith.index_cast %parallel_loop3A_895 : i32 to index
        %parallel_loop3A_897 = arith.index_cast %parallel_loop3A_460 : i32 to index
        %parallel_loop3A_898 = arith.constant 752 : index
        %parallel_loop3A_899 = tpu.vector_load %arg7[%parallel_loop3A_896, %parallel_loop3A_897, %parallel_loop3A_898] {strides = array<i32>} : memref<2x24x768xf32, #tpu.memory_space<vmem>>, vector<1x1x16xf32>,
        %parallel_loop3A_900 = vector.shape_cast %parallel_loop3A_899 : vector<1x1x16xf32> to vector<16xf32>
        %parallel_loop3A_901 = arith.addf %parallel_loop3A_900, %get3A_431 : vector<16xf32>
        %parallel_loop3A_902 = arith.constant 1 : i32
        %parallel_loop3A_903 = arith.index_cast %parallel_loop3A_902 : i32 to index
        %parallel_loop3A_904 = arith.index_cast %parallel_loop3A_460 : i32 to index
        %parallel_loop3A_905 = arith.constant 752 : index
        %parallel_loop3A_906 = tpu.vector_load %arg8[%parallel_loop3A_903, %parallel_loop3A_904, %parallel_loop3A_905] {strides = array<i32>} : memref<2x24x768xf32, #tpu.memory_space<vmem>>, vector<1x1x16xf32>,
        %parallel_loop3A_907 = vector.shape_cast %parallel_loop3A_906 : vector<1x1x16xf32> to vector<16xf32>
        %parallel_loop3A_908 = vector.shape_cast %parallel_loop3A_901 : vector<16xf32> to vector<1x1x16xf32>
        tpu.vector_store %arg8[%parallel_loop3A_903, %parallel_loop3A_904, %parallel_loop3A_905], %parallel_loop3A_908 {strides = array<i32>} : memref<2x24x768xf32, #tpu.memory_space<vmem>>, vector<1x1x16xf32>,
      } {sc.loop_unroll_factor = 1 : i64, sc.parallel_access}
      %parallel_loop3A_435 = arith.constant 0 : i32
      %parallel_loop3A_436 = arith.constant 24 : i32
      %parallel_loop3A_437 = arith.constant 1 : i32
      scf.for %parallel_loop3A_460 = %parallel_loop3A_435 to %parallel_loop3A_436 step %parallel_loop3A_437  : i32 {
        %parallel_loop3A_461 = arith.constant 1 : i32
        %parallel_loop3A_462 = arith.index_cast %parallel_loop3A_461 : i32 to index
        %parallel_loop3A_463 = arith.index_cast %parallel_loop3A_460 : i32 to index
        %parallel_loop3A_464 = arith.constant 256 : index
        %parallel_loop3A_465 = tpu.vector_load %arg7[%parallel_loop3A_462, %parallel_loop3A_463, %parallel_loop3A_464] {strides = array<i32>} : memref<2x24x768xf32, #tpu.memory_space<vmem>>, vector<1x1x16xf32>,
        %parallel_loop3A_466 = vector.shape_cast %parallel_loop3A_465 : vector<1x1x16xf32> to vector<16xf32>
        %parallel_loop3A_467 = arith.index_cast %parallel_loop3A_460 : i32 to index
        %parallel_loop3A_468 = arith.constant 0 : index
        %parallel_loop3A_469 = tpu.vector_load %arg11[%parallel_loop3A_467, %parallel_loop3A_468] {strides = array<i32>} : memref<24x256xf32, #tpu.memory_space<vmem>>, vector<1x16xf32>,
        %parallel_loop3A_470 = vector.shape_cast %parallel_loop3A_469 : vector<1x16xf32> to vector<16xf32>
        %parallel_loop3A_471 = arith.addf %parallel_loop3A_466, %parallel_loop3A_470 : vector<16xf32>
        %parallel_loop3A_472 = arith.constant 1 : i32
        %parallel_loop3A_473 = arith.index_cast %parallel_loop3A_472 : i32 to index
        %parallel_loop3A_474 = arith.index_cast %parallel_loop3A_460 : i32 to index
        %parallel_loop3A_475 = arith.constant 256 : index
        %parallel_loop3A_476 = tpu.vector_load %arg8[%parallel_loop3A_473, %parallel_loop3A_474, %parallel_loop3A_475] {strides = array<i32>} : memref<2x24x768xf32, #tpu.memory_space<vmem>>, vector<1x1x16xf32>,
        %parallel_loop3A_477 = vector.shape_cast %parallel_loop3A_476 : vector<1x1x16xf32> to vector<16xf32>
        %parallel_loop3A_478 = vector.shape_cast %parallel_loop3A_471 : vector<16xf32> to vector<1x1x16xf32>
        tpu.vector_store %arg8[%parallel_loop3A_473, %parallel_loop3A_474, %parallel_loop3A_475], %parallel_loop3A_478 {strides = array<i32>} : memref<2x24x768xf32, #tpu.memory_space<vmem>>, vector<1x1x16xf32>,
        %parallel_loop3A_479 = arith.constant 1 : i32
        %parallel_loop3A_480 = arith.index_cast %parallel_loop3A_479 : i32 to index
        %parallel_loop3A_481 = arith.index_cast %parallel_loop3A_460 : i32 to index
        %parallel_loop3A_482 = arith.constant 272 : index
        %parallel_loop3A_483 = tpu.vector_load %arg7[%parallel_loop3A_480, %parallel_loop3A_481, %parallel_loop3A_482] {strides = array<i32>} : memref<2x24x768xf32, #tpu.memory_space<vmem>>, vector<1x1x16xf32>,
        %parallel_loop3A_484 = vector.shape_cast %parallel_loop3A_483 : vector<1x1x16xf32> to vector<16xf32>
        %parallel_loop3A_485 = arith.index_cast %parallel_loop3A_460 : i32 to index
        %parallel_loop3A_486 = arith.constant 16 : index
        %parallel_loop3A_487 = tpu.vector_load %arg11[%parallel_loop3A_485, %parallel_loop3A_486] {strides = array<i32>} : memref<24x256xf32, #tpu.memory_space<vmem>>, vector<1x16xf32>,
        %parallel_loop3A_488 = vector.shape_cast %parallel_loop3A_487 : vector<1x16xf32> to vector<16xf32>
        %parallel_loop3A_489 = arith.addf %parallel_loop3A_484, %parallel_loop3A_488 : vector<16xf32>
        %parallel_loop3A_490 = arith.constant 1 : i32
        %parallel_loop3A_491 = arith.index_cast %parallel_loop3A_490 : i32 to index
        %parallel_loop3A_492 = arith.index_cast %parallel_loop3A_460 : i32 to index
        %parallel_loop3A_493 = arith.constant 272 : index
        %parallel_loop3A_494 = tpu.vector_load %arg8[%parallel_loop3A_491, %parallel_loop3A_492, %parallel_loop3A_493] {strides = array<i32>} : memref<2x24x768xf32, #tpu.memory_space<vmem>>, vector<1x1x16xf32>,
        %parallel_loop3A_495 = vector.shape_cast %parallel_loop3A_494 : vector<1x1x16xf32> to vector<16xf32>
        %parallel_loop3A_496 = vector.shape_cast %parallel_loop3A_489 : vector<16xf32> to vector<1x1x16xf32>
        tpu.vector_store %arg8[%parallel_loop3A_491, %parallel_loop3A_492, %parallel_loop3A_493], %parallel_loop3A_496 {strides = array<i32>} : memref<2x24x768xf32, #tpu.memory_space<vmem>>, vector<1x1x16xf32>,
        %parallel_loop3A_497 = arith.constant 1 : i32
        %parallel_loop3A_498 = arith.index_cast %parallel_loop3A_497 : i32 to index
        %parallel_loop3A_499 = arith.index_cast %parallel_loop3A_460 : i32 to index
        %parallel_loop3A_500 = arith.constant 288 : index
        %parallel_loop3A_501 = tpu.vector_load %arg7[%parallel_loop3A_498, %parallel_loop3A_499, %parallel_loop3A_500] {strides = array<i32>} : memref<2x24x768xf32, #tpu.memory_space<vmem>>, vector<1x1x16xf32>,
        %parallel_loop3A_502 = vector.shape_cast %parallel_loop3A_501 : vector<1x1x16xf32> to vector<16xf32>
        %parallel_loop3A_503 = arith.index_cast %parallel_loop3A_460 : i32 to index
        %parallel_loop3A_504 = arith.constant 32 : index
        %parallel_loop3A_505 = tpu.vector_load %arg11[%parallel_loop3A_503, %parallel_loop3A_504] {strides = array<i32>} : memref<24x256xf32, #tpu.memory_space<vmem>>, vector<1x16xf32>,
        %parallel_loop3A_506 = vector.shape_cast %parallel_loop3A_505 : vector<1x16xf32> to vector<16xf32>
        %parallel_loop3A_507 = arith.addf %parallel_loop3A_502, %parallel_loop3A_506 : vector<16xf32>
        %parallel_loop3A_508 = arith.constant 1 : i32
        %parallel_loop3A_509 = arith.index_cast %parallel_loop3A_508 : i32 to index
        %parallel_loop3A_510 = arith.index_cast %parallel_loop3A_460 : i32 to index
        %parallel_loop3A_511 = arith.constant 288 : index
        %parallel_loop3A_512 = tpu.vector_load %arg8[%parallel_loop3A_509, %parallel_loop3A_510, %parallel_loop3A_511] {strides = array<i32>} : memref<2x24x768xf32, #tpu.memory_space<vmem>>, vector<1x1x16xf32>,
        %parallel_loop3A_513 = vector.shape_cast %parallel_loop3A_512 : vector<1x1x16xf32> to vector<16xf32>
        %parallel_loop3A_514 = vector.shape_cast %parallel_loop3A_507 : vector<16xf32> to vector<1x1x16xf32>
        tpu.vector_store %arg8[%parallel_loop3A_509, %parallel_loop3A_510, %parallel_loop3A_511], %parallel_loop3A_514 {strides = array<i32>} : memref<2x24x768xf32, #tpu.memory_space<vmem>>, vector<1x1x16xf32>,
        %parallel_loop3A_515 = arith.constant 1 : i32
        %parallel_loop3A_516 = arith.index_cast %parallel_loop3A_515 : i32 to index
        %parallel_loop3A_517 = arith.index_cast %parallel_loop3A_460 : i32 to index
        %parallel_loop3A_518 = arith.constant 304 : index
        %parallel_loop3A_519 = tpu.vector_load %arg7[%parallel_loop3A_516, %parallel_loop3A_517, %parallel_loop3A_518] {strides = array<i32>} : memref<2x24x768xf32, #tpu.memory_space<vmem>>, vector<1x1x16xf32>,
        %parallel_loop3A_520 = vector.shape_cast %parallel_loop3A_519 : vector<1x1x16xf32> to vector<16xf32>
        %parallel_loop3A_521 = arith.index_cast %parallel_loop3A_460 : i32 to index
        %parallel_loop3A_522 = arith.constant 48 : index
        %parallel_loop3A_523 = tpu.vector_load %arg11[%parallel_loop3A_521, %parallel_loop3A_522] {strides = array<i32>} : memref<24x256xf32, #tpu.memory_space<vmem>>, vector<1x16xf32>,
        %parallel_loop3A_524 = vector.shape_cast %parallel_loop3A_523 : vector<1x16xf32> to vector<16xf32>
        %parallel_loop3A_525 = arith.addf %parallel_loop3A_520, %parallel_loop3A_524 : vector<16xf32>
        %parallel_loop3A_526 = arith.constant 1 : i32
        %parallel_loop3A_527 = arith.index_cast %parallel_loop3A_526 : i32 to index
        %parallel_loop3A_528 = arith.index_cast %parallel_loop3A_460 : i32 to index
        %parallel_loop3A_529 = arith.constant 304 : index
        %parallel_loop3A_530 = tpu.vector_load %arg8[%parallel_loop3A_527, %parallel_loop3A_528, %parallel_loop3A_529] {strides = array<i32>} : memref<2x24x768xf32, #tpu.memory_space<vmem>>, vector<1x1x16xf32>,
        %parallel_loop3A_531 = vector.shape_cast %parallel_loop3A_530 : vector<1x1x16xf32> to vector<16xf32>
        %parallel_loop3A_532 = vector.shape_cast %parallel_loop3A_525 : vector<16xf32> to vector<1x1x16xf32>
        tpu.vector_store %arg8[%parallel_loop3A_527, %parallel_loop3A_528, %parallel_loop3A_529], %parallel_loop3A_532 {strides = array<i32>} : memref<2x24x768xf32, #tpu.memory_space<vmem>>, vector<1x1x16xf32>,
        %parallel_loop3A_533 = arith.constant 1 : i32
        %parallel_loop3A_534 = arith.index_cast %parallel_loop3A_533 : i32 to index
        %parallel_loop3A_535 = arith.index_cast %parallel_loop3A_460 : i32 to index
        %parallel_loop3A_536 = arith.constant 320 : index
        %parallel_loop3A_537 = tpu.vector_load %arg7[%parallel_loop3A_534, %parallel_loop3A_535, %parallel_loop3A_536] {strides = array<i32>} : memref<2x24x768xf32, #tpu.memory_space<vmem>>, vector<1x1x16xf32>,
        %parallel_loop3A_538 = vector.shape_cast %parallel_loop3A_537 : vector<1x1x16xf32> to vector<16xf32>
        %parallel_loop3A_539 = arith.index_cast %parallel_loop3A_460 : i32 to index
        %parallel_loop3A_540 = arith.constant 64 : index
        %parallel_loop3A_541 = tpu.vector_load %arg11[%parallel_loop3A_539, %parallel_loop3A_540] {strides = array<i32>} : memref<24x256xf32, #tpu.memory_space<vmem>>, vector<1x16xf32>,
        %parallel_loop3A_542 = vector.shape_cast %parallel_loop3A_541 : vector<1x16xf32> to vector<16xf32>
        %parallel_loop3A_543 = arith.addf %parallel_loop3A_538, %parallel_loop3A_542 : vector<16xf32>
        %parallel_loop3A_544 = arith.constant 1 : i32
        %parallel_loop3A_545 = arith.index_cast %parallel_loop3A_544 : i32 to index
        %parallel_loop3A_546 = arith.index_cast %parallel_loop3A_460 : i32 to index
        %parallel_loop3A_547 = arith.constant 320 : index
        %parallel_loop3A_548 = tpu.vector_load %arg8[%parallel_loop3A_545, %parallel_loop3A_546, %parallel_loop3A_547] {strides = array<i32>} : memref<2x24x768xf32, #tpu.memory_space<vmem>>, vector<1x1x16xf32>,
        %parallel_loop3A_549 = vector.shape_cast %parallel_loop3A_548 : vector<1x1x16xf32> to vector<16xf32>
        %parallel_loop3A_550 = vector.shape_cast %parallel_loop3A_543 : vector<16xf32> to vector<1x1x16xf32>
        tpu.vector_store %arg8[%parallel_loop3A_545, %parallel_loop3A_546, %parallel_loop3A_547], %parallel_loop3A_550 {strides = array<i32>} : memref<2x24x768xf32, #tpu.memory_space<vmem>>, vector<1x1x16xf32>,
        %parallel_loop3A_551 = arith.constant 1 : i32
        %parallel_loop3A_552 = arith.index_cast %parallel_loop3A_551 : i32 to index
        %parallel_loop3A_553 = arith.index_cast %parallel_loop3A_460 : i32 to index
        %parallel_loop3A_554 = arith.constant 336 : index
        %parallel_loop3A_555 = tpu.vector_load %arg7[%parallel_loop3A_552, %parallel_loop3A_553, %parallel_loop3A_554] {strides = array<i32>} : memref<2x24x768xf32, #tpu.memory_space<vmem>>, vector<1x1x16xf32>,
        %parallel_loop3A_556 = vector.shape_cast %parallel_loop3A_555 : vector<1x1x16xf32> to vector<16xf32>
        %parallel_loop3A_557 = arith.index_cast %parallel_loop3A_460 : i32 to index
        %parallel_loop3A_558 = arith.constant 80 : index
        %parallel_loop3A_559 = tpu.vector_load %arg11[%parallel_loop3A_557, %parallel_loop3A_558] {strides = array<i32>} : memref<24x256xf32, #tpu.memory_space<vmem>>, vector<1x16xf32>,
        %parallel_loop3A_560 = vector.shape_cast %parallel_loop3A_559 : vector<1x16xf32> to vector<16xf32>
        %parallel_loop3A_561 = arith.addf %parallel_loop3A_556, %parallel_loop3A_560 : vector<16xf32>
        %parallel_loop3A_562 = arith.constant 1 : i32
        %parallel_loop3A_563 = arith.index_cast %parallel_loop3A_562 : i32 to index
        %parallel_loop3A_564 = arith.index_cast %parallel_loop3A_460 : i32 to index
        %parallel_loop3A_565 = arith.constant 336 : index
        %parallel_loop3A_566 = tpu.vector_load %arg8[%parallel_loop3A_563, %parallel_loop3A_564, %parallel_loop3A_565] {strides = array<i32>} : memref<2x24x768xf32, #tpu.memory_space<vmem>>, vector<1x1x16xf32>,
        %parallel_loop3A_567 = vector.shape_cast %parallel_loop3A_566 : vector<1x1x16xf32> to vector<16xf32>
        %parallel_loop3A_568 = vector.shape_cast %parallel_loop3A_561 : vector<16xf32> to vector<1x1x16xf32>
        tpu.vector_store %arg8[%parallel_loop3A_563, %parallel_loop3A_564, %parallel_loop3A_565], %parallel_loop3A_568 {strides = array<i32>} : memref<2x24x768xf32, #tpu.memory_space<vmem>>, vector<1x1x16xf32>,
        %parallel_loop3A_569 = arith.constant 1 : i32
        %parallel_loop3A_570 = arith.index_cast %parallel_loop3A_569 : i32 to index
        %parallel_loop3A_571 = arith.index_cast %parallel_loop3A_460 : i32 to index
        %parallel_loop3A_572 = arith.constant 352 : index
        %parallel_loop3A_573 = tpu.vector_load %arg7[%parallel_loop3A_570, %parallel_loop3A_571, %parallel_loop3A_572] {strides = array<i32>} : memref<2x24x768xf32, #tpu.memory_space<vmem>>, vector<1x1x16xf32>,
        %parallel_loop3A_574 = vector.shape_cast %parallel_loop3A_573 : vector<1x1x16xf32> to vector<16xf32>
        %parallel_loop3A_575 = arith.index_cast %parallel_loop3A_460 : i32 to index
        %parallel_loop3A_576 = arith.constant 96 : index
        %parallel_loop3A_577 = tpu.vector_load %arg11[%parallel_loop3A_575, %parallel_loop3A_576] {strides = array<i32>} : memref<24x256xf32, #tpu.memory_space<vmem>>, vector<1x16xf32>,
        %parallel_loop3A_578 = vector.shape_cast %parallel_loop3A_577 : vector<1x16xf32> to vector<16xf32>
        %parallel_loop3A_579 = arith.addf %parallel_loop3A_574, %parallel_loop3A_578 : vector<16xf32>
        %parallel_loop3A_580 = arith.constant 1 : i32
        %parallel_loop3A_581 = arith.index_cast %parallel_loop3A_580 : i32 to index
        %parallel_loop3A_582 = arith.index_cast %parallel_loop3A_460 : i32 to index
        %parallel_loop3A_583 = arith.constant 352 : index
        %parallel_loop3A_584 = tpu.vector_load %arg8[%parallel_loop3A_581, %parallel_loop3A_582, %parallel_loop3A_583] {strides = array<i32>} : memref<2x24x768xf32, #tpu.memory_space<vmem>>, vector<1x1x16xf32>,
        %parallel_loop3A_585 = vector.shape_cast %parallel_loop3A_584 : vector<1x1x16xf32> to vector<16xf32>
        %parallel_loop3A_586 = vector.shape_cast %parallel_loop3A_579 : vector<16xf32> to vector<1x1x16xf32>
        tpu.vector_store %arg8[%parallel_loop3A_581, %parallel_loop3A_582, %parallel_loop3A_583], %parallel_loop3A_586 {strides = array<i32>} : memref<2x24x768xf32, #tpu.memory_space<vmem>>, vector<1x1x16xf32>,
        %parallel_loop3A_587 = arith.constant 1 : i32
        %parallel_loop3A_588 = arith.index_cast %parallel_loop3A_587 : i32 to index
        %parallel_loop3A_589 = arith.index_cast %parallel_loop3A_460 : i32 to index
        %parallel_loop3A_590 = arith.constant 368 : index
        %parallel_loop3A_591 = tpu.vector_load %arg7[%parallel_loop3A_588, %parallel_loop3A_589, %parallel_loop3A_590] {strides = array<i32>} : memref<2x24x768xf32, #tpu.memory_space<vmem>>, vector<1x1x16xf32>,
        %parallel_loop3A_592 = vector.shape_cast %parallel_loop3A_591 : vector<1x1x16xf32> to vector<16xf32>
        %parallel_loop3A_593 = arith.index_cast %parallel_loop3A_460 : i32 to index
        %parallel_loop3A_594 = arith.constant 112 : index
        %parallel_loop3A_595 = tpu.vector_load %arg11[%parallel_loop3A_593, %parallel_loop3A_594] {strides = array<i32>} : memref<24x256xf32, #tpu.memory_space<vmem>>, vector<1x16xf32>,
        %parallel_loop3A_596 = vector.shape_cast %parallel_loop3A_595 : vector<1x16xf32> to vector<16xf32>
        %parallel_loop3A_597 = arith.addf %parallel_loop3A_592, %parallel_loop3A_596 : vector<16xf32>
        %parallel_loop3A_598 = arith.constant 1 : i32
        %parallel_loop3A_599 = arith.index_cast %parallel_loop3A_598 : i32 to index
        %parallel_loop3A_600 = arith.index_cast %parallel_loop3A_460 : i32 to index
        %parallel_loop3A_601 = arith.constant 368 : index
        %parallel_loop3A_602 = tpu.vector_load %arg8[%parallel_loop3A_599, %parallel_loop3A_600, %parallel_loop3A_601] {strides = array<i32>} : memref<2x24x768xf32, #tpu.memory_space<vmem>>, vector<1x1x16xf32>,
        %parallel_loop3A_603 = vector.shape_cast %parallel_loop3A_602 : vector<1x1x16xf32> to vector<16xf32>
        %parallel_loop3A_604 = vector.shape_cast %parallel_loop3A_597 : vector<16xf32> to vector<1x1x16xf32>
        tpu.vector_store %arg8[%parallel_loop3A_599, %parallel_loop3A_600, %parallel_loop3A_601], %parallel_loop3A_604 {strides = array<i32>} : memref<2x24x768xf32, #tpu.memory_space<vmem>>, vector<1x1x16xf32>,
        %parallel_loop3A_605 = arith.constant 1 : i32
        %parallel_loop3A_606 = arith.index_cast %parallel_loop3A_605 : i32 to index
        %parallel_loop3A_607 = arith.index_cast %parallel_loop3A_460 : i32 to index
        %parallel_loop3A_608 = arith.constant 384 : index
        %parallel_loop3A_609 = tpu.vector_load %arg7[%parallel_loop3A_606, %parallel_loop3A_607, %parallel_loop3A_608] {strides = array<i32>} : memref<2x24x768xf32, #tpu.memory_space<vmem>>, vector<1x1x16xf32>,
        %parallel_loop3A_610 = vector.shape_cast %parallel_loop3A_609 : vector<1x1x16xf32> to vector<16xf32>
        %parallel_loop3A_611 = arith.index_cast %parallel_loop3A_460 : i32 to index
        %parallel_loop3A_612 = arith.constant 128 : index
        %parallel_loop3A_613 = tpu.vector_load %arg11[%parallel_loop3A_611, %parallel_loop3A_612] {strides = array<i32>} : memref<24x256xf32, #tpu.memory_space<vmem>>, vector<1x16xf32>,
        %parallel_loop3A_614 = vector.shape_cast %parallel_loop3A_613 : vector<1x16xf32> to vector<16xf32>
        %parallel_loop3A_615 = arith.addf %parallel_loop3A_610, %parallel_loop3A_614 : vector<16xf32>
        %parallel_loop3A_616 = arith.constant 1 : i32
        %parallel_loop3A_617 = arith.index_cast %parallel_loop3A_616 : i32 to index
        %parallel_loop3A_618 = arith.index_cast %parallel_loop3A_460 : i32 to index
        %parallel_loop3A_619 = arith.constant 384 : index
        %parallel_loop3A_620 = tpu.vector_load %arg8[%parallel_loop3A_617, %parallel_loop3A_618, %parallel_loop3A_619] {strides = array<i32>} : memref<2x24x768xf32, #tpu.memory_space<vmem>>, vector<1x1x16xf32>,
        %parallel_loop3A_621 = vector.shape_cast %parallel_loop3A_620 : vector<1x1x16xf32> to vector<16xf32>
        %parallel_loop3A_622 = vector.shape_cast %parallel_loop3A_615 : vector<16xf32> to vector<1x1x16xf32>
        tpu.vector_store %arg8[%parallel_loop3A_617, %parallel_loop3A_618, %parallel_loop3A_619], %parallel_loop3A_622 {strides = array<i32>} : memref<2x24x768xf32, #tpu.memory_space<vmem>>, vector<1x1x16xf32>,
        %parallel_loop3A_623 = arith.constant 1 : i32
        %parallel_loop3A_624 = arith.index_cast %parallel_loop3A_623 : i32 to index
        %parallel_loop3A_625 = arith.index_cast %parallel_loop3A_460 : i32 to index
        %parallel_loop3A_626 = arith.constant 400 : index
        %parallel_loop3A_627 = tpu.vector_load %arg7[%parallel_loop3A_624, %parallel_loop3A_625, %parallel_loop3A_626] {strides = array<i32>} : memref<2x24x768xf32, #tpu.memory_space<vmem>>, vector<1x1x16xf32>,
        %parallel_loop3A_628 = vector.shape_cast %parallel_loop3A_627 : vector<1x1x16xf32> to vector<16xf32>
        %parallel_loop3A_629 = arith.index_cast %parallel_loop3A_460 : i32 to index
        %parallel_loop3A_630 = arith.constant 144 : index
        %parallel_loop3A_631 = tpu.vector_load %arg11[%parallel_loop3A_629, %parallel_loop3A_630] {strides = array<i32>} : memref<24x256xf32, #tpu.memory_space<vmem>>, vector<1x16xf32>,
        %parallel_loop3A_632 = vector.shape_cast %parallel_loop3A_631 : vector<1x16xf32> to vector<16xf32>
        %parallel_loop3A_633 = arith.addf %parallel_loop3A_628, %parallel_loop3A_632 : vector<16xf32>
        %parallel_loop3A_634 = arith.constant 1 : i32
        %parallel_loop3A_635 = arith.index_cast %parallel_loop3A_634 : i32 to index
        %parallel_loop3A_636 = arith.index_cast %parallel_loop3A_460 : i32 to index
        %parallel_loop3A_637 = arith.constant 400 : index
        %parallel_loop3A_638 = tpu.vector_load %arg8[%parallel_loop3A_635, %parallel_loop3A_636, %parallel_loop3A_637] {strides = array<i32>} : memref<2x24x768xf32, #tpu.memory_space<vmem>>, vector<1x1x16xf32>,
        %parallel_loop3A_639 = vector.shape_cast %parallel_loop3A_638 : vector<1x1x16xf32> to vector<16xf32>
        %parallel_loop3A_640 = vector.shape_cast %parallel_loop3A_633 : vector<16xf32> to vector<1x1x16xf32>
        tpu.vector_store %arg8[%parallel_loop3A_635, %parallel_loop3A_636, %parallel_loop3A_637], %parallel_loop3A_640 {strides = array<i32>} : memref<2x24x768xf32, #tpu.memory_space<vmem>>, vector<1x1x16xf32>,
        %parallel_loop3A_641 = arith.constant 1 : i32
        %parallel_loop3A_642 = arith.index_cast %parallel_loop3A_641 : i32 to index
        %parallel_loop3A_643 = arith.index_cast %parallel_loop3A_460 : i32 to index
        %parallel_loop3A_644 = arith.constant 416 : index
        %parallel_loop3A_645 = tpu.vector_load %arg7[%parallel_loop3A_642, %parallel_loop3A_643, %parallel_loop3A_644] {strides = array<i32>} : memref<2x24x768xf32, #tpu.memory_space<vmem>>, vector<1x1x16xf32>,
        %parallel_loop3A_646 = vector.shape_cast %parallel_loop3A_645 : vector<1x1x16xf32> to vector<16xf32>
        %parallel_loop3A_647 = arith.index_cast %parallel_loop3A_460 : i32 to index
        %parallel_loop3A_648 = arith.constant 160 : index
        %parallel_loop3A_649 = tpu.vector_load %arg11[%parallel_loop3A_647, %parallel_loop3A_648] {strides = array<i32>} : memref<24x256xf32, #tpu.memory_space<vmem>>, vector<1x16xf32>,
        %parallel_loop3A_650 = vector.shape_cast %parallel_loop3A_649 : vector<1x16xf32> to vector<16xf32>
        %parallel_loop3A_651 = arith.addf %parallel_loop3A_646, %parallel_loop3A_650 : vector<16xf32>
        %parallel_loop3A_652 = arith.constant 1 : i32
        %parallel_loop3A_653 = arith.index_cast %parallel_loop3A_652 : i32 to index
        %parallel_loop3A_654 = arith.index_cast %parallel_loop3A_460 : i32 to index
        %parallel_loop3A_655 = arith.constant 416 : index
        %parallel_loop3A_656 = tpu.vector_load %arg8[%parallel_loop3A_653, %parallel_loop3A_654, %parallel_loop3A_655] {strides = array<i32>} : memref<2x24x768xf32, #tpu.memory_space<vmem>>, vector<1x1x16xf32>,
        %parallel_loop3A_657 = vector.shape_cast %parallel_loop3A_656 : vector<1x1x16xf32> to vector<16xf32>
        %parallel_loop3A_658 = vector.shape_cast %parallel_loop3A_651 : vector<16xf32> to vector<1x1x16xf32>
        tpu.vector_store %arg8[%parallel_loop3A_653, %parallel_loop3A_654, %parallel_loop3A_655], %parallel_loop3A_658 {strides = array<i32>} : memref<2x24x768xf32, #tpu.memory_space<vmem>>, vector<1x1x16xf32>,
        %parallel_loop3A_659 = arith.constant 1 : i32
        %parallel_loop3A_660 = arith.index_cast %parallel_loop3A_659 : i32 to index
        %parallel_loop3A_661 = arith.index_cast %parallel_loop3A_460 : i32 to index
        %parallel_loop3A_662 = arith.constant 432 : index
        %parallel_loop3A_663 = tpu.vector_load %arg7[%parallel_loop3A_660, %parallel_loop3A_661, %parallel_loop3A_662] {strides = array<i32>} : memref<2x24x768xf32, #tpu.memory_space<vmem>>, vector<1x1x16xf32>,
        %parallel_loop3A_664 = vector.shape_cast %parallel_loop3A_663 : vector<1x1x16xf32> to vector<16xf32>
        %parallel_loop3A_665 = arith.index_cast %parallel_loop3A_460 : i32 to index
        %parallel_loop3A_666 = arith.constant 176 : index
        %parallel_loop3A_667 = tpu.vector_load %arg11[%parallel_loop3A_665, %parallel_loop3A_666] {strides = array<i32>} : memref<24x256xf32, #tpu.memory_space<vmem>>, vector<1x16xf32>,
        %parallel_loop3A_668 = vector.shape_cast %parallel_loop3A_667 : vector<1x16xf32> to vector<16xf32>
        %parallel_loop3A_669 = arith.addf %parallel_loop3A_664, %parallel_loop3A_668 : vector<16xf32>
        %parallel_loop3A_670 = arith.constant 1 : i32
        %parallel_loop3A_671 = arith.index_cast %parallel_loop3A_670 : i32 to index
        %parallel_loop3A_672 = arith.index_cast %parallel_loop3A_460 : i32 to index
        %parallel_loop3A_673 = arith.constant 432 : index
        %parallel_loop3A_674 = tpu.vector_load %arg8[%parallel_loop3A_671, %parallel_loop3A_672, %parallel_loop3A_673] {strides = array<i32>} : memref<2x24x768xf32, #tpu.memory_space<vmem>>, vector<1x1x16xf32>,
        %parallel_loop3A_675 = vector.shape_cast %parallel_loop3A_674 : vector<1x1x16xf32> to vector<16xf32>
        %parallel_loop3A_676 = vector.shape_cast %parallel_loop3A_669 : vector<16xf32> to vector<1x1x16xf32>
        tpu.vector_store %arg8[%parallel_loop3A_671, %parallel_loop3A_672, %parallel_loop3A_673], %parallel_loop3A_676 {strides = array<i32>} : memref<2x24x768xf32, #tpu.memory_space<vmem>>, vector<1x1x16xf32>,
        %parallel_loop3A_677 = arith.constant 1 : i32
        %parallel_loop3A_678 = arith.index_cast %parallel_loop3A_677 : i32 to index
        %parallel_loop3A_679 = arith.index_cast %parallel_loop3A_460 : i32 to index
        %parallel_loop3A_680 = arith.constant 448 : index
        %parallel_loop3A_681 = tpu.vector_load %arg7[%parallel_loop3A_678, %parallel_loop3A_679, %parallel_loop3A_680] {strides = array<i32>} : memref<2x24x768xf32, #tpu.memory_space<vmem>>, vector<1x1x16xf32>,
        %parallel_loop3A_682 = vector.shape_cast %parallel_loop3A_681 : vector<1x1x16xf32> to vector<16xf32>
        %parallel_loop3A_683 = arith.index_cast %parallel_loop3A_460 : i32 to index
        %parallel_loop3A_684 = arith.constant 192 : index
        %parallel_loop3A_685 = tpu.vector_load %arg11[%parallel_loop3A_683, %parallel_loop3A_684] {strides = array<i32>} : memref<24x256xf32, #tpu.memory_space<vmem>>, vector<1x16xf32>,
        %parallel_loop3A_686 = vector.shape_cast %parallel_loop3A_685 : vector<1x16xf32> to vector<16xf32>
        %parallel_loop3A_687 = arith.addf %parallel_loop3A_682, %parallel_loop3A_686 : vector<16xf32>
        %parallel_loop3A_688 = arith.constant 1 : i32
        %parallel_loop3A_689 = arith.index_cast %parallel_loop3A_688 : i32 to index
        %parallel_loop3A_690 = arith.index_cast %parallel_loop3A_460 : i32 to index
        %parallel_loop3A_691 = arith.constant 448 : index
        %parallel_loop3A_692 = tpu.vector_load %arg8[%parallel_loop3A_689, %parallel_loop3A_690, %parallel_loop3A_691] {strides = array<i32>} : memref<2x24x768xf32, #tpu.memory_space<vmem>>, vector<1x1x16xf32>,
        %parallel_loop3A_693 = vector.shape_cast %parallel_loop3A_692 : vector<1x1x16xf32> to vector<16xf32>
        %parallel_loop3A_694 = vector.shape_cast %parallel_loop3A_687 : vector<16xf32> to vector<1x1x16xf32>
        tpu.vector_store %arg8[%parallel_loop3A_689, %parallel_loop3A_690, %parallel_loop3A_691], %parallel_loop3A_694 {strides = array<i32>} : memref<2x24x768xf32, #tpu.memory_space<vmem>>, vector<1x1x16xf32>,
        %parallel_loop3A_695 = arith.constant 1 : i32
        %parallel_loop3A_696 = arith.index_cast %parallel_loop3A_695 : i32 to index
        %parallel_loop3A_697 = arith.index_cast %parallel_loop3A_460 : i32 to index
        %parallel_loop3A_698 = arith.constant 464 : index
        %parallel_loop3A_699 = tpu.vector_load %arg7[%parallel_loop3A_696, %parallel_loop3A_697, %parallel_loop3A_698] {strides = array<i32>} : memref<2x24x768xf32, #tpu.memory_space<vmem>>, vector<1x1x16xf32>,
        %parallel_loop3A_700 = vector.shape_cast %parallel_loop3A_699 : vector<1x1x16xf32> to vector<16xf32>
        %parallel_loop3A_701 = arith.index_cast %parallel_loop3A_460 : i32 to index
        %parallel_loop3A_702 = arith.constant 208 : index
        %parallel_loop3A_703 = tpu.vector_load %arg11[%parallel_loop3A_701, %parallel_loop3A_702] {strides = array<i32>} : memref<24x256xf32, #tpu.memory_space<vmem>>, vector<1x16xf32>,
        %parallel_loop3A_704 = vector.shape_cast %parallel_loop3A_703 : vector<1x16xf32> to vector<16xf32>
        %parallel_loop3A_705 = arith.addf %parallel_loop3A_700, %parallel_loop3A_704 : vector<16xf32>
        %parallel_loop3A_706 = arith.constant 1 : i32
        %parallel_loop3A_707 = arith.index_cast %parallel_loop3A_706 : i32 to index
        %parallel_loop3A_708 = arith.index_cast %parallel_loop3A_460 : i32 to index
        %parallel_loop3A_709 = arith.constant 464 : index
        %parallel_loop3A_710 = tpu.vector_load %arg8[%parallel_loop3A_707, %parallel_loop3A_708, %parallel_loop3A_709] {strides = array<i32>} : memref<2x24x768xf32, #tpu.memory_space<vmem>>, vector<1x1x16xf32>,
        %parallel_loop3A_711 = vector.shape_cast %parallel_loop3A_710 : vector<1x1x16xf32> to vector<16xf32>
        %parallel_loop3A_712 = vector.shape_cast %parallel_loop3A_705 : vector<16xf32> to vector<1x1x16xf32>
        tpu.vector_store %arg8[%parallel_loop3A_707, %parallel_loop3A_708, %parallel_loop3A_709], %parallel_loop3A_712 {strides = array<i32>} : memref<2x24x768xf32, #tpu.memory_space<vmem>>, vector<1x1x16xf32>,
        %parallel_loop3A_713 = arith.constant 1 : i32
        %parallel_loop3A_714 = arith.index_cast %parallel_loop3A_713 : i32 to index
        %parallel_loop3A_715 = arith.index_cast %parallel_loop3A_460 : i32 to index
        %parallel_loop3A_716 = arith.constant 480 : index
        %parallel_loop3A_717 = tpu.vector_load %arg7[%parallel_loop3A_714, %parallel_loop3A_715, %parallel_loop3A_716] {strides = array<i32>} : memref<2x24x768xf32, #tpu.memory_space<vmem>>, vector<1x1x16xf32>,
        %parallel_loop3A_718 = vector.shape_cast %parallel_loop3A_717 : vector<1x1x16xf32> to vector<16xf32>
        %parallel_loop3A_719 = arith.index_cast %parallel_loop3A_460 : i32 to index
        %parallel_loop3A_720 = arith.constant 224 : index
        %parallel_loop3A_721 = tpu.vector_load %arg11[%parallel_loop3A_719, %parallel_loop3A_720] {strides = array<i32>} : memref<24x256xf32, #tpu.memory_space<vmem>>, vector<1x16xf32>,
        %parallel_loop3A_722 = vector.shape_cast %parallel_loop3A_721 : vector<1x16xf32> to vector<16xf32>
        %parallel_loop3A_723 = arith.addf %parallel_loop3A_718, %parallel_loop3A_722 : vector<16xf32>
        %parallel_loop3A_724 = arith.constant 1 : i32
        %parallel_loop3A_725 = arith.index_cast %parallel_loop3A_724 : i32 to index
        %parallel_loop3A_726 = arith.index_cast %parallel_loop3A_460 : i32 to index
        %parallel_loop3A_727 = arith.constant 480 : index
        %parallel_loop3A_728 = tpu.vector_load %arg8[%parallel_loop3A_725, %parallel_loop3A_726, %parallel_loop3A_727] {strides = array<i32>} : memref<2x24x768xf32, #tpu.memory_space<vmem>>, vector<1x1x16xf32>,
        %parallel_loop3A_729 = vector.shape_cast %parallel_loop3A_728 : vector<1x1x16xf32> to vector<16xf32>
        %parallel_loop3A_730 = vector.shape_cast %parallel_loop3A_723 : vector<16xf32> to vector<1x1x16xf32>
        tpu.vector_store %arg8[%parallel_loop3A_725, %parallel_loop3A_726, %parallel_loop3A_727], %parallel_loop3A_730 {strides = array<i32>} : memref<2x24x768xf32, #tpu.memory_space<vmem>>, vector<1x1x16xf32>,
        %parallel_loop3A_731 = arith.constant 1 : i32
        %parallel_loop3A_732 = arith.index_cast %parallel_loop3A_731 : i32 to index
        %parallel_loop3A_733 = arith.index_cast %parallel_loop3A_460 : i32 to index
        %parallel_loop3A_734 = arith.constant 496 : index
        %parallel_loop3A_735 = tpu.vector_load %arg7[%parallel_loop3A_732, %parallel_loop3A_733, %parallel_loop3A_734] {strides = array<i32>} : memref<2x24x768xf32, #tpu.memory_space<vmem>>, vector<1x1x16xf32>,
        %parallel_loop3A_736 = vector.shape_cast %parallel_loop3A_735 : vector<1x1x16xf32> to vector<16xf32>
        %parallel_loop3A_737 = arith.index_cast %parallel_loop3A_460 : i32 to index
        %parallel_loop3A_738 = arith.constant 240 : index
        %parallel_loop3A_739 = tpu.vector_load %arg11[%parallel_loop3A_737, %parallel_loop3A_738] {strides = array<i32>} : memref<24x256xf32, #tpu.memory_space<vmem>>, vector<1x16xf32>,
        %parallel_loop3A_740 = vector.shape_cast %parallel_loop3A_739 : vector<1x16xf32> to vector<16xf32>
        %parallel_loop3A_741 = arith.addf %parallel_loop3A_736, %parallel_loop3A_740 : vector<16xf32>
        %parallel_loop3A_742 = arith.constant 1 : i32
        %parallel_loop3A_743 = arith.index_cast %parallel_loop3A_742 : i32 to index
        %parallel_loop3A_744 = arith.index_cast %parallel_loop3A_460 : i32 to index
        %parallel_loop3A_745 = arith.constant 496 : index
        %parallel_loop3A_746 = tpu.vector_load %arg8[%parallel_loop3A_743, %parallel_loop3A_744, %parallel_loop3A_745] {strides = array<i32>} : memref<2x24x768xf32, #tpu.memory_space<vmem>>, vector<1x1x16xf32>,
        %parallel_loop3A_747 = vector.shape_cast %parallel_loop3A_746 : vector<1x1x16xf32> to vector<16xf32>
        %parallel_loop3A_748 = vector.shape_cast %parallel_loop3A_741 : vector<16xf32> to vector<1x1x16xf32>
        tpu.vector_store %arg8[%parallel_loop3A_743, %parallel_loop3A_744, %parallel_loop3A_745], %parallel_loop3A_748 {strides = array<i32>} : memref<2x24x768xf32, #tpu.memory_space<vmem>>, vector<1x1x16xf32>,
      } {sc.loop_unroll_factor = 1 : i64, sc.parallel_access}
      %dma_start3A_438 = arith.constant 1 : i32
      %dma_start3A_439 = arith.constant 0 : i32
      %dma_start3A_440 = arith.constant 0 : i32
      %dma_start3A_441 = tpu.memref_slice %arg8[%dma_start3A_438, %dma_start3A_439, %dma_start3A_440] : memref<2x24x768xf32, #tpu.memory_space<vmem>> -> memref<1x24x768xf32, #tpu.memory_space<vmem>>
      %dma_start3A_442 = tpu.memref_squeeze %dma_start3A_441 : memref<1x24x768xf32, #tpu.memory_space<vmem>> -> memref<24x768xf32, #tpu.memory_space<vmem>>
      %dma_start3A_443 = arith.constant 0 : i32
      %dma_start3A_444 = arith.constant 0 : i32
      %dma_start3A_445 = tpu.memref_slice %arg6[%add3A_275, %dma_start3A_443, %dma_start3A_444] : memref<3072x24x768xf32, #tpu.memory_space<hbm>> -> memref<1x24x768xf32, #tpu.memory_space<hbm>>
      %dma_start3A_446 = tpu.memref_squeeze %dma_start3A_445 : memref<1x24x768xf32, #tpu.memory_space<hbm>> -> memref<24x768xf32, #tpu.memory_space<hbm>>
      %dma_start3A_447 = arith.constant 0 : i32
      %dma_start3A_448 = arith.constant 0 : i32
      %dma_start3A_449 = tpu.memref_slice %arg6[%add3A_275, %dma_start3A_447, %dma_start3A_448] : memref<3072x24x768xf32, #tpu.memory_space<hbm>> -> memref<1x24x768xf32, #tpu.memory_space<hbm>>
      %dma_start3A_450 = tpu.memref_squeeze %dma_start3A_449 : memref<1x24x768xf32, #tpu.memory_space<hbm>> -> memref<24x768xf32, #tpu.memory_space<hbm>>
      %dma_start3A_451 = arith.constant 0 : i32
      %dma_start3A_452 = arith.constant 0 : i32
      %dma_start3A_453 = tpu.memref_slice %arg8[%dma_start3A_438, %dma_start3A_451, %dma_start3A_452] : memref<2x24x768xf32, #tpu.memory_space<vmem>> -> memref<1x24x768xf32, #tpu.memory_space<vmem>>
      %dma_start3A_454 = tpu.memref_squeeze %dma_start3A_453 : memref<1x24x768xf32, #tpu.memory_space<vmem>> -> memref<24x768xf32, #tpu.memory_space<vmem>>
      tpu.enqueue_dma source(%dma_start3A_454 : memref<24x768xf32, #tpu.memory_space<vmem>>) target(%dma_start3A_450 : memref<24x768xf32, #tpu.memory_space<hbm>>) target_semaphore(%arg15 : memref<!tpu.dma_semaphore, #tpu.memory_space<semaphore_mem>>)
      %lt3A_455 = arith.constant 47 : i32
      %lt3A_456 = arith.cmpi slt, %scan3A_89, %lt3A_455 : i32
      %convert_element_type3A_457 = arith.extui %lt3A_456 : i1 to i32
      %cond3A_458 = arith.constant 0 : i32
      %cond3A_459 = arith.cmpi ne, %convert_element_type3A_457, %cond3A_458 : i32
      scf.if %cond3A_459 {
        %add3A_460 = arith.constant 2 : i32
        %add3A_461 = arith.addi %add3A_275, %add3A_460 : i32
        %dma_start3A_462 = arith.constant 1 : i32
        %dma_start3A_463 = arith.constant 0 : i32
        %dma_start3A_464 = arith.constant 0 : i32
        %dma_start3A_465 = tpu.memref_slice %arg7[%dma_start3A_462, %dma_start3A_463, %dma_start3A_464] : memref<2x24x768xf32, #tpu.memory_space<vmem>> -> memref<1x24x768xf32, #tpu.memory_space<vmem>>
        %dma_start3A_466 = tpu.memref_squeeze %dma_start3A_465 : memref<1x24x768xf32, #tpu.memory_space<vmem>> -> memref<24x768xf32, #tpu.memory_space<vmem>>
        %dma_start3A_467 = arith.constant 0 : i32
        %dma_start3A_468 = arith.constant 0 : i32
        %dma_start3A_469 = tpu.memref_slice %arg2[%add3A_461, %dma_start3A_467, %dma_start3A_468] : memref<3072x24x768xf32, #tpu.memory_space<hbm>> -> memref<1x24x768xf32, #tpu.memory_space<hbm>>
        %dma_start3A_470 = tpu.memref_squeeze %dma_start3A_469 : memref<1x24x768xf32, #tpu.memory_space<hbm>> -> memref<24x768xf32, #tpu.memory_space<hbm>>
        %dma_start3A_471 = arith.constant 0 : i32
        %dma_start3A_472 = arith.constant 0 : i32
        %dma_start3A_473 = tpu.memref_slice %arg7[%dma_start3A_462, %dma_start3A_471, %dma_start3A_472] : memref<2x24x768xf32, #tpu.memory_space<vmem>> -> memref<1x24x768xf32, #tpu.memory_space<vmem>>
        %dma_start3A_474 = tpu.memref_squeeze %dma_start3A_473 : memref<1x24x768xf32, #tpu.memory_space<vmem>> -> memref<24x768xf32, #tpu.memory_space<vmem>>
        %dma_start3A_475 = arith.constant 0 : i32
        %dma_start3A_476 = arith.constant 0 : i32
        %dma_start3A_477 = tpu.memref_slice %arg2[%add3A_461, %dma_start3A_475, %dma_start3A_476] : memref<3072x24x768xf32, #tpu.memory_space<hbm>> -> memref<1x24x768xf32, #tpu.memory_space<hbm>>
        %dma_start3A_478 = tpu.memref_squeeze %dma_start3A_477 : memref<1x24x768xf32, #tpu.memory_space<hbm>> -> memref<24x768xf32, #tpu.memory_space<hbm>>
        tpu.enqueue_dma source(%dma_start3A_478 : memref<24x768xf32, #tpu.memory_space<hbm>>) target(%dma_start3A_474 : memref<24x768xf32, #tpu.memory_space<vmem>>) target_semaphore(%arg13 : memref<!tpu.dma_semaphore, #tpu.memory_space<semaphore_mem>>)
      } else {
      }
    }
    %scan3A_44 = arith.constant 48 : i32
    %add3A_45 = arith.constant 96 : i32
    %add3A_46 = arith.addi %mul3A_2, %add3A_45 : i32
    %sub3A = arith.constant 2 : i32
    %sub3A_47 = arith.subi %add3A_46, %sub3A : i32
    %add3A_48 = arith.constant 0 : i32
    %add3A_49 = arith.addi %sub3A_47, %add3A_48 : i32
    %dma_wait3A = arith.constant 0 : i32
    %dma_wait3A_50 = arith.constant 0 : i32
    %dma_wait3A_51 = arith.constant 0 : i32
    %dma_wait3A_52 = tpu.memref_slice %arg8[%dma_wait3A, %dma_wait3A_50, %dma_wait3A_51] : memref<2x24x768xf32, #tpu.memory_space<vmem>> -> memref<1x24x768xf32, #tpu.memory_space<vmem>>
    %dma_wait3A_53 = tpu.memref_squeeze %dma_wait3A_52 : memref<1x24x768xf32, #tpu.memory_space<vmem>> -> memref<24x768xf32, #tpu.memory_space<vmem>>
    %dma_wait3A_54 = arith.constant 0 : i32
    %dma_wait3A_55 = arith.constant 0 : i32
    %dma_wait3A_56 = tpu.memref_slice %arg6[%add3A_49, %dma_wait3A_54, %dma_wait3A_55] : memref<3072x24x768xf32, #tpu.memory_space<hbm>> -> memref<1x24x768xf32, #tpu.memory_space<hbm>>
    %dma_wait3A_57 = tpu.memref_squeeze %dma_wait3A_56 : memref<1x24x768xf32, #tpu.memory_space<hbm>> -> memref<24x768xf32, #tpu.memory_space<hbm>>
    %dma_wait3A_58 = arith.constant 0 : i32
    %dma_wait3A_59 = arith.constant 0 : i32
    %dma_wait3A_60 = tpu.memref_slice %arg6[%add3A_49, %dma_wait3A_58, %dma_wait3A_59] : memref<3072x24x768xf32, #tpu.memory_space<hbm>> -> memref<1x24x768xf32, #tpu.memory_space<hbm>>
    %dma_wait3A_61 = tpu.memref_squeeze %dma_wait3A_60 : memref<1x24x768xf32, #tpu.memory_space<hbm>> -> memref<24x768xf32, #tpu.memory_space<hbm>>
    %dma_wait3A_62 = arith.constant 0 : i32
    %dma_wait3A_63 = arith.constant 0 : i32
    %dma_wait3A_64 = tpu.memref_slice %arg8[%dma_wait3A, %dma_wait3A_62, %dma_wait3A_63] : memref<2x24x768xf32, #tpu.memory_space<vmem>> -> memref<1x24x768xf32, #tpu.memory_space<vmem>>
    %dma_wait3A_65 = tpu.memref_squeeze %dma_wait3A_64 : memref<1x24x768xf32, #tpu.memory_space<vmem>> -> memref<24x768xf32, #tpu.memory_space<vmem>>
    tpu.wait_dma2 semaphore(%arg14 : memref<!tpu.dma_semaphore, #tpu.memory_space<semaphore_mem>>) src(%dma_wait3A_65 : memref<24x768xf32, #tpu.memory_space<vmem>>) dst(%dma_wait3A_61 : memref<24x768xf32, #tpu.memory_space<hbm>>)
    %add3A_66 = arith.constant 96 : i32
    %add3A_67 = arith.addi %mul3A_2, %add3A_66 : i32
    %sub3A_68 = arith.constant 2 : i32
    %sub3A_69 = arith.subi %add3A_67, %sub3A_68 : i32
    %add3A_70 = arith.constant 1 : i32
    %add3A_71 = arith.addi %sub3A_69, %add3A_70 : i32
    %dma_wait3A_72 = arith.constant 1 : i32
    %dma_wait3A_73 = arith.constant 0 : i32
    %dma_wait3A_74 = arith.constant 0 : i32
    %dma_wait3A_75 = tpu.memref_slice %arg8[%dma_wait3A_72, %dma_wait3A_73, %dma_wait3A_74] : memref<2x24x768xf32, #tpu.memory_space<vmem>> -> memref<1x24x768xf32, #tpu.memory_space<vmem>>
    %dma_wait3A_76 = tpu.memref_squeeze %dma_wait3A_75 : memref<1x24x768xf32, #tpu.memory_space<vmem>> -> memref<24x768xf32, #tpu.memory_space<vmem>>
    %dma_wait3A_77 = arith.constant 0 : i32
    %dma_wait3A_78 = arith.constant 0 : i32
    %dma_wait3A_79 = tpu.memref_slice %arg6[%add3A_71, %dma_wait3A_77, %dma_wait3A_78] : memref<3072x24x768xf32, #tpu.memory_space<hbm>> -> memref<1x24x768xf32, #tpu.memory_space<hbm>>
    %dma_wait3A_80 = tpu.memref_squeeze %dma_wait3A_79 : memref<1x24x768xf32, #tpu.memory_space<hbm>> -> memref<24x768xf32, #tpu.memory_space<hbm>>
    %dma_wait3A_81 = arith.constant 0 : i32
    %dma_wait3A_82 = arith.constant 0 : i32
    %dma_wait3A_83 = tpu.memref_slice %arg6[%add3A_71, %dma_wait3A_81, %dma_wait3A_82] : memref<3072x24x768xf32, #tpu.memory_space<hbm>> -> memref<1x24x768xf32, #tpu.memory_space<hbm>>
    %dma_wait3A_84 = tpu.memref_squeeze %dma_wait3A_83 : memref<1x24x768xf32, #tpu.memory_space<hbm>> -> memref<24x768xf32, #tpu.memory_space<hbm>>
    %dma_wait3A_85 = arith.constant 0 : i32
    %dma_wait3A_86 = arith.constant 0 : i32
    %dma_wait3A_87 = tpu.memref_slice %arg8[%dma_wait3A_72, %dma_wait3A_85, %dma_wait3A_86] : memref<2x24x768xf32, #tpu.memory_space<vmem>> -> memref<1x24x768xf32, #tpu.memory_space<vmem>>
    %dma_wait3A_88 = tpu.memref_squeeze %dma_wait3A_87 : memref<1x24x768xf32, #tpu.memory_space<vmem>> -> memref<24x768xf32, #tpu.memory_space<vmem>>
    tpu.wait_dma2 semaphore(%arg15 : memref<!tpu.dma_semaphore, #tpu.memory_space<semaphore_mem>>) src(%dma_wait3A_88 : memref<24x768xf32, #tpu.memory_space<vmem>>) dst(%dma_wait3A_84 : memref<24x768xf32, #tpu.memory_space<hbm>>)
    return
  }
}

</mosaic_0001>

<sc_bundles>
// kernel: _sc_call.3.cloned.1.call-start
scs
__scs_entry_jumppad:
0x0: {  	(pc) =	sbr.rel $0x88, $3  }
0x1: {  	(tag) =	ssettag $0x0;
	lr =	simm.s32 $0x1  }
0x2: {  	[smem:$0x3F9D] =	sst lr;
	_ =	strace $0xD0000000  }
0x3: {  	_ = 	snop  }
0x4: {  	_ = 	snop  }
0x5: {  	_ = 	snop  }
0x6: {  	_ = 	snop  }
0x7: {  	_ = 	snop  }
__scs_overlays_trampoline_lowered:
0x8: {  	[smem:$0x3FAC] =	sst s0  }
0x9: {  	[smem:$0x3FAD] =	sst s1  }
0xa: {  	[smem:$0x3FAE] =	sst s2  }
0xb: {  	[smem:$0x3FAF] =	sst s3  }
0xc: {  	[smem:$0x3FB0] =	sst s4  }
0xd: {  	[smem:$0x3FB1] =	sst s5  }
0xe: {  	[smem:$0x3FB2] =	sst s6  }
0xf: {  	[smem:$0x3FB3] =	sst s7  }
0x10: {  	[smem:$0x3FB4] =	sst s8  }
0x11: {  	[smem:$0x3FB5] =	sst s9;
	s0 =	simm.s32 @!p0 $0x0  }
0x12: {  	s1 =	sld [smem:$0x3F9B];
	s0 =	simm.s32 @p0 $0x1  }
0x13: {  	[smem:$0x3FB6] =	sst s0;
	s0 =	simm.s32 @!p1 $0x0  }
0x14: {  	s2 =	sld [smem:$0x3F9A];
	s0 =	simm.s32 @p1 $0x1  }
0x15: {  	[smem:$0x3FB7] =	sst s0;
	s0 =	simm.s32 @!p2 $0x0  }
0x16: {  	s3 =	sld [smem:$0x3FDB];
	s0 =	simm.s32 @p2 $0x1  }
0x17: {  	s4 =	simm.s32 $0x1BF5;
	[smem:$0x3FB9] =	sst s0  }
0x18: {  	s0 =	sld [smem:$0x3F9C];
	_ =	swait.ge [sflag:s4], $0x0  }
0x19: {  	s7 =	sld [smem:$0x3F9D]  }
0x1a: {  	s8 =	sadd.s32 $0xFFFFE003, lr  }
0x1b: {  	s9 =	sadd.s32 $0xFFFFFEF7, lr;
	s5 =	simm.s32 $0xFFFFFFFF;
	p2 =	slt.u32 s8, $0xFFFFF086  }
0x1c: {  	p1 =	slt.u32 s9, $0xF7A;
	s5 =	simm.s32 @!p2 $0x0  }
0x1d: {  	s5 =	simm.s32 @p1 $0x1;
	p0 =	seq.s32 s7, s2  }
0x1e: {  	s7 =	smul.u32 @!p0 $0xF7A, s2;
	p2 =	seq.s32 @!p0 s5, $0x0  }
0x1f: {  	s9 =	smul.u32 $0xF7A, s1;
	s8 =	simm.s32 @!p0 $0x1BF5;
	p2 =	por !p2, p0  }
0x20: {  	[sflag:s8] =	ssyncset.s32 @!p0 $0xFFFFF086;
	s6 =	sadd.s32 @!p0 s3, s7;
	s7 =	simm.s32 @!p0 $0x108  }
0x21: {  	s3 =	sadd.s32 s3, s9;
	s6 =	sadd.s32 @!p0 $0x88, s6;
	s7 =	simm.s32 @p2 $0x1082  }
0x22: {  	[simem:s7], [sflag:s8] =	dma.local @!p0 [hbm:s6], $0xF7A  }
0x23: {  	s9 =	sor.u32 $0xD0000000, s2;
	s6 =	simm.s32 $0x108;
	_ =	swait.ge @!p0 [sflag:s8], $0x0  }
0x24: {  	s3 =	sadd.s32 $0x88, s3;
	s6 =	simm.s32 @!p1 $0x1082;
	[sflag:s4] =	ssyncset.s32 $0xFFFFF086  }
0x25: {  	[simem:s6], [sflag:s4] =	dma.local [hbm:s3], $0xF7A  }
0x26: {  	[smem:$0x3F9D] =	sst s1;
	(tag) =	ssettag s2;
	_ =	strace s9  }
0x27: {  	s1 =	sld [smem:$0x3FAD]  }
0x28: {  	s2 =	sld [smem:$0x3FAE]  }
0x29: {  	s4 =	sld [smem:$0x3FB0]  }
0x2a: {  	p0 =	seq.s32 s5, $0x0;
	s5 =	sld [smem:$0x3FB1]  }
0x2b: {  	s6 =	sld [smem:$0x3FB2]  }
0x2c: {  	s7 =	sld [smem:$0x3FB3]  }
0x2d: {  	s3 =	simm.s32 $0x108;
	s8 =	sld [smem:$0x3FB4]  }
0x2e: {  	s3 =	simm.s32 @!p0 $0x1082;
	s9 =	sld [smem:$0x3FB5]  }
0x2f: {  	lr =	sadd.s32 s0, s3;
	s0 =	sld [smem:$0x3FAC]  }
0x30: {  	s3 =	sld [smem:$0x3FAF]  }
0x31: {  	[smem:$0x3FB8] =	sst s10  }
0x32: {  	s10 =	sld [smem:$0x3FB6];
	_ =	sdelay $0x3  }
0x33: {  	p0 =	seq.s32 s10, $0x1;
	s10 =	sld [smem:$0x3FB8];
	_ =	sdelay $0x3  }
0x34: {  	[smem:$0x3FB8] =	sst s10  }
0x35: {  	s10 =	sld [smem:$0x3FB7];
	_ =	sdelay $0x3  }
0x36: {  	p1 =	seq.s32 s10, $0x1;
	s10 =	sld [smem:$0x3FB8];
	_ =	sdelay $0x3  }
0x37: {  	[smem:$0x3FB8] =	sst s10  }
0x38: {  	s10 =	sld [smem:$0x3FB9]  }
0x39: {  	_ = 	snop;
	(pc) =	sbr.ind lr, $3  }
0x3a: {  	_ = 	snop  }
0x3b: {  	_ = 	snop  }
0x3c: {  	p2 =	seq.s32 s10, $0x1;
	s10 =	sld [smem:$0x3FB8]  }
0x3d: {  	_ =	shalt  }
0x3e: {  	_ =	shalt  }
0x3f: {  	_ =	shalt  }
0x40: {  	_ =	shalt  }
0x41: {  	_ =	shalt  }
0x42: {  	_ =	shalt  }
0x43: {  	_ =	shalt  }
0x44: {  	_ =	shalt  }
0x45: {  	_ =	shalt  }
0x46: {  	_ =	shalt  }
0x47: {  	_ =	shalt  }
0x48: {  	_ =	shalt  }
0x49: {  	_ =	shalt  }
0x4a: {  	_ =	shalt  }
0x4b: {  	_ =	shalt  }
0x4c: {  	_ =	shalt  }
0x4d: {  	_ =	shalt  }
0x4e: {  	_ =	shalt  }
0x4f: {  	_ =	shalt  }
0x50: {  	_ =	shalt  }
0x51: {  	_ =	shalt  }
0x52: {  	_ =	shalt  }
0x53: {  	_ =	shalt  }
0x54: {  	_ =	shalt  }
0x55: {  	_ =	shalt  }
0x56: {  	_ =	shalt  }
0x57: {  	_ =	shalt  }
0x58: {  	_ =	shalt  }
0x59: {  	_ =	shalt  }
0x5a: {  	_ =	shalt  }
0x5b: {  	_ =	shalt  }
0x5c: {  	_ =	shalt  }
0x5d: {  	_ =	shalt  }
0x5e: {  	_ =	shalt  }
0x5f: {  	_ =	shalt  }
0x60: {  	_ =	shalt  }
0x61: {  	_ =	shalt  }
0x62: {  	_ =	shalt  }
0x63: {  	_ =	shalt  }
0x64: {  	_ =	shalt  }
0x65: {  	_ =	shalt  }
0x66: {  	_ =	shalt  }
0x67: {  	_ =	shalt  }
0x68: {  	_ =	shalt  }
0x69: {  	_ =	shalt  }
0x6a: {  	_ =	shalt  }
0x6b: {  	_ =	shalt  }
0x6c: {  	_ =	shalt  }
0x6d: {  	_ =	shalt  }
0x6e: {  	_ =	shalt  }
0x6f: {  	_ =	shalt  }
0x70: {  	_ =	shalt  }
0x71: {  	_ =	shalt  }
0x72: {  	_ =	shalt  }
0x73: {  	_ =	shalt  }
0x74: {  	_ =	shalt  }
0x75: {  	_ =	shalt  }
0x76: {  	_ =	shalt  }
0x77: {  	_ =	shalt  }
0x78: {  	_ =	shalt  }
0x79: {  	_ =	shalt  }
0x7a: {  	_ =	shalt  }
0x7b: {  	_ =	shalt  }
0x7c: {  	_ =	shalt  }
0x7d: {  	_ =	shalt  }
0x7e: {  	_ =	shalt  }
0x7f: {  	_ =	shalt  }
0x80: {  	_ =	shalt  }
0x81: {  	_ =	shalt  }
0x82: {  	_ =	shalt  }
0x83: {  	_ =	shalt  }
0x84: {  	_ =	shalt  }
0x85: {  	_ =	shalt  }
0x86: {  	_ =	shalt  }
0x87: {  	_ =	shalt  }
.Lfunc_end0:
.L_simem_size_0:
called_computation_lowered:
.L_overlay_start_0:
0x88: {  	s2 =	sld [smem:$0x3FD9]  }
0x89: {  	s3 =	sld [smem:$0x3FFE];
	_ =	sdelay $0x1  }
0x8a: {  	s1 =	srdreg.scid  }
0x8b: {  	s0 =	sand.u32 $0x1, s1  }
0x8c: {  	s18 =	sshll.u32 s0, $0xA;
	s2 =	sadd.s32 s3, s2  }
0x8d: {  	s2 =	sadd.s32 s2, s18  }
0x8e: {  	[smem:$0x3FC4] =	sst s2  }
0x8f: {  	_ = 	snop  }
0x90: {  	s2 =	sld [smem:$0x3FC9]  }
0x91: {  	s19 =	sld [smem:$0x3FC8]  }
0x92: {  	s4 =	sld [smem:$0x3FC7]  }
0x93: {  	s5 =	sld [smem:$0x3FC6]  }
0x94: {  	s6 =	sld [smem:$0x3FD0];
	(tm) =	ssettm $0x1  }
0x95: {  	s7 =	sld [smem:$0x3FFB];
	_ =	sdelay $0x3  }
0x96: {  	_ =	strace s7  }
0x97: {  	s7 =	sld [smem:$0x3FFC];
	_ =	sdelay $0x3  }
0x98: {  	_ =	strace s7  }
0x99: {  	s7 =	sld [smem:$0x3FFD];
	_ =	sdelay $0x3  }
0x9a: {  	_ =	strace s7  }
0x9b: {  	_ =	strace $0x8FFFFFFF  }
0x9c: {  	s20 =	sld [smem:$0x3FDB];
	_ =	sdelay $0x1  }
0x9d: {  	s8 =	simm.s32 $_scs_section_size  }
0x9e: {  	s9 =	simm.s32 $_size__tile_overlayer_lowered;
	s10 =	simm.s32 $_tile_overlayer_lowered  }
0x9f: {  	s23 =	simm.s32 $0x1BFF;
	s22 =	sshll.u32 s10, $0x1;
	s7 =	sadd.s32 s8, s20  }
0xa0: {  	s11 =	simm.s32 $0x0;
	s21 =	sshll.u32 s9, $0x1;
	s9 =	sadd.s32 s22, s7  }
0xa1: {  	[timem:s11], [sflag:s23] =	dma.local [hbm:s9], s21  }
0xa2: {  	_ =	swait.ge [sflag:s23], s21  }
0xa3: {  	s8 =	ssub.s32 $0x0, s21;
	[sflag:s23] =	ssyncset.done $0x0  }
0xa4: {  	[sflag:s23] =	ssyncadd.s32 s8;
	_ =	sdelay $0x1  }
0xa5: {  	s24 =	simm.s32 $0x1B8B  }
0xa6: {  	_ =	swait.ge [sflag:s24], $0x1  }
0xa7: {  	[sflag:s24] =	ssyncset.done $0x0  }
0xa8: {  	s25 =	simm.s32 $0x1B8E;
	[sflag:s24] =	ssyncadd.s32 $0xFFFFFFFF  }
0xa9: {  	s26 =	simm.s32 $execute0_lowered;
	[smem:$0x3FD2] =	sst s25  }
0xaa: {  	s8 =	sshll.u32 s26, $0x1;
	_ =	strace $0x80000046;
	[dreg:$0x1] =	wrdreg $0xFFFFFFFF  }
0xab: {  	s28 =	simm.s32 $_size_execute0_lowered;
	s7 =	sadd.s32 s7, s8;
	[dreg:$0x0] =	wrdreg $0x0  }
0xac: {  	s8 =	sshll.u32 s28, $0x1;
	[dreg:$0x2] =	wrdreg s7  }
0xad: {  	[dreg:$0x3] =	wrdreg s8  }
0xae: {  	[dreg:$0x4] =	wrdreg $0xC0  }
0xaf: {  	_ =	task [dreg:s11], $0x5FFFF  }
0xb0: {  	[dreg:$0x1] =	wrdreg $0xFFFFFFFF  }
0xb1: {  	[dreg:$0x0] =	wrdreg $0x60  }
0xb2: {  	[dreg:$0x2] =	wrdreg s2  }
0xb3: {  	[dreg:$0x3] =	wrdreg s19  }
0xb4: {  	[dreg:$0x4] =	wrdreg s4  }
0xb5: {  	[dreg:$0x5] =	wrdreg s5  }
0xb6: {  	[dreg:$0x6] =	wrdreg s6  }
0xb7: {  	[dreg:$0x7] =	wrdreg $0x9  }
0xb8: {  	_ =	task.clear_ibuf [dreg:s11], $0x8FFFF;
	_ =	strace $0x90000046  }
0xb9: {  	s29 =	simm.s32 $0x9;
	_ =	strace $0x80000048  }
0xba: {  	_ =	swait.ge [sflag:s29], $0x1  }
0xbb: {  	[sflag:s29] =	ssyncadd.s32 $0xFFFFFFFF  }
0xbc: {  	_ =	strace $0x90000048  }
0xbd: {  	_ =	sfence  }
0xbe: {  	s30 =	sld [smem:$0x0];
	_ =	sdelay $0x2  }
0xbf: {  	s31 =	sshll.u32 s1, $0xD;
	s1 =	sshrl.u32 s1, $0x2  }
0xc0: {  	s3 =	sand.u32 $0x4000, s31;
	s1 =	sadd.s32 s1, s30  }
0xc1: {  	s0 =	sor.u32 s3, s0;
	s1 =	sshll.u32 s1, $0x11  }
0xc2: {  	s0 =	sor.u32 s1, s0  }
0xc3: {  	s0 =	sadd.s32 $0x8F2B, s0  }
0xc4: {  	[sflag:s0] =	ssyncadd.remote.s32 $0x1  }
0xc5: {  	_ =	sfence.sel $0xFFFF  }
0xc6: {  	[dreg:$0x0] =	wrdreg $0xFFFFFFFF;
	(pc) =	sbr.abs _section_cstart, $3  }
0xc7: {  	[dreg:$0x1] =	wrdreg $0xFFFFFFFF  }
0xc8: {  	_ =	task.clear_ibuf [dreg:s11], $0x2FFFF;
	_ =	strace $0x9FFFFFFF  }
0xc9: {  	(tm) =	ssettm $0x7FFFFFFF  }
tec
execute0_lowered:
.L_overlay_start_1:
0x0: {  	(tag) =	ssettag $0x1  }
0x1: {  	s0 =	rddreg [dreg:$0x0];
	s1 =	srdreg.scid  }
0x2: {  	s2 =	stileid.u32;
	s6 =	rddreg [dreg:$0x4];
	s7 =	simm.s32 $0x0  }
0x3: {  	s12 =	simm.s32 $0x4800;
	s1 =	sand.u32 $0x1, s1;
	s2 =	sshll.u32 s2, $0x1  }
0x4: {  	s16 =	simm.s32 $0x5;
	s17 =	simm.s32 $0x1;
	s2 =	sor.u32 s1, s2  }
0x5: {  	s18 =	simm.s32 $0x9000;
	s19 =	simm.s32 $0x2;
	s3 =	smul.u32 $0x36000, s2  }
.Ltmp0:
0x6: {  	s20 =	simm.s32 $0xD800;
	s21 =	simm.s32 $0x3;
	(pc) =	sbr.rel .LBB2_1-.Ltmp0, $4  }
0x7: {  	s22 =	simm.s32 $0x4;
	s23 =	simm.s32 $0x0;
	s1 =	ssub.s32 $0x2, s1  }
0x8: {  	[smem:$0x7FF] =	sst s7;
	s4 =	sshrl.u32 s1, $0x1;
	s8 =	sadd.s32 s0, s3  }
0x9: {  	_ =	strace $0x80000047;
	s1 =	ssub.s32 s1, s4;
	s31 =	sadd.s32 $0x900, s8  }
0xa: {  	s9 =	smul.u32 $0x60, s2;
	s11 =	smax.u32 s1, $0x1;
	[dreg:$0x6] =	wrdreg s31  }
.LBB2_12:
0xb: {  	s23 =	sadd.s32 $0x1, s23  }
0xc: {  	_ =	swait.ge [sflag:s21], $0x4800;
	p0 =	sne.s32 s23, s11  }
.Ltmp1:
0xd: {  	[sflag:s21] =	ssyncset.done $0x0;
	(pc) =	sbr.rel @!p0 .LBB2_13-.Ltmp1, $4  }
0xe: {  	[sflag:s21] =	ssyncadd.s32 $0xFFFFB800  }
0xf: {  	_ =	swait.ge [sflag:s22], $0x4800  }
0x10: {  	[sflag:s22] =	ssyncset.done $0x0  }
0x11: {  	[sflag:s22] =	ssyncadd.s32 $0xFFFFB800  }
.LBB2_1:
0x12: {  	[tilespmem:s7], [sflag:$0x1] =	stream.linear.gather [hbm4b:s8+s7], $0x4800, $0x38;
	[tilespmem:$0x16000] =	vst v63  }
0x13: {  	s1 =	rddreg [dreg:$0x6]  }
0x14: {  	[tilespmem:s12], [sflag:$0x2] =	stream.linear.gather [hbm4b:s1+s7], $0x4800, $0x38;
	[tilespmem:$0x16000] =	vst v63  }
0x15: {  	s26 =	rddreg [dreg:$0x1];
	s2 =	simm.s32 $0x12000  }
0x16: {  	[tilespmem:s2], [sflag:$0x5] =	stream.linear.gather [hbm4b:s26+s7], $0x1000, $0x38;
	[tilespmem:$0x16000] =	vst v63  }
0x17: {  	s28 =	rddreg [dreg:$0x2];
	s29 =	simm.s32 $0x13000  }
0x18: {  	[tilespmem:s29], [sflag:$0x5] =	stream.linear.gather [hbm4b:s28+s7], $0x1800, $0x38;
	[tilespmem:$0x16000] =	vst v63  }
0x19: {  	s30 =	rddreg [dreg:$0x3];
	s31 =	simm.s32 $0x14800  }
0x1a: {  	[tilespmem:s31], [sflag:$0x5] =	stream.linear.gather [hbm4b:s30+s7], $0x1800, $0x38;
	[tilespmem:$0x16000] =	vst v63  }
0x1b: {  	_ =	swait.ge [sflag:s16], $0x1000  }
0x1c: {  	[sflag:s16] =	ssyncset.done $0x0  }
0x1d: {  	[sflag:s16] =	ssyncadd.s32 $0xFFFFF000  }
0x1e: {  	_ =	swait.ge [sflag:s16], $0x1800  }
0x1f: {  	[sflag:s16] =	ssyncset.done $0x0  }
0x20: {  	[sflag:s16] =	ssyncadd.s32 $0xFFFFE800  }
0x21: {  	_ =	swait.ge [sflag:s16], $0x1800  }
0x22: {  	[sflag:s16] =	ssyncset.done $0x0  }
0x23: {  	s24 =	simm.s32 $0x0;
	[sflag:s16] =	ssyncadd.s32 $0xFFFFE800  }
.LBB2_2:
0x24: {  	s25 =	sshll.u32 s24, $0x1  }
0x25: {  	s26 =	sadd.s32 s9, s25  }
0x26: {  	s1 =	smulhi.u32 $0x2AAAAAAB, s26;
	_ =	sdelay $0x1  }
0x27: {  	s1 =	sshrl.u32 s1, $0x6  }
0x28: {  	s1 =	smul.u32 $0x180, s1;
	_ =	sdelay $0x1  }
0x29: {  	_ =	swait.ge [sflag:s17], $0x4800;
	s1 =	ssub.s32 s26, s1  }
0x2a: {  	p0 =	seq.s32 s24, $0x0;
	[sflag:s17] =	ssyncset.done $0x0;
	s2 =	smul.u32 $0xAAB, s1  }
0x2b: {  	s3 =	simm.s32 @!p0 $0x3;
	[sflag:s17] =	ssyncadd.s32 $0xFFFFB800  }
0x2c: {  	_ =	swait.ge @!p0 [sflag:s3], $0x4800;
	s4 =	sshrl.u32 s2, $0x8;
	s5 =	sshrl.u32 s2, $0x9  }
0x2d: {  	[sflag:s3] =	ssyncset.done @!p0 $0x0;
	s4 =	sand.u32 $0x1800, s4;
	s5 =	sand.u32 $0x380, s5  }
0x2e: {  	[sflag:s3] =	ssyncadd.s32 @!p0 $0xFFFFB800;
	s15 =	sor.u32 s5, s4  }
0x2f: {  	v30 =	vld [tilespmem:s15+$0x12000]  }
0x30: {  	v29 =	vld [tilespmem:s15+$0x12010]  }
0x31: {  	v28 =	vld [tilespmem:s15+$0x12020]  }
0x32: {  	v27 =	vld [tilespmem:s15+$0x12030]  }
0x33: {  	v26 =	vld [tilespmem:s15+$0x12040]  }
0x34: {  	v25 =	vld [tilespmem:s15+$0x12050]  }
0x35: {  	v24 =	vld [tilespmem:s15+$0x12060]  }
0x36: {  	v23 =	vld [tilespmem:s15+$0x12070]  }
0x37: {  	v22 =	vld [tilespmem:s15+$0x12400]  }
0x38: {  	s2 =	sshrl.u32 s2, $0x10;
	v21 =	vld [tilespmem:s15+$0x12410]  }
0x39: {  	s2 =	smul.u32 $0x18, s2;
	v20 =	vld [tilespmem:s15+$0x12420]  }
0x3a: {  	v19 =	vld [tilespmem:s15+$0x12430]  }
0x3b: {  	s1 =	ssub.s32 s1, s2;
	v18 =	vld [tilespmem:s15+$0x12440]  }
0x3c: {  	v14 =	vld [tilespmem:s15+$0x12450];
	s2 =	sshll.u32 s1, $0x8;
	s1 =	sshll.u32 s1, $0x7  }
0x3d: {  	v15 =	vld [tilespmem:s15+$0x12460];
	s2 =	sand.u32 $0x1800, s2;
	s1 =	sand.u32 $0x300, s1  }
0x3e: {  	v16 =	vld [tilespmem:s15+$0x12470];
	s1 =	sor.u32 s1, s2  }
0x3f: {  	s29 =	sadd.s32 $0x13000, s1;
	v17 =	vld [tilespmem:s1+$0x13000]  }
0x40: {  	v13 =	vld [tilespmem:s29+$0x10]  }
0x41: {  	v12 =	vld [tilespmem:s29+$0x20]  }
0x42: {  	v11 =	vld [tilespmem:s29+$0x30]  }
0x43: {  	v10 =	vld [tilespmem:s29+$0x40]  }
0x44: {  	v9 =	vld [tilespmem:s29+$0x50]  }
0x45: {  	v8 =	vld [tilespmem:s29+$0x60]  }
0x46: {  	v7 =	vld [tilespmem:s29+$0x70]  }
0x47: {  	v6 =	vld [tilespmem:s29+$0x400]  }
0x48: {  	v5 =	vld [tilespmem:s29+$0x410]  }
0x49: {  	v4 =	vld [tilespmem:s29+$0x420]  }
0x4a: {  	v2 =	vld [tilespmem:s29+$0x430]  }
0x4b: {  	s30 =	simm.s32 $0x0;
	v0 =	vld [tilespmem:s29+$0x440]  }
0x4c: {  	s31 =	smul.u32 $0x1800, s30;
	s2 =	simm.s32 $0x0;
	v1 =	vld [tilespmem:s29+$0x450]  }
0x4d: {  	s1 =	sand.u32 $0x380, s2;
	v3 =	vld [tilespmem:s29+$0x460]  }
0x4e: {  	v31 =	vld [tilespmem:s29+$0x470];
	s28 =	sor.u32 s1, s31  }
0x4f: {  	v32 =	vld [tilespmem:s28+$0x1470]  }
0x50: {  	v33 =	vld [tilespmem:s28+$0x0]  }
0x51: {  	v34 =	vld [tilespmem:s28+$0x10]  }
0x52: {  	v35 =	vld [tilespmem:s28+$0x20]  }
0x53: {  	v36 =	vld [tilespmem:s28+$0x30]  }
0x54: {  	v37 =	vld [tilespmem:s28+$0x40];
	v32 =	vadd.f32 v32, v31  }
0x55: {  	v38 =	vld [tilespmem:s28+$0x50];
	v33 =	vadd.f32 v33, v30  }
0x56: {  	v39 =	vld [tilespmem:s28+$0x60];
	v62 =	vadd.f32 v34, v29;
	[tilespmem:s28+$0xA470] =	vst v32  }
0x57: {  	v43 =	vld [tilespmem:s28+$0x410];
	v40 =	vadd.f32 v35, v28;
	[tilespmem:s28+$0x9000] =	vst v33  }
0x58: {  	v45 =	vld [tilespmem:s28+$0x420];
	v42 =	vadd.f32 v36, v27;
	[tilespmem:s28+$0x9010] =	vst v62  }
0x59: {  	v47 =	vld [tilespmem:s28+$0x430];
	v44 =	vadd.f32 v37, v26;
	[tilespmem:s28+$0x9020] =	vst v40  }
0x5a: {  	v49 =	vld [tilespmem:s28+$0x440];
	v46 =	vadd.f32 v38, v25;
	[tilespmem:s28+$0x9030] =	vst v42  }
0x5b: {  	v50 =	vld [tilespmem:s28+$0x450];
	v48 =	vadd.f32 v39, v24;
	[tilespmem:s28+$0x9040] =	vst v44  }
0x5c: {  	v53 =	vld [tilespmem:s28+$0x1000];
	v34 =	vadd.f32 v43, v21;
	[tilespmem:s28+$0x9050] =	vst v46  }
0x5d: {  	v54 =	vld [tilespmem:s28+$0x1010];
	v35 =	vadd.f32 v45, v20;
	[tilespmem:s28+$0x9060] =	vst v48  }
0x5e: {  	v55 =	vld [tilespmem:s28+$0x1020];
	v36 =	vadd.f32 v47, v19;
	[tilespmem:s28+$0x9410] =	vst v34  }
0x5f: {  	v63 =	vld [tilespmem:s28+$0x70];
	v37 =	vadd.f32 v49, v18;
	[tilespmem:s28+$0x9420] =	vst v35  }
0x60: {  	v41 =	vld [tilespmem:s28+$0x400];
	v56 =	vadd.f32 v50, v14;
	[tilespmem:s28+$0x9430] =	vst v36  }
0x61: {  	v57 =	vld [tilespmem:s28+$0x1030];
	v59 =	vadd.f32 v53, v17;
	[tilespmem:s28+$0x9440] =	vst v37  }
0x62: {  	v51 =	vld [tilespmem:s28+$0x460];
	v60 =	vadd.f32 v54, v13;
	[tilespmem:s28+$0x9450] =	vst v56  }
0x63: {  	v52 =	vld [tilespmem:s28+$0x470];
	v61 =	vadd.f32 v55, v12;
	[tilespmem:s28+$0xA000] =	vst v59  }
0x64: {  	v58 =	vld [tilespmem:s28+$0x1040];
	v33 =	vadd.f32 v63, v23;
	[tilespmem:s28+$0xA010] =	vst v60  }
0x65: {  	v32 =	vadd.f32 v41, v22;
	v40 =	vld [tilespmem:s28+$0x1050];
	[tilespmem:s28+$0xA020] =	vst v61  }
0x66: {  	v41 =	vld [tilespmem:s28+$0x1060];
	v62 =	vadd.f32 v57, v11;
	[tilespmem:s28+$0x9070] =	vst v33  }
0x67: {  	v36 =	vld [tilespmem:s28+$0x1070];
	[tilespmem:s28+$0x9400] =	vst v32;
	v33 =	vadd.f32 v51, v15  }
0x68: {  	v34 =	vld [tilespmem:s28+$0x1400];
	v32 =	vadd.f32 v52, v16;
	[tilespmem:s28+$0xA030] =	vst v62  }
0x69: {  	v63 =	vadd.f32 v58, v10;
	[tilespmem:s28+$0x9460] =	vst v33;
	v33 =	vld [tilespmem:s28+$0x1410]  }
0x6a: {  	[tilespmem:s28+$0x9470] =	vst v32;
	v32 =	vld [tilespmem:s28+$0x1420];
	v37 =	vadd.f32 v40, v9  }
0x6b: {  	s5 =	simm.s32 $0x0;
	s4 =	simm.s32 $0x2;
	s3 =	smov.u32 s28;
	v35 =	vld [tilespmem:s28+$0x1430];
	[tilespmem:s28+$0xA040] =	vst v63;
	v38 =	vadd.f32 v41, v8  }
.LBB2_3:
0x6c: {  	p1 =	sne.s32 s4, $0x17;
	s5 =	smul.u32 $0x1800, s5;
	[tilespmem:s3+$0xA050] =	vst v37;
	v36 =	vadd.f32 v36, v7;
	v37 =	vld [tilespmem:s3+$0x1440];
	s2 =	sadd.s32 $0x80, s2  }
0x6d: {  	s13 =	sand.u32 $0x380, s2;
	[tilespmem:s3+$0xA060] =	vst v38;
	v34 =	vadd.f32 v34, v6;
	v38 =	vld [tilespmem:s3+$0x1450]  }
0x6e: {  	s5 =	sor.u32 s13, s5;
	[tilespmem:s3+$0xA070] =	vst v36;
	v33 =	vadd.f32 v33, v5;
	v36 =	vld [tilespmem:s3+$0x1460]  }
0x6f: {  	v39 =	vld [tilespmem:s5+$0x1470];
	[tilespmem:s3+$0xA400] =	vst v34;
	v32 =	vadd.f32 v32, v4  }
0x70: {  	v34 =	vld [tilespmem:s5+$0x0];
	[tilespmem:s3+$0xA410] =	vst v33;
	v33 =	vadd.f32 v35, v2  }
0x71: {  	v35 =	vld [tilespmem:s5+$0x10];
	[tilespmem:s3+$0xA420] =	vst v32;
	v32 =	vadd.f32 v37, v0  }
0x72: {  	v37 =	vld [tilespmem:s5+$0x20];
	[tilespmem:s3+$0xA430] =	vst v33;
	v33 =	vadd.f32 v38, v1  }
0x73: {  	v38 =	vld [tilespmem:s5+$0x30];
	[tilespmem:s3+$0xA440] =	vst v32;
	v32 =	vadd.f32 v36, v3  }
0x74: {  	v36 =	vld [tilespmem:s5+$0x40];
	v39 =	vadd.f32 v39, v31;
	[tilespmem:s3+$0xA450] =	vst v33  }
0x75: {  	v33 =	vadd.f32 v34, v30;
	v34 =	vld [tilespmem:s5+$0x50];
	[tilespmem:s3+$0xA460] =	vst v32;
	s3 =	smov.u32 s5  }
0x76: {  	v32 =	vadd.f32 v35, v29;
	v35 =	vld [tilespmem:s3+$0x60];
	[tilespmem:s3+$0xA470] =	vst v39  }
0x77: {  	[tilespmem:s3+$0x9000] =	vst v33;
	v33 =	vadd.f32 v37, v28;
	v37 =	vld [tilespmem:s3+$0x70]  }
0x78: {  	[tilespmem:s3+$0x9010] =	vst v32;
	v32 =	vadd.f32 v38, v27;
	v38 =	vld [tilespmem:s3+$0x400]  }
0x79: {  	[tilespmem:s3+$0x9020] =	vst v33;
	v33 =	vadd.f32 v36, v26;
	v36 =	vld [tilespmem:s3+$0x410]  }
0x7a: {  	[tilespmem:s3+$0x9030] =	vst v32;
	v32 =	vadd.f32 v34, v25;
	v34 =	vld [tilespmem:s3+$0x420]  }
0x7b: {  	[tilespmem:s3+$0x9040] =	vst v33;
	v33 =	vadd.f32 v35, v24;
	v35 =	vld [tilespmem:s3+$0x430]  }
0x7c: {  	[tilespmem:s3+$0x9050] =	vst v32;
	v32 =	vadd.f32 v37, v23;
	v37 =	vld [tilespmem:s3+$0x440]  }
0x7d: {  	[tilespmem:s3+$0x9060] =	vst v33;
	v33 =	vadd.f32 v38, v22;
	v38 =	vld [tilespmem:s3+$0x450]  }
0x7e: {  	[tilespmem:s3+$0x9070] =	vst v32;
	v32 =	vadd.f32 v36, v21;
	v36 =	vld [tilespmem:s3+$0x460]  }
0x7f: {  	[tilespmem:s3+$0x9400] =	vst v33;
	v33 =	vadd.f32 v34, v20;
	v34 =	vld [tilespmem:s3+$0x470]  }
0x80: {  	[tilespmem:s3+$0x9410] =	vst v32;
	v32 =	vadd.f32 v35, v19;
	v35 =	vld [tilespmem:s3+$0x1000]  }
0x81: {  	[tilespmem:s3+$0x9420] =	vst v33;
	v33 =	vadd.f32 v37, v18;
	v37 =	vld [tilespmem:s3+$0x1010]  }
0x82: {  	[tilespmem:s3+$0x9430] =	vst v32;
	v32 =	vadd.f32 v38, v14;
	v38 =	vld [tilespmem:s3+$0x1020]  }
0x83: {  	[tilespmem:s3+$0x9440] =	vst v33;
	v33 =	vadd.f32 v36, v15;
	v39 =	vld [tilespmem:s3+$0x1030]  }
0x84: {  	[tilespmem:s3+$0x9450] =	vst v32;
	v32 =	vadd.f32 v34, v16;
	v40 =	vld [tilespmem:s3+$0x1040]  }
0x85: {  	[tilespmem:s3+$0x9460] =	vst v33;
	v33 =	vadd.f32 v35, v17;
	v35 =	vld [tilespmem:s3+$0x1050]  }
0x86: {  	[tilespmem:s3+$0x9470] =	vst v32;
	v32 =	vadd.f32 v37, v13;
	v41 =	vld [tilespmem:s3+$0x1060]  }
.Ltmp2:
0x87: {  	[tilespmem:s3+$0xA000] =	vst v33;
	v33 =	vadd.f32 v38, v12;
	v36 =	vld [tilespmem:s3+$0x1070];
	(pc) =	sbr.rel @p1 .LBB2_3-.Ltmp2, $4  }
0x88: {  	[tilespmem:s3+$0xA010] =	vst v32;
	v32 =	vadd.f32 v39, v11;
	v34 =	vld [tilespmem:s3+$0x1400]  }
0x89: {  	[tilespmem:s3+$0xA020] =	vst v33;
	v38 =	vadd.f32 v40, v10;
	v33 =	vld [tilespmem:s3+$0x1410]  }
0x8a: {  	[tilespmem:s3+$0xA030] =	vst v32;
	v37 =	vadd.f32 v35, v9;
	v32 =	vld [tilespmem:s3+$0x1420]  }
0x8b: {  	s5 =	sshrl.u32 s4, $0x3;
	s4 =	sadd.s32 $0x1, s4;
	[tilespmem:s3+$0xA040] =	vst v38;
	v38 =	vadd.f32 v41, v8;
	v35 =	vld [tilespmem:s3+$0x1430]  }
0x8c: {  	[tilespmem:s3+$0xA050] =	vst v37;
	v50 =	vld [tilespmem:s3+$0x1440];
	v36 =	vadd.f32 v36, v7;
	s4 =	smul.u32 $0x1800, s5;
	s2 =	sadd.s32 $0x80, s2  }
0x8d: {  	v51 =	vld [tilespmem:s3+$0x1450];
	[tilespmem:s3+$0xA060] =	vst v38;
	s2 =	sand.u32 $0x380, s2;
	v34 =	vadd.f32 v34, v6  }
0x8e: {  	v52 =	vld [tilespmem:s3+$0x1460];
	[tilespmem:s3+$0xA070] =	vst v36;
	s2 =	sor.u32 s2, s4;
	v33 =	vadd.f32 v33, v5  }
0x8f: {  	v39 =	vld [tilespmem:s2+$0x1470];
	[tilespmem:s3+$0xA400] =	vst v34;
	v32 =	vadd.f32 v32, v4  }
0x90: {  	v53 =	vld [tilespmem:s2+$0x0];
	[tilespmem:s3+$0xA410] =	vst v33;
	v54 =	vadd.f32 v35, v2  }
0x91: {  	v55 =	vld [tilespmem:s2+$0x10];
	[tilespmem:s3+$0xA420] =	vst v32;
	v56 =	vadd.f32 v50, v0  }
0x92: {  	v57 =	vld [tilespmem:s2+$0x20];
	v58 =	vadd.f32 v51, v1;
	[tilespmem:s3+$0xA430] =	vst v54  }
0x93: {  	v59 =	vld [tilespmem:s2+$0x30];
	v60 =	vadd.f32 v52, v3;
	[tilespmem:s3+$0xA440] =	vst v56  }
0x94: {  	v61 =	vld [tilespmem:s2+$0x40];
	[tilespmem:s3+$0xA450] =	vst v58;
	v31 =	vadd.f32 v39, v31  }
0x95: {  	v62 =	vld [tilespmem:s2+$0x50];
	[tilespmem:s3+$0xA460] =	vst v60;
	v30 =	vadd.f32 v53, v30  }
0x96: {  	v63 =	vld [tilespmem:s2+$0x60];
	v29 =	vadd.f32 v55, v29;
	[tilespmem:s2+$0xA470] =	vst v31  }
0x97: {  	v37 =	vld [tilespmem:s2+$0x70];
	v28 =	vadd.f32 v57, v28;
	[tilespmem:s2+$0x9000] =	vst v30  }
0x98: {  	v40 =	vld [tilespmem:s2+$0x410];
	v27 =	vadd.f32 v59, v27;
	[tilespmem:s2+$0x9010] =	vst v29  }
0x99: {  	v41 =	vld [tilespmem:s2+$0x420];
	v26 =	vadd.f32 v61, v26;
	[tilespmem:s2+$0x9020] =	vst v28  }
0x9a: {  	v42 =	vld [tilespmem:s2+$0x430];
	v25 =	vadd.f32 v62, v25;
	[tilespmem:s2+$0x9030] =	vst v27  }
0x9b: {  	v43 =	vld [tilespmem:s2+$0x440];
	v24 =	vadd.f32 v63, v24;
	[tilespmem:s2+$0x9040] =	vst v26  }
0x9c: {  	v44 =	vld [tilespmem:s2+$0x450];
	v23 =	vadd.f32 v37, v23;
	[tilespmem:s2+$0x9050] =	vst v25  }
0x9d: {  	v45 =	vld [tilespmem:s2+$0x460];
	v21 =	vadd.f32 v40, v21;
	[tilespmem:s2+$0x9060] =	vst v24  }
0x9e: {  	v46 =	vld [tilespmem:s2+$0x470];
	v20 =	vadd.f32 v41, v20;
	[tilespmem:s2+$0x9070] =	vst v23  }
0x9f: {  	v47 =	vld [tilespmem:s2+$0x1000];
	v19 =	vadd.f32 v42, v19;
	[tilespmem:s2+$0x9410] =	vst v21  }
0xa0: {  	v48 =	vld [tilespmem:s2+$0x1010];
	v18 =	vadd.f32 v43, v18;
	[tilespmem:s2+$0x9420] =	vst v20  }
0xa1: {  	v49 =	vld [tilespmem:s2+$0x1020];
	v14 =	vadd.f32 v44, v14;
	[tilespmem:s2+$0x9430] =	vst v19  }
0xa2: {  	v50 =	vld [tilespmem:s2+$0x1030];
	v15 =	vadd.f32 v45, v15;
	[tilespmem:s2+$0x9440] =	vst v18  }
0xa3: {  	v52 =	vld [tilespmem:s2+$0x1040];
	v51 =	vadd.f32 v46, v16;
	[tilespmem:s2+$0x9450] =	vst v14  }
0xa4: {  	v54 =	vld [tilespmem:s2+$0x1050];
	v53 =	vadd.f32 v47, v17;
	[tilespmem:s2+$0x9460] =	vst v15  }
0xa5: {  	v56 =	vld [tilespmem:s2+$0x1070];
	v13 =	vadd.f32 v48, v13;
	[tilespmem:s2+$0x9470] =	vst v51  }
0xa6: {  	v58 =	vld [tilespmem:s2+$0x1410];
	v12 =	vadd.f32 v49, v12;
	[tilespmem:s2+$0xA000] =	vst v53  }
0xa7: {  	v55 =	vld [tilespmem:s2+$0x1060];
	[tilespmem:s2+$0xA010] =	vst v13;
	v11 =	vadd.f32 v50, v11  }
0xa8: {  	v60 =	vld [tilespmem:s2+$0x1430];
	[tilespmem:s2+$0xA020] =	vst v12;
	v10 =	vadd.f32 v52, v10  }
0xa9: {  	v39 =	vld [tilespmem:s2+$0x400];
	v9 =	vadd.f32 v54, v9;
	[tilespmem:s2+$0xA030] =	vst v11  }
0xaa: {  	v57 =	vld [tilespmem:s2+$0x1400];
	[tilespmem:s2+$0xA040] =	vst v10;
	v7 =	vadd.f32 v56, v7  }
0xab: {  	v61 =	vld [tilespmem:s2+$0x1440];
	v5 =	vadd.f32 v58, v5;
	[tilespmem:s2+$0xA050] =	vst v9  }
0xac: {  	v59 =	vld [tilespmem:s2+$0x1420];
	v8 =	vadd.f32 v55, v8;
	[tilespmem:s2+$0xA070] =	vst v7  }
0xad: {  	v2 =	vadd.f32 v60, v2;
	v7 =	vld [tilespmem:s2+$0x1460];
	[tilespmem:s2+$0xA410] =	vst v5  }
0xae: {  	v22 =	vadd.f32 v39, v22;
	[tilespmem:s2+$0xA060] =	vst v8;
	v8 =	vld [tilespmem:s2+$0x1450]  }
0xaf: {  	v6 =	vadd.f32 v57, v6;
	[tilespmem:s2+$0xA430] =	vst v2  }
0xb0: {  	v0 =	vadd.f32 v61, v0;
	[tilespmem:s2+$0x9400] =	vst v22  }
0xb1: {  	v4 =	vadd.f32 v59, v4;
	[tilespmem:s2+$0xA400] =	vst v6  }
0xb2: {  	[tilespmem:s2+$0xA440] =	vst v0;
	v0 =	vadd.f32 v7, v3  }
0xb3: {  	s10 =	simm.s32 $0x0;
	[tilespmem:s2+$0xA420] =	vst v4;
	v1 =	vadd.f32 v8, v1  }
0xb4: {  	s3 =	sand.u32 $0x3FFFF800, s10;
	[tilespmem:s2+$0xA460] =	vst v0  }
0xb5: {  	s1 =	sor.u32 s1, s3;
	[tilespmem:s2+$0xA450] =	vst v1  }
0xb6: {  	v0 =	vld [tilespmem:s1+$0x14800]  }
0xb7: {  	v1 =	vld [tilespmem:s28+$0x800];
	_ =	sdelay $0x4  }
0xb8: {  	v0 =	vadd.f32 v0, v1;
	_ =	sdelay $0x1  }
0xb9: {  	s3 =	sadd.s32 $0x14800, s1;
	[tilespmem:s28+$0x9800] =	vst v0;
	v0 =	vld [tilespmem:s28+$0x810]  }
0xba: {  	v1 =	vld [tilespmem:s3+$0x10];
	_ =	sdelay $0x4  }
0xbb: {  	v0 =	vadd.f32 v1, v0;
	_ =	sdelay $0x1  }
0xbc: {  	[tilespmem:s28+$0x9810] =	vst v0;
	v0 =	vld [tilespmem:s28+$0x820]  }
0xbd: {  	v1 =	vld [tilespmem:s3+$0x20];
	_ =	sdelay $0x4  }
0xbe: {  	v0 =	vadd.f32 v1, v0;
	_ =	sdelay $0x1  }
0xbf: {  	[tilespmem:s28+$0x9820] =	vst v0;
	v0 =	vld [tilespmem:s28+$0x830]  }
0xc0: {  	v1 =	vld [tilespmem:s3+$0x30]  }
0xc1: {  	s15 =	simm.s32 $0x0  }
0xc2: {  	s14 =	simm.s32 $0x80;
	s4 =	smul.u32 $0x1800, s15  }
0xc3: {  	s13 =	simm.s32 $0x100;
	s2 =	sand.u32 $0x380, s14  }
0xc4: {  	s1 =	sand.u32 $0x3FFFF800, s13;
	s29 =	sor.u32 s2, s4  }
0xc5: {  	s1 =	sor.u32 s2, s1;
	v3 =	vld [tilespmem:s29+$0x800];
	v0 =	vadd.f32 v1, v0  }
0xc6: {  	v2 =	vld [tilespmem:s1+$0x14800]  }
0xc7: {  	[tilespmem:s28+$0x9830] =	vst v0;
	v0 =	vld [tilespmem:s28+$0x840]  }
0xc8: {  	v1 =	vld [tilespmem:s3+$0x40];
	_ =	sdelay $0x2  }
0xc9: {  	v2 =	vadd.f32 v2, v3;
	_ =	sdelay $0x1  }
0xca: {  	s30 =	sadd.s32 $0x14800, s1;
	[tilespmem:s29+$0x9800] =	vst v2;
	v2 =	vld [tilespmem:s29+$0x810];
	v0 =	vadd.f32 v1, v0  }
0xcb: {  	v3 =	vld [tilespmem:s30+$0x10]  }
0xcc: {  	v1 =	vld [tilespmem:s28+$0x850];
	[tilespmem:s28+$0x9840] =	vst v0  }
0xcd: {  	v0 =	vld [tilespmem:s3+$0x50];
	_ =	sdelay $0x2  }
0xce: {  	v2 =	vadd.f32 v3, v2;
	_ =	sdelay $0x1  }
0xcf: {  	[tilespmem:s29+$0x9810] =	vst v2;
	v2 =	vld [tilespmem:s29+$0x820];
	v0 =	vadd.f32 v0, v1  }
0xd0: {  	v1 =	vld [tilespmem:s30+$0x20]  }
0xd1: {  	v3 =	vld [tilespmem:s28+$0x860];
	[tilespmem:s28+$0x9850] =	vst v0  }
0xd2: {  	v0 =	vld [tilespmem:s3+$0x60];
	_ =	sdelay $0x2  }
0xd3: {  	v1 =	vadd.f32 v1, v2;
	_ =	sdelay $0x1  }
0xd4: {  	[tilespmem:s29+$0x9820] =	vst v1;
	v1 =	vld [tilespmem:s29+$0x830];
	v0 =	vadd.f32 v0, v3  }
0xd5: {  	v3 =	vld [tilespmem:s30+$0x30]  }
0xd6: {  	v2 =	vld [tilespmem:s28+$0x870];
	[tilespmem:s28+$0x9860] =	vst v0  }
0xd7: {  	s5 =	simm.s32 $0x100;
	s10 =	simm.s32 $0x0;
	s4 =	simm.s32 $0x200;
	v0 =	vld [tilespmem:s3+$0x70]  }
0xd8: {  	s2 =	sand.u32 $0x380, s5;
	s1 =	sand.u32 $0x3FFFF800, s4;
	s4 =	smul.u32 $0x1800, s10  }
0xd9: {  	s1 =	sor.u32 s2, s1  }
0xda: {  	v4 =	vld [tilespmem:s1+$0x14800];
	s31 =	sor.u32 s2, s4;
	v1 =	vadd.f32 v3, v1  }
0xdb: {  	v3 =	vld [tilespmem:s31+$0x800]  }
0xdc: {  	[tilespmem:s29+$0x9830] =	vst v1;
	v1 =	vld [tilespmem:s29+$0x840];
	v0 =	vadd.f32 v0, v2  }
0xdd: {  	v2 =	vld [tilespmem:s28+$0xC00]  }
0xde: {  	[tilespmem:s28+$0x9870] =	vst v0;
	v0 =	vld [tilespmem:s30+$0x40]  }
0xdf: {  	v5 =	vld [tilespmem:s3+$0x400];
	_ =	sdelay $0x1  }
0xe0: {  	v3 =	vadd.f32 v4, v3  }
0xe1: {  	v4 =	vld [tilespmem:s29+$0x850]  }
0xe2: {  	s4 =	sadd.s32 $0x14800, s1;
	[tilespmem:s31+$0x9800] =	vst v3;
	v3 =	vld [tilespmem:s31+$0x810];
	v0 =	vadd.f32 v0, v1  }
0xe3: {  	v1 =	vld [tilespmem:s4+$0x10];
	v2 =	vadd.f32 v5, v2  }
0xe4: {  	v5 =	vld [tilespmem:s28+$0xC10];
	[tilespmem:s29+$0x9840] =	vst v0  }
0xe5: {  	v0 =	vld [tilespmem:s30+$0x50];
	[tilespmem:s28+$0x9C00] =	vst v2  }
0xe6: {  	v2 =	vld [tilespmem:s3+$0x410];
	_ =	sdelay $0x1  }
0xe7: {  	v1 =	vadd.f32 v1, v3  }
0xe8: {  	v3 =	vld [tilespmem:s29+$0x860]  }
0xe9: {  	[tilespmem:s31+$0x9810] =	vst v1;
	v1 =	vld [tilespmem:s31+$0x820];
	v0 =	vadd.f32 v0, v4  }
0xea: {  	v4 =	vld [tilespmem:s4+$0x20];
	v2 =	vadd.f32 v2, v5  }
0xeb: {  	v5 =	vld [tilespmem:s28+$0xC20];
	[tilespmem:s29+$0x9850] =	vst v0  }
0xec: {  	v0 =	vld [tilespmem:s30+$0x60];
	[tilespmem:s28+$0x9C10] =	vst v2  }
0xed: {  	v2 =	vld [tilespmem:s3+$0x420];
	_ =	sdelay $0x1  }
0xee: {  	v1 =	vadd.f32 v4, v1  }
0xef: {  	v4 =	vld [tilespmem:s28+$0xC30]  }
0xf0: {  	[tilespmem:s31+$0x9820] =	vst v1;
	v1 =	vld [tilespmem:s31+$0x830];
	v0 =	vadd.f32 v0, v3  }
0xf1: {  	v3 =	vld [tilespmem:s29+$0x870];
	v2 =	vadd.f32 v2, v5  }
0xf2: {  	s15 =	simm.s32 $0x0;
	s14 =	simm.s32 $0x180;
	s13 =	simm.s32 $0x300;
	v5 =	vld [tilespmem:s4+$0x30];
	[tilespmem:s29+$0x9860] =	vst v0  }
0xf3: {  	s5 =	smul.u32 $0x1800, s15;
	s2 =	sand.u32 $0x380, s14;
	s1 =	sand.u32 $0x3FFFF800, s13;
	v0 =	vld [tilespmem:s30+$0x70];
	[tilespmem:s28+$0x9C20] =	vst v2  }
0xf4: {  	s13 =	sor.u32 s2, s1;
	v2 =	vld [tilespmem:s3+$0x430]  }
0xf5: {  	s1 =	sor.u32 s2, s5;
	v6 =	vld [tilespmem:s13+$0x14800]  }
0xf6: {  	v7 =	vld [tilespmem:s1+$0x800]  }
0xf7: {  	v1 =	vadd.f32 v5, v1;
	v5 =	vld [tilespmem:s28+$0xC40]  }
0xf8: {  	v0 =	vadd.f32 v0, v3;
	v3 =	vld [tilespmem:s29+$0xC00]  }
0xf9: {  	[tilespmem:s31+$0x9830] =	vst v1;
	v1 =	vld [tilespmem:s31+$0x840];
	v2 =	vadd.f32 v2, v4  }
0xfa: {  	[tilespmem:s29+$0x9870] =	vst v0;
	v0 =	vld [tilespmem:s4+$0x40]  }
0xfb: {  	[tilespmem:s28+$0x9C30] =	vst v2;
	v2 =	vld [tilespmem:s30+$0x400]  }
0xfc: {  	v4 =	vadd.f32 v6, v7;
	v6 =	vld [tilespmem:s3+$0x440]  }
0xfd: {  	v8 =	vld [tilespmem:s28+$0xC50]  }
0xfe: {  	s2 =	sadd.s32 $0x14800, s13;
	[tilespmem:s1+$0x9800] =	vst v4;
	v4 =	vld [tilespmem:s1+$0x810]  }
0xff: {  	v7 =	vld [tilespmem:s2+$0x10];
	v0 =	vadd.f32 v0, v1  }
0x100: {  	v1 =	vld [tilespmem:s31+$0x850];
	v2 =	vadd.f32 v2, v3  }
0x101: {  	v3 =	vld [tilespmem:s29+$0xC10];
	[tilespmem:s31+$0x9840] =	vst v0;
	v0 =	vadd.f32 v6, v5  }
0x102: {  	v5 =	vld [tilespmem:s4+$0x50];
	[tilespmem:s29+$0x9C00] =	vst v2  }
0x103: {  	v2 =	vld [tilespmem:s30+$0x410];
	[tilespmem:s28+$0x9C40] =	vst v0  }
0x104: {  	v0 =	vadd.f32 v7, v4;
	v4 =	vld [tilespmem:s3+$0x450]  }
0x105: {  	v6 =	vld [tilespmem:s28+$0xC60]  }
0x106: {  	v7 =	vld [tilespmem:s31+$0x860]  }
0x107: {  	[tilespmem:s1+$0x9810] =	vst v0;
	v0 =	vld [tilespmem:s1+$0x820];
	v1 =	vadd.f32 v5, v1  }
0x108: {  	v5 =	vld [tilespmem:s2+$0x20];
	v2 =	vadd.f32 v2, v3  }
0x109: {  	v3 =	vld [tilespmem:s29+$0xC20];
	[tilespmem:s31+$0x9850] =	vst v1;
	v1 =	vadd.f32 v4, v8  }
0x10a: {  	v4 =	vld [tilespmem:s4+$0x60];
	[tilespmem:s29+$0x9C10] =	vst v2  }
0x10b: {  	v2 =	vld [tilespmem:s30+$0x420];
	[tilespmem:s28+$0x9C50] =	vst v1  }
0x10c: {  	v1 =	vld [tilespmem:s3+$0x460]  }
0x10d: {  	v62 =	vld [tilespmem:s29+$0xC30]  }
0x10e: {  	v8 =	vld [tilespmem:s31+$0x870];
	v5 =	vadd.f32 v5, v0  }
0x10f: {  	v0 =	vld [tilespmem:s28+$0xC70];
	v4 =	vadd.f32 v4, v7  }
0x110: {  	[tilespmem:s1+$0x9820] =	vst v5;
	v5 =	vld [tilespmem:s1+$0x830];
	v2 =	vadd.f32 v2, v3  }
0x111: {  	v3 =	vld [tilespmem:s2+$0x30];
	[tilespmem:s31+$0x9860] =	vst v4;
	v1 =	vadd.f32 v1, v6  }
0x112: {  	s10 =	simm.s32 $0x400;
	s5 =	simm.s32 $0x200;
	v7 =	vld [tilespmem:s4+$0x70];
	[tilespmem:s29+$0x9C20] =	vst v2  }
0x113: {  	s15 =	sand.u32 $0x380, s5;
	s13 =	sand.u32 $0x3FFFF800, s10;
	v63 =	vld [tilespmem:s30+$0x430];
	[tilespmem:s28+$0x9C60] =	vst v1  }
0x114: {  	s14 =	sor.u32 s15, s13;
	v1 =	vld [tilespmem:s3+$0x470]  }
0x115: {  	s13 =	simm.s32 $0x0;
	v6 =	vld [tilespmem:s14+$0x14800]  }
0x116: {  	v4 =	vld [tilespmem:s31+$0xC00];
	s3 =	smul.u32 $0x1800, s13;
	v3 =	vadd.f32 v3, v5  }
0x117: {  	v2 =	vld [tilespmem:s29+$0xC40];
	v5 =	vadd.f32 v7, v8  }
0x118: {  	s13 =	simm.s32 $0x5;
	s3 =	sor.u32 s15, s3;
	[tilespmem:s1+$0x9830] =	vst v3;
	v7 =	vld [tilespmem:s1+$0x840];
	v3 =	vadd.f32 v63, v62  }
.LBB2_5:
0x119: {  	p1 =	sne.s32 s13, $0x17;
	v8 =	vld [tilespmem:s3+$0x800];
	[tilespmem:s31+$0x9870] =	vst v5;
	v0 =	vadd.f32 v1, v0  }
0x11a: {  	v1 =	vld [tilespmem:s2+$0x40];
	[tilespmem:s29+$0x9C30] =	vst v3  }
0x11b: {  	v3 =	vld [tilespmem:s4+$0x400];
	[tilespmem:s28+$0x9C70] =	vst v0;
	s28 =	smov.u32 s29;
	s29 =	smov.u32 s31;
	s31 =	smov.u32 s1  }
0x11c: {  	s1 =	smov.u32 s3;
	v0 =	vld [tilespmem:s30+$0x440]  }
0x11d: {  	v5 =	vld [tilespmem:s28+$0xC50]  }
0x11e: {  	v6 =	vadd.f32 v6, v8;
	v8 =	vld [tilespmem:s29+$0xC10]  }
0x11f: {  	v1 =	vadd.f32 v1, v7;
	v7 =	vld [tilespmem:s31+$0x850]  }
0x120: {  	s3 =	sadd.s32 $0x14800, s14;
	[tilespmem:s1+$0x9800] =	vst v6;
	v6 =	vld [tilespmem:s1+$0x810];
	v3 =	vadd.f32 v3, v4  }
0x121: {  	v4 =	vld [tilespmem:s3+$0x10];
	[tilespmem:s31+$0x9840] =	vst v1;
	v0 =	vadd.f32 v0, v2  }
0x122: {  	v1 =	vld [tilespmem:s2+$0x50];
	[tilespmem:s29+$0x9C00] =	vst v3  }
0x123: {  	v2 =	vld [tilespmem:s4+$0x410];
	[tilespmem:s28+$0x9C40] =	vst v0  }
0x124: {  	v0 =	vld [tilespmem:s30+$0x450]  }
0x125: {  	v3 =	vld [tilespmem:s28+$0xC60]  }
0x126: {  	v4 =	vadd.f32 v4, v6;
	v6 =	vld [tilespmem:s29+$0xC20]  }
0x127: {  	v1 =	vadd.f32 v1, v7;
	v7 =	vld [tilespmem:s31+$0x860]  }
0x128: {  	[tilespmem:s1+$0x9810] =	vst v4;
	v4 =	vld [tilespmem:s1+$0x820];
	v2 =	vadd.f32 v2, v8  }
0x129: {  	v8 =	vld [tilespmem:s3+$0x20];
	[tilespmem:s31+$0x9850] =	vst v1;
	v0 =	vadd.f32 v0, v5  }
0x12a: {  	v1 =	vld [tilespmem:s2+$0x60];
	[tilespmem:s29+$0x9C10] =	vst v2  }
0x12b: {  	v2 =	vld [tilespmem:s4+$0x420];
	[tilespmem:s28+$0x9C50] =	vst v0  }
0x12c: {  	v5 =	vld [tilespmem:s30+$0x460]  }
0x12d: {  	v0 =	vld [tilespmem:s28+$0xC70]  }
0x12e: {  	v4 =	vadd.f32 v8, v4;
	v8 =	vld [tilespmem:s29+$0xC30]  }
0x12f: {  	v1 =	vadd.f32 v1, v7;
	v7 =	vld [tilespmem:s31+$0x870]  }
0x130: {  	[tilespmem:s1+$0x9820] =	vst v4;
	v4 =	vld [tilespmem:s1+$0x830];
	v2 =	vadd.f32 v2, v6  }
0x131: {  	v9 =	vld [tilespmem:s3+$0x30];
	[tilespmem:s31+$0x9860] =	vst v1;
	v1 =	vadd.f32 v5, v3  }
0x132: {  	s5 =	sadd.s32 $0x80, s5;
	s14 =	sshll.u32 s13, $0x8;
	v3 =	vld [tilespmem:s2+$0x70];
	[tilespmem:s29+$0x9C20] =	vst v2  }
0x133: {  	s15 =	sand.u32 $0x380, s5;
	s14 =	sand.u32 $0x3FFFF800, s14;
	v10 =	vld [tilespmem:s4+$0x430];
	[tilespmem:s28+$0x9C60] =	vst v1  }
.Ltmp3:
0x134: {  	s14 =	sor.u32 s15, s14;
	v1 =	vld [tilespmem:s30+$0x470];
	s30 =	smov.u32 s4;
	(pc) =	sbr.rel @p1 .LBB2_5-.Ltmp3, $4  }
0x135: {  	s10 =	sshrl.u32 s13, $0x3;
	s4 =	smov.u32 s2;
	s2 =	smov.u32 s3;
	v6 =	vld [tilespmem:s14+$0x14800]  }
0x136: {  	s3 =	smul.u32 $0x1800, s10;
	v9 =	vadd.f32 v9, v4;
	v2 =	vld [tilespmem:s29+$0xC40]  }
0x137: {  	v5 =	vadd.f32 v3, v7;
	v4 =	vld [tilespmem:s31+$0xC00]  }
0x138: {  	s13 =	sadd.s32 $0x1, s13;
	s3 =	sor.u32 s15, s3;
	[tilespmem:s1+$0x9830] =	vst v9;
	v7 =	vld [tilespmem:s1+$0x840];
	v3 =	vadd.f32 v10, v8  }
0x139: {  	v8 =	vld [tilespmem:s3+$0x800];
	_ =	sdelay $0x4  }
0x13a: {  	v6 =	vadd.f32 v6, v8;
	_ =	sdelay $0x1  }
0x13b: {  	s5 =	sadd.s32 $0x14800, s14;
	[tilespmem:s3+$0x9800] =	vst v6;
	v6 =	vld [tilespmem:s3+$0x810]  }
0x13c: {  	v8 =	vld [tilespmem:s5+$0x10];
	_ =	sdelay $0x4  }
0x13d: {  	v6 =	vadd.f32 v8, v6;
	_ =	sdelay $0x1  }
0x13e: {  	[tilespmem:s3+$0x9810] =	vst v6;
	v6 =	vld [tilespmem:s3+$0x820]  }
0x13f: {  	v8 =	vld [tilespmem:s5+$0x20];
	_ =	sdelay $0x4  }
0x140: {  	v6 =	vadd.f32 v8, v6;
	_ =	sdelay $0x1  }
0x141: {  	[tilespmem:s3+$0x9820] =	vst v6;
	v6 =	vld [tilespmem:s3+$0x830]  }
0x142: {  	v8 =	vld [tilespmem:s5+$0x30];
	_ =	sdelay $0x4  }
0x143: {  	v6 =	vadd.f32 v8, v6  }
0x144: {  	v8 =	vld [tilespmem:s2+$0x40]  }
0x145: {  	[tilespmem:s3+$0x9830] =	vst v6;
	v6 =	vld [tilespmem:s3+$0x840]  }
0x146: {  	v9 =	vld [tilespmem:s5+$0x40];
	_ =	sdelay $0x2  }
0x147: {  	v7 =	vadd.f32 v8, v7;
	_ =	sdelay $0x1  }
0x148: {  	v8 =	vld [tilespmem:s1+$0x850];
	[tilespmem:s1+$0x9840] =	vst v7;
	v6 =	vadd.f32 v9, v6  }
0x149: {  	v9 =	vld [tilespmem:s2+$0x50]  }
0x14a: {  	v7 =	vld [tilespmem:s3+$0x850];
	[tilespmem:s3+$0x9840] =	vst v6  }
0x14b: {  	v6 =	vld [tilespmem:s5+$0x50];
	_ =	sdelay $0x2  }
0x14c: {  	v8 =	vadd.f32 v9, v8;
	_ =	sdelay $0x1  }
0x14d: {  	v9 =	vld [tilespmem:s1+$0x860];
	[tilespmem:s1+$0x9850] =	vst v8;
	v6 =	vadd.f32 v6, v7  }
0x14e: {  	v8 =	vld [tilespmem:s2+$0x60]  }
0x14f: {  	v7 =	vld [tilespmem:s3+$0x860];
	[tilespmem:s3+$0x9850] =	vst v6  }
0x150: {  	v6 =	vld [tilespmem:s5+$0x60];
	_ =	sdelay $0x2  }
0x151: {  	v8 =	vadd.f32 v8, v9;
	_ =	sdelay $0x1  }
0x152: {  	v9 =	vld [tilespmem:s1+$0x870];
	[tilespmem:s1+$0x9860] =	vst v8;
	v6 =	vadd.f32 v6, v7  }
0x153: {  	v8 =	vld [tilespmem:s2+$0x70]  }
0x154: {  	v7 =	vld [tilespmem:s3+$0x870];
	[tilespmem:s3+$0x9860] =	vst v6  }
0x155: {  	v6 =	vld [tilespmem:s5+$0x70]  }
0x156: {  	[tilespmem:s31+$0x9870] =	vst v5  }
0x157: {  	v5 =	vld [tilespmem:s4+$0x400]  }
0x158: {  	v8 =	vadd.f32 v8, v9;
	_ =	sdelay $0x1  }
0x159: {  	v9 =	vld [tilespmem:s1+$0xC00];
	[tilespmem:s1+$0x9870] =	vst v8;
	v6 =	vadd.f32 v6, v7  }
0x15a: {  	v8 =	vld [tilespmem:s2+$0x400]  }
0x15b: {  	v4 =	vadd.f32 v5, v4;
	v7 =	vld [tilespmem:s3+$0xC00];
	[tilespmem:s3+$0x9870] =	vst v6  }
0x15c: {  	v6 =	vld [tilespmem:s5+$0x400]  }
0x15d: {  	v5 =	vld [tilespmem:s31+$0xC10];
	[tilespmem:s31+$0x9C00] =	vst v4  }
0x15e: {  	v4 =	vld [tilespmem:s4+$0x410]  }
0x15f: {  	v8 =	vadd.f32 v8, v9;
	_ =	sdelay $0x1  }
0x160: {  	v9 =	vld [tilespmem:s1+$0xC10];
	[tilespmem:s1+$0x9C00] =	vst v8;
	v6 =	vadd.f32 v6, v7  }
0x161: {  	v8 =	vld [tilespmem:s2+$0x410]  }
0x162: {  	v4 =	vadd.f32 v4, v5;
	v7 =	vld [tilespmem:s3+$0xC10];
	[tilespmem:s3+$0x9C00] =	vst v6  }
0x163: {  	v6 =	vld [tilespmem:s5+$0x410]  }
0x164: {  	v5 =	vld [tilespmem:s31+$0xC20];
	[tilespmem:s31+$0x9C10] =	vst v4  }
0x165: {  	v4 =	vld [tilespmem:s4+$0x420]  }
0x166: {  	v8 =	vadd.f32 v8, v9;
	_ =	sdelay $0x1  }
0x167: {  	v9 =	vld [tilespmem:s1+$0xC20];
	[tilespmem:s1+$0x9C10] =	vst v8;
	v6 =	vadd.f32 v6, v7  }
0x168: {  	v8 =	vld [tilespmem:s2+$0x420]  }
0x169: {  	v4 =	vadd.f32 v4, v5;
	v7 =	vld [tilespmem:s3+$0xC20];
	[tilespmem:s3+$0x9C10] =	vst v6  }
0x16a: {  	v6 =	vld [tilespmem:s5+$0x420]  }
0x16b: {  	v5 =	vld [tilespmem:s31+$0xC30];
	[tilespmem:s31+$0x9C20] =	vst v4  }
0x16c: {  	v4 =	vld [tilespmem:s4+$0x430]  }
0x16d: {  	v8 =	vadd.f32 v8, v9  }
0x16e: {  	[tilespmem:s29+$0x9C30] =	vst v3;
	v3 =	vld [tilespmem:s31+$0xC40]  }
0x16f: {  	v9 =	vld [tilespmem:s1+$0xC30];
	[tilespmem:s1+$0x9C20] =	vst v8;
	v6 =	vadd.f32 v6, v7  }
0x170: {  	v8 =	vld [tilespmem:s2+$0x430]  }
0x171: {  	v4 =	vadd.f32 v4, v5;
	v7 =	vld [tilespmem:s3+$0xC30];
	[tilespmem:s3+$0x9C20] =	vst v6  }
0x172: {  	v6 =	vld [tilespmem:s5+$0x430]  }
0x173: {  	v5 =	vld [tilespmem:s30+$0x440];
	[tilespmem:s31+$0x9C30] =	vst v4  }
0x174: {  	v4 =	vld [tilespmem:s4+$0x440]  }
0x175: {  	v8 =	vadd.f32 v8, v9;
	_ =	sdelay $0x1  }
0x176: {  	v9 =	vld [tilespmem:s1+$0xC40];
	[tilespmem:s1+$0x9C30] =	vst v8;
	v6 =	vadd.f32 v6, v7  }
0x177: {  	v2 =	vadd.f32 v5, v2;
	v8 =	vld [tilespmem:s2+$0x440]  }
0x178: {  	v3 =	vadd.f32 v4, v3;
	v7 =	vld [tilespmem:s3+$0xC40];
	[tilespmem:s3+$0x9C30] =	vst v6  }
0x179: {  	[tilespmem:s29+$0x9C40] =	vst v2;
	v5 =	vld [tilespmem:s5+$0x440]  }
0x17a: {  	v2 =	vld [tilespmem:s31+$0xC50];
	[tilespmem:s31+$0x9C40] =	vst v3  }
0x17b: {  	v3 =	vld [tilespmem:s4+$0x450]  }
0x17c: {  	v4 =	vld [tilespmem:s30+$0x450];
	v8 =	vadd.f32 v8, v9  }
0x17d: {  	v6 =	vld [tilespmem:s29+$0xC50]  }
0x17e: {  	v9 =	vld [tilespmem:s1+$0xC50];
	[tilespmem:s1+$0x9C40] =	vst v8;
	v5 =	vadd.f32 v5, v7  }
0x17f: {  	v8 =	vld [tilespmem:s2+$0x450]  }
0x180: {  	v2 =	vadd.f32 v3, v2;
	v7 =	vld [tilespmem:s3+$0xC50];
	[tilespmem:s3+$0x9C40] =	vst v5  }
0x181: {  	v5 =	vld [tilespmem:s5+$0x450]  }
0x182: {  	v3 =	vld [tilespmem:s31+$0xC60];
	[tilespmem:s31+$0x9C50] =	vst v2;
	v4 =	vadd.f32 v4, v6  }
0x183: {  	v2 =	vld [tilespmem:s4+$0x460]  }
0x184: {  	v6 =	vld [tilespmem:s29+$0xC60];
	[tilespmem:s29+$0x9C50] =	vst v4;
	v8 =	vadd.f32 v8, v9  }
0x185: {  	v4 =	vld [tilespmem:s30+$0x460]  }
0x186: {  	v9 =	vld [tilespmem:s1+$0xC60];
	[tilespmem:s1+$0x9C50] =	vst v8;
	v5 =	vadd.f32 v5, v7  }
0x187: {  	v8 =	vld [tilespmem:s2+$0x460]  }
0x188: {  	v2 =	vadd.f32 v2, v3;
	v7 =	vld [tilespmem:s3+$0xC60];
	[tilespmem:s3+$0x9C50] =	vst v5  }
0x189: {  	v5 =	vld [tilespmem:s5+$0x460]  }
0x18a: {  	v3 =	vld [tilespmem:s31+$0xC70];
	[tilespmem:s31+$0x9C60] =	vst v2;
	v4 =	vadd.f32 v4, v6  }
0x18b: {  	v2 =	vld [tilespmem:s4+$0x470]  }
0x18c: {  	v6 =	vld [tilespmem:s29+$0xC70];
	[tilespmem:s29+$0x9C60] =	vst v4;
	v8 =	vadd.f32 v8, v9  }
0x18d: {  	v4 =	vld [tilespmem:s30+$0x470]  }
0x18e: {  	v9 =	vld [tilespmem:s1+$0xC70];
	[tilespmem:s1+$0x9C60] =	vst v8;
	v5 =	vadd.f32 v5, v7  }
0x18f: {  	v8 =	vld [tilespmem:s2+$0x470]  }
0x190: {  	v7 =	vld [tilespmem:s3+$0xC70];
	[tilespmem:s3+$0x9C60] =	vst v5  }
0x191: {  	v0 =	vadd.f32 v1, v0;
	v5 =	vld [tilespmem:s5+$0x470]  }
0x192: {  	v1 =	vadd.f32 v4, v6  }
0x193: {  	p1 =	seq.s32 s24, $0x2F;
	[tilespmem:s28+$0x9C70] =	vst v0;
	v0 =	vadd.f32 v2, v3  }
0x194: {  	s13 =	sadd.s32 s25, s9;
	s2 =	smul.u32 @!p1 $0x4800, s26;
	[tilespmem:s29+$0x9C70] =	vst v1;
	v1 =	vadd.f32 v8, v9  }
0x195: {  	s25 =	sadd.s32 $0x1, s13;
	[tilespmem:s31+$0x9C70] =	vst v0;
	s5 =	smul.u32 $0x900, s26  }
0x196: {  	[tilespmem:s1+$0x9C70] =	vst v1;
	s1 =	smulhi.u32 $0xAAAAAAAB, s25;
	v0 =	vadd.f32 v5, v7  }
0x197: {  	s2 =	sshrl.u32 @!p1 s2, $0x3  }
0x198: {  	s2 =	sadd.s32 @!p1 s0, s2;
	s10 =	sadd.s32 s6, s5;
	s1 =	sshrl.u32 s1, $0x8;
	[tilespmem:s3+$0x9C70] =	vst v0  }
0x199: {  	[hbm4b:s10+s7] =	stream.linear.scatter [tilespmem:s18], [sflag:$0x3], $0x4800, $0x38;
	[tilespmem:$0x16000] =	vst v63  }
0x19a: {  	s2 =	sadd.s32 @!p1 $0x1200, s2;
	s3 =	simm.s32 @!p1 $0x0;
	s1 =	smul.u32 $0x180, s1  }
0x19b: {  	[tilespmem:s3], [sflag:$0x1] =	stream.linear.gather @!p1 [hbm4b:s2+s3], $0x4800, $0x38;
	[tilespmem:$0x16000] =	vst v63  }
0x19c: {  	s1 =	ssub.s32 s25, s1;
	_ =	swait.ge [sflag:s19], $0x4800  }
0x19d: {  	s14 =	smul.u32 $0xAAB, s1;
	[sflag:s19] =	ssyncset.done $0x0  }
0x19e: {  	s3 =	simm.s32 @!p0 $0x4;
	[sflag:s19] =	ssyncadd.s32 $0xFFFFB800  }
0x19f: {  	s15 =	sshrl.u32 s14, $0x8;
	s26 =	sshrl.u32 s14, $0x9;
	_ =	swait.ge @!p0 [sflag:s3], $0x4800  }
0x1a0: {  	s4 =	sand.u32 $0x1800, s15;
	s5 =	sand.u32 $0x380, s26;
	[sflag:s3] =	ssyncset.done @!p0 $0x0  }
0x1a1: {  	s28 =	sor.u32 s5, s4;
	[sflag:s3] =	ssyncadd.s32 @!p0 $0xFFFFB800  }
0x1a2: {  	v30 =	vld [tilespmem:s28+$0x12000]  }
0x1a3: {  	v29 =	vld [tilespmem:s28+$0x12010]  }
0x1a4: {  	v28 =	vld [tilespmem:s28+$0x12020]  }
0x1a5: {  	v27 =	vld [tilespmem:s28+$0x12030]  }
0x1a6: {  	v26 =	vld [tilespmem:s28+$0x12040]  }
0x1a7: {  	v25 =	vld [tilespmem:s28+$0x12050]  }
0x1a8: {  	v24 =	vld [tilespmem:s28+$0x12060]  }
0x1a9: {  	v23 =	vld [tilespmem:s28+$0x12070]  }
0x1aa: {  	v22 =	vld [tilespmem:s28+$0x12400]  }
0x1ab: {  	s2 =	sshrl.u32 s14, $0x10;
	v21 =	vld [tilespmem:s28+$0x12410]  }
0x1ac: {  	s2 =	smul.u32 $0x18, s2;
	v20 =	vld [tilespmem:s28+$0x12420]  }
0x1ad: {  	v19 =	vld [tilespmem:s28+$0x12430]  }
0x1ae: {  	s1 =	ssub.s32 s1, s2;
	v18 =	vld [tilespmem:s28+$0x12440]  }
0x1af: {  	s2 =	sshll.u32 s1, $0x8;
	s1 =	sshll.u32 s1, $0x7;
	v14 =	vld [tilespmem:s28+$0x12450]  }
0x1b0: {  	v15 =	vld [tilespmem:s28+$0x12460];
	s2 =	sand.u32 $0x1800, s2;
	s1 =	sand.u32 $0x380, s1  }
0x1b1: {  	v16 =	vld [tilespmem:s28+$0x12470];
	s1 =	sor.u32 s1, s2  }
0x1b2: {  	s29 =	sadd.s32 $0x13000, s1;
	v17 =	vld [tilespmem:s1+$0x13000]  }
0x1b3: {  	v13 =	vld [tilespmem:s29+$0x10]  }
0x1b4: {  	v12 =	vld [tilespmem:s29+$0x20]  }
0x1b5: {  	v11 =	vld [tilespmem:s29+$0x30]  }
0x1b6: {  	v10 =	vld [tilespmem:s29+$0x40]  }
0x1b7: {  	v9 =	vld [tilespmem:s29+$0x50]  }
0x1b8: {  	v8 =	vld [tilespmem:s29+$0x60]  }
0x1b9: {  	v7 =	vld [tilespmem:s29+$0x70]  }
0x1ba: {  	v6 =	vld [tilespmem:s29+$0x400]  }
0x1bb: {  	v5 =	vld [tilespmem:s29+$0x410]  }
0x1bc: {  	v4 =	vld [tilespmem:s29+$0x420]  }
0x1bd: {  	v2 =	vld [tilespmem:s29+$0x430]  }
0x1be: {  	s30 =	simm.s32 $0x0;
	v0 =	vld [tilespmem:s29+$0x440]  }
0x1bf: {  	s31 =	smul.u32 $0x1800, s30;
	s2 =	simm.s32 $0x0;
	v1 =	vld [tilespmem:s29+$0x450]  }
0x1c0: {  	s1 =	sand.u32 $0x380, s2;
	v3 =	vld [tilespmem:s29+$0x460]  }
0x1c1: {  	v31 =	vld [tilespmem:s29+$0x470];
	s26 =	sor.u32 s1, s31  }
0x1c2: {  	v32 =	vld [tilespmem:s26+$0x5C70]  }
0x1c3: {  	v33 =	vld [tilespmem:s26+$0x4800]  }
0x1c4: {  	v34 =	vld [tilespmem:s26+$0x4810]  }
0x1c5: {  	v35 =	vld [tilespmem:s26+$0x4820]  }
0x1c6: {  	v36 =	vld [tilespmem:s26+$0x4830]  }
0x1c7: {  	v37 =	vld [tilespmem:s26+$0x4840];
	v32 =	vadd.f32 v32, v31  }
0x1c8: {  	v38 =	vld [tilespmem:s26+$0x4850];
	v33 =	vadd.f32 v33, v30  }
0x1c9: {  	v39 =	vld [tilespmem:s26+$0x4860];
	v62 =	vadd.f32 v34, v29;
	[tilespmem:s26+$0xEC70] =	vst v32  }
0x1ca: {  	v43 =	vld [tilespmem:s26+$0x4C10];
	v40 =	vadd.f32 v35, v28;
	[tilespmem:s26+$0xD800] =	vst v33  }
0x1cb: {  	v45 =	vld [tilespmem:s26+$0x4C20];
	v42 =	vadd.f32 v36, v27;
	[tilespmem:s26+$0xD810] =	vst v62  }
0x1cc: {  	v47 =	vld [tilespmem:s26+$0x4C30];
	v44 =	vadd.f32 v37, v26;
	[tilespmem:s26+$0xD820] =	vst v40  }
0x1cd: {  	v49 =	vld [tilespmem:s26+$0x4C40];
	v46 =	vadd.f32 v38, v25;
	[tilespmem:s26+$0xD830] =	vst v42  }
0x1ce: {  	v50 =	vld [tilespmem:s26+$0x4C50];
	v48 =	vadd.f32 v39, v24;
	[tilespmem:s26+$0xD840] =	vst v44  }
0x1cf: {  	v53 =	vld [tilespmem:s26+$0x5800];
	v34 =	vadd.f32 v43, v21;
	[tilespmem:s26+$0xD850] =	vst v46  }
0x1d0: {  	v54 =	vld [tilespmem:s26+$0x5810];
	v35 =	vadd.f32 v45, v20;
	[tilespmem:s26+$0xD860] =	vst v48  }
0x1d1: {  	v55 =	vld [tilespmem:s26+$0x5820];
	v36 =	vadd.f32 v47, v19;
	[tilespmem:s26+$0xDC10] =	vst v34  }
0x1d2: {  	v63 =	vld [tilespmem:s26+$0x4870];
	v37 =	vadd.f32 v49, v18;
	[tilespmem:s26+$0xDC20] =	vst v35  }
0x1d3: {  	v41 =	vld [tilespmem:s26+$0x4C00];
	v56 =	vadd.f32 v50, v14;
	[tilespmem:s26+$0xDC30] =	vst v36  }
0x1d4: {  	v57 =	vld [tilespmem:s26+$0x5830];
	v59 =	vadd.f32 v53, v17;
	[tilespmem:s26+$0xDC40] =	vst v37  }
0x1d5: {  	v51 =	vld [tilespmem:s26+$0x4C60];
	v60 =	vadd.f32 v54, v13;
	[tilespmem:s26+$0xDC50] =	vst v56  }
0x1d6: {  	v52 =	vld [tilespmem:s26+$0x4C70];
	v61 =	vadd.f32 v55, v12;
	[tilespmem:s26+$0xE800] =	vst v59  }
0x1d7: {  	v58 =	vld [tilespmem:s26+$0x5840];
	v33 =	vadd.f32 v63, v23;
	[tilespmem:s26+$0xE810] =	vst v60  }
0x1d8: {  	v32 =	vadd.f32 v41, v22;
	v40 =	vld [tilespmem:s26+$0x5850];
	[tilespmem:s26+$0xE820] =	vst v61  }
0x1d9: {  	v41 =	vld [tilespmem:s26+$0x5860];
	v62 =	vadd.f32 v57, v11;
	[tilespmem:s26+$0xD870] =	vst v33  }
0x1da: {  	v36 =	vld [tilespmem:s26+$0x5870];
	[tilespmem:s26+$0xDC00] =	vst v32;
	v33 =	vadd.f32 v51, v15  }
0x1db: {  	v34 =	vld [tilespmem:s26+$0x5C00];
	v32 =	vadd.f32 v52, v16;
	[tilespmem:s26+$0xE830] =	vst v62  }
0x1dc: {  	v63 =	vadd.f32 v58, v10;
	[tilespmem:s26+$0xDC60] =	vst v33;
	v33 =	vld [tilespmem:s26+$0x5C10]  }
0x1dd: {  	[tilespmem:s26+$0xDC70] =	vst v32;
	v32 =	vld [tilespmem:s26+$0x5C20];
	v37 =	vadd.f32 v40, v9  }
0x1de: {  	s5 =	simm.s32 $0x0;
	s4 =	simm.s32 $0x2;
	s3 =	smov.u32 s26;
	v35 =	vld [tilespmem:s26+$0x5C30];
	[tilespmem:s26+$0xE840] =	vst v63;
	v38 =	vadd.f32 v41, v8  }
.LBB2_7:
0x1df: {  	p0 =	sne.s32 s4, $0x17;
	s5 =	smul.u32 $0x1800, s5;
	[tilespmem:s3+$0xE850] =	vst v37;
	v36 =	vadd.f32 v36, v7;
	v37 =	vld [tilespmem:s3+$0x5C40];
	s2 =	sadd.s32 $0x80, s2  }
0x1e0: {  	s10 =	sand.u32 $0x380, s2;
	[tilespmem:s3+$0xE860] =	vst v38;
	v34 =	vadd.f32 v34, v6;
	v38 =	vld [tilespmem:s3+$0x5C50]  }
0x1e1: {  	s5 =	sor.u32 s10, s5;
	[tilespmem:s3+$0xE870] =	vst v36;
	v33 =	vadd.f32 v33, v5;
	v36 =	vld [tilespmem:s3+$0x5C60]  }
0x1e2: {  	v39 =	vld [tilespmem:s5+$0x5C70];
	[tilespmem:s3+$0xEC00] =	vst v34;
	v32 =	vadd.f32 v32, v4  }
0x1e3: {  	v34 =	vld [tilespmem:s5+$0x4800];
	[tilespmem:s3+$0xEC10] =	vst v33;
	v33 =	vadd.f32 v35, v2  }
0x1e4: {  	v35 =	vld [tilespmem:s5+$0x4810];
	[tilespmem:s3+$0xEC20] =	vst v32;
	v32 =	vadd.f32 v37, v0  }
0x1e5: {  	v37 =	vld [tilespmem:s5+$0x4820];
	[tilespmem:s3+$0xEC30] =	vst v33;
	v33 =	vadd.f32 v38, v1  }
0x1e6: {  	v38 =	vld [tilespmem:s5+$0x4830];
	[tilespmem:s3+$0xEC40] =	vst v32;
	v32 =	vadd.f32 v36, v3  }
0x1e7: {  	v36 =	vld [tilespmem:s5+$0x4840];
	v39 =	vadd.f32 v39, v31;
	[tilespmem:s3+$0xEC50] =	vst v33  }
0x1e8: {  	v33 =	vadd.f32 v34, v30;
	v34 =	vld [tilespmem:s5+$0x4850];
	[tilespmem:s3+$0xEC60] =	vst v32;
	s3 =	smov.u32 s5  }
0x1e9: {  	v32 =	vadd.f32 v35, v29;
	v35 =	vld [tilespmem:s3+$0x4860];
	[tilespmem:s3+$0xEC70] =	vst v39  }
0x1ea: {  	[tilespmem:s3+$0xD800] =	vst v33;
	v33 =	vadd.f32 v37, v28;
	v37 =	vld [tilespmem:s3+$0x4870]  }
0x1eb: {  	[tilespmem:s3+$0xD810] =	vst v32;
	v32 =	vadd.f32 v38, v27;
	v38 =	vld [tilespmem:s3+$0x4C00]  }
0x1ec: {  	[tilespmem:s3+$0xD820] =	vst v33;
	v33 =	vadd.f32 v36, v26;
	v36 =	vld [tilespmem:s3+$0x4C10]  }
0x1ed: {  	[tilespmem:s3+$0xD830] =	vst v32;
	v32 =	vadd.f32 v34, v25;
	v34 =	vld [tilespmem:s3+$0x4C20]  }
0x1ee: {  	[tilespmem:s3+$0xD840] =	vst v33;
	v33 =	vadd.f32 v35, v24;
	v35 =	vld [tilespmem:s3+$0x4C30]  }
0x1ef: {  	[tilespmem:s3+$0xD850] =	vst v32;
	v32 =	vadd.f32 v37, v23;
	v37 =	vld [tilespmem:s3+$0x4C40]  }
0x1f0: {  	[tilespmem:s3+$0xD860] =	vst v33;
	v33 =	vadd.f32 v38, v22;
	v38 =	vld [tilespmem:s3+$0x4C50]  }
0x1f1: {  	[tilespmem:s3+$0xD870] =	vst v32;
	v32 =	vadd.f32 v36, v21;
	v36 =	vld [tilespmem:s3+$0x4C60]  }
0x1f2: {  	[tilespmem:s3+$0xDC00] =	vst v33;
	v33 =	vadd.f32 v34, v20;
	v34 =	vld [tilespmem:s3+$0x4C70]  }
0x1f3: {  	[tilespmem:s3+$0xDC10] =	vst v32;
	v32 =	vadd.f32 v35, v19;
	v35 =	vld [tilespmem:s3+$0x5800]  }
0x1f4: {  	[tilespmem:s3+$0xDC20] =	vst v33;
	v33 =	vadd.f32 v37, v18;
	v37 =	vld [tilespmem:s3+$0x5810]  }
0x1f5: {  	[tilespmem:s3+$0xDC30] =	vst v32;
	v32 =	vadd.f32 v38, v14;
	v38 =	vld [tilespmem:s3+$0x5820]  }
0x1f6: {  	[tilespmem:s3+$0xDC40] =	vst v33;
	v33 =	vadd.f32 v36, v15;
	v39 =	vld [tilespmem:s3+$0x5830]  }
0x1f7: {  	[tilespmem:s3+$0xDC50] =	vst v32;
	v32 =	vadd.f32 v34, v16;
	v40 =	vld [tilespmem:s3+$0x5840]  }
0x1f8: {  	[tilespmem:s3+$0xDC60] =	vst v33;
	v33 =	vadd.f32 v35, v17;
	v35 =	vld [tilespmem:s3+$0x5850]  }
0x1f9: {  	[tilespmem:s3+$0xDC70] =	vst v32;
	v32 =	vadd.f32 v37, v13;
	v41 =	vld [tilespmem:s3+$0x5860]  }
.Ltmp4:
0x1fa: {  	[tilespmem:s3+$0xE800] =	vst v33;
	v33 =	vadd.f32 v38, v12;
	v36 =	vld [tilespmem:s3+$0x5870];
	(pc) =	sbr.rel @p0 .LBB2_7-.Ltmp4, $4  }
0x1fb: {  	[tilespmem:s3+$0xE810] =	vst v32;
	v32 =	vadd.f32 v39, v11;
	v34 =	vld [tilespmem:s3+$0x5C00]  }
0x1fc: {  	[tilespmem:s3+$0xE820] =	vst v33;
	v38 =	vadd.f32 v40, v10;
	v33 =	vld [tilespmem:s3+$0x5C10]  }
0x1fd: {  	[tilespmem:s3+$0xE830] =	vst v32;
	v37 =	vadd.f32 v35, v9;
	v32 =	vld [tilespmem:s3+$0x5C20]  }
0x1fe: {  	s5 =	sshrl.u32 s4, $0x3;
	s4 =	sadd.s32 $0x1, s4;
	[tilespmem:s3+$0xE840] =	vst v38;
	v38 =	vadd.f32 v41, v8;
	v35 =	vld [tilespmem:s3+$0x5C30]  }
0x1ff: {  	[tilespmem:s3+$0xE850] =	vst v37;
	v50 =	vld [tilespmem:s3+$0x5C40];
	v36 =	vadd.f32 v36, v7;
	s4 =	smul.u32 $0x1800, s5;
	s2 =	sadd.s32 $0x80, s2  }
0x200: {  	v51 =	vld [tilespmem:s3+$0x5C50];
	[tilespmem:s3+$0xE860] =	vst v38;
	s2 =	sand.u32 $0x380, s2;
	v34 =	vadd.f32 v34, v6  }
0x201: {  	v52 =	vld [tilespmem:s3+$0x5C60];
	[tilespmem:s3+$0xE870] =	vst v36;
	s2 =	sor.u32 s2, s4;
	v33 =	vadd.f32 v33, v5  }
0x202: {  	v39 =	vld [tilespmem:s2+$0x5C70];
	[tilespmem:s3+$0xEC00] =	vst v34;
	v32 =	vadd.f32 v32, v4  }
0x203: {  	v53 =	vld [tilespmem:s2+$0x4800];
	[tilespmem:s3+$0xEC10] =	vst v33;
	v54 =	vadd.f32 v35, v2  }
0x204: {  	v55 =	vld [tilespmem:s2+$0x4810];
	[tilespmem:s3+$0xEC20] =	vst v32;
	v56 =	vadd.f32 v50, v0  }
0x205: {  	v57 =	vld [tilespmem:s2+$0x4820];
	v58 =	vadd.f32 v51, v1;
	[tilespmem:s3+$0xEC30] =	vst v54  }
0x206: {  	v59 =	vld [tilespmem:s2+$0x4830];
	v60 =	vadd.f32 v52, v3;
	[tilespmem:s3+$0xEC40] =	vst v56  }
0x207: {  	v61 =	vld [tilespmem:s2+$0x4840];
	[tilespmem:s3+$0xEC50] =	vst v58;
	v31 =	vadd.f32 v39, v31  }
0x208: {  	v62 =	vld [tilespmem:s2+$0x4850];
	[tilespmem:s3+$0xEC60] =	vst v60;
	v30 =	vadd.f32 v53, v30  }
0x209: {  	v63 =	vld [tilespmem:s2+$0x4860];
	v29 =	vadd.f32 v55, v29;
	[tilespmem:s2+$0xEC70] =	vst v31  }
0x20a: {  	v37 =	vld [tilespmem:s2+$0x4870];
	v28 =	vadd.f32 v57, v28;
	[tilespmem:s2+$0xD800] =	vst v30  }
0x20b: {  	v40 =	vld [tilespmem:s2+$0x4C10];
	v27 =	vadd.f32 v59, v27;
	[tilespmem:s2+$0xD810] =	vst v29  }
0x20c: {  	v41 =	vld [tilespmem:s2+$0x4C20];
	v26 =	vadd.f32 v61, v26;
	[tilespmem:s2+$0xD820] =	vst v28  }
0x20d: {  	v42 =	vld [tilespmem:s2+$0x4C30];
	v25 =	vadd.f32 v62, v25;
	[tilespmem:s2+$0xD830] =	vst v27  }
0x20e: {  	v43 =	vld [tilespmem:s2+$0x4C40];
	v24 =	vadd.f32 v63, v24;
	[tilespmem:s2+$0xD840] =	vst v26  }
0x20f: {  	v44 =	vld [tilespmem:s2+$0x4C50];
	v23 =	vadd.f32 v37, v23;
	[tilespmem:s2+$0xD850] =	vst v25  }
0x210: {  	v45 =	vld [tilespmem:s2+$0x4C60];
	v21 =	vadd.f32 v40, v21;
	[tilespmem:s2+$0xD860] =	vst v24  }
0x211: {  	v46 =	vld [tilespmem:s2+$0x4C70];
	v20 =	vadd.f32 v41, v20;
	[tilespmem:s2+$0xD870] =	vst v23  }
0x212: {  	v47 =	vld [tilespmem:s2+$0x5800];
	v19 =	vadd.f32 v42, v19;
	[tilespmem:s2+$0xDC10] =	vst v21  }
0x213: {  	v48 =	vld [tilespmem:s2+$0x5810];
	v18 =	vadd.f32 v43, v18;
	[tilespmem:s2+$0xDC20] =	vst v20  }
0x214: {  	v49 =	vld [tilespmem:s2+$0x5820];
	v14 =	vadd.f32 v44, v14;
	[tilespmem:s2+$0xDC30] =	vst v19  }
0x215: {  	v50 =	vld [tilespmem:s2+$0x5830];
	v15 =	vadd.f32 v45, v15;
	[tilespmem:s2+$0xDC40] =	vst v18  }
0x216: {  	v52 =	vld [tilespmem:s2+$0x5840];
	v51 =	vadd.f32 v46, v16;
	[tilespmem:s2+$0xDC50] =	vst v14  }
0x217: {  	v54 =	vld [tilespmem:s2+$0x5850];
	v53 =	vadd.f32 v47, v17;
	[tilespmem:s2+$0xDC60] =	vst v15  }
0x218: {  	v56 =	vld [tilespmem:s2+$0x5870];
	v13 =	vadd.f32 v48, v13;
	[tilespmem:s2+$0xDC70] =	vst v51  }
0x219: {  	v58 =	vld [tilespmem:s2+$0x5C10];
	v12 =	vadd.f32 v49, v12;
	[tilespmem:s2+$0xE800] =	vst v53  }
0x21a: {  	v55 =	vld [tilespmem:s2+$0x5860];
	[tilespmem:s2+$0xE810] =	vst v13;
	v11 =	vadd.f32 v50, v11  }
0x21b: {  	v60 =	vld [tilespmem:s2+$0x5C30];
	[tilespmem:s2+$0xE820] =	vst v12;
	v10 =	vadd.f32 v52, v10  }
0x21c: {  	v39 =	vld [tilespmem:s2+$0x4C00];
	v9 =	vadd.f32 v54, v9;
	[tilespmem:s2+$0xE830] =	vst v11  }
0x21d: {  	v57 =	vld [tilespmem:s2+$0x5C00];
	[tilespmem:s2+$0xE840] =	vst v10;
	v7 =	vadd.f32 v56, v7  }
0x21e: {  	v61 =	vld [tilespmem:s2+$0x5C40];
	v5 =	vadd.f32 v58, v5;
	[tilespmem:s2+$0xE850] =	vst v9  }
0x21f: {  	v59 =	vld [tilespmem:s2+$0x5C20];
	v8 =	vadd.f32 v55, v8;
	[tilespmem:s2+$0xE870] =	vst v7  }
0x220: {  	v2 =	vadd.f32 v60, v2;
	v7 =	vld [tilespmem:s2+$0x5C60];
	[tilespmem:s2+$0xEC10] =	vst v5  }
0x221: {  	v22 =	vadd.f32 v39, v22;
	[tilespmem:s2+$0xE860] =	vst v8;
	v8 =	vld [tilespmem:s2+$0x5C50]  }
0x222: {  	v6 =	vadd.f32 v57, v6;
	[tilespmem:s2+$0xEC30] =	vst v2  }
0x223: {  	v0 =	vadd.f32 v61, v0;
	[tilespmem:s2+$0xDC00] =	vst v22  }
0x224: {  	v4 =	vadd.f32 v59, v4;
	[tilespmem:s2+$0xEC00] =	vst v6  }
0x225: {  	[tilespmem:s2+$0xEC40] =	vst v0;
	v0 =	vadd.f32 v7, v3  }
0x226: {  	s10 =	simm.s32 $0x0;
	[tilespmem:s2+$0xEC20] =	vst v4;
	v1 =	vadd.f32 v8, v1  }
0x227: {  	s3 =	sand.u32 $0x3FFFF800, s10;
	[tilespmem:s2+$0xEC60] =	vst v0  }
0x228: {  	s1 =	sor.u32 s1, s3;
	[tilespmem:s2+$0xEC50] =	vst v1  }
0x229: {  	v0 =	vld [tilespmem:s1+$0x14800]  }
0x22a: {  	v1 =	vld [tilespmem:s26+$0x5000];
	_ =	sdelay $0x4  }
0x22b: {  	v0 =	vadd.f32 v0, v1;
	_ =	sdelay $0x1  }
0x22c: {  	s3 =	sadd.s32 $0x14800, s1;
	[tilespmem:s26+$0xE000] =	vst v0;
	v0 =	vld [tilespmem:s26+$0x5010]  }
0x22d: {  	v1 =	vld [tilespmem:s3+$0x10];
	_ =	sdelay $0x4  }
0x22e: {  	v0 =	vadd.f32 v1, v0;
	_ =	sdelay $0x1  }
0x22f: {  	[tilespmem:s26+$0xE010] =	vst v0;
	v0 =	vld [tilespmem:s26+$0x5020]  }
0x230: {  	v1 =	vld [tilespmem:s3+$0x20];
	_ =	sdelay $0x4  }
0x231: {  	v0 =	vadd.f32 v1, v0;
	_ =	sdelay $0x1  }
0x232: {  	[tilespmem:s26+$0xE020] =	vst v0;
	v0 =	vld [tilespmem:s26+$0x5030]  }
0x233: {  	v1 =	vld [tilespmem:s3+$0x30]  }
0x234: {  	s15 =	simm.s32 $0x0  }
0x235: {  	s14 =	simm.s32 $0x80;
	s4 =	smul.u32 $0x1800, s15  }
0x236: {  	s13 =	simm.s32 $0x100;
	s2 =	sand.u32 $0x380, s14  }
0x237: {  	s1 =	sand.u32 $0x3FFFF800, s13;
	s28 =	sor.u32 s2, s4  }
0x238: {  	s1 =	sor.u32 s2, s1;
	v3 =	vld [tilespmem:s28+$0x5000];
	v0 =	vadd.f32 v1, v0  }
0x239: {  	v2 =	vld [tilespmem:s1+$0x14800]  }
0x23a: {  	[tilespmem:s26+$0xE030] =	vst v0;
	v0 =	vld [tilespmem:s26+$0x5040]  }
0x23b: {  	v1 =	vld [tilespmem:s3+$0x40];
	_ =	sdelay $0x2  }
0x23c: {  	v2 =	vadd.f32 v2, v3;
	_ =	sdelay $0x1  }
0x23d: {  	s29 =	sadd.s32 $0x14800, s1;
	[tilespmem:s28+$0xE000] =	vst v2;
	v2 =	vld [tilespmem:s28+$0x5010];
	v0 =	vadd.f32 v1, v0  }
0x23e: {  	v3 =	vld [tilespmem:s29+$0x10]  }
0x23f: {  	v1 =	vld [tilespmem:s26+$0x5050];
	[tilespmem:s26+$0xE040] =	vst v0  }
0x240: {  	v0 =	vld [tilespmem:s3+$0x50];
	_ =	sdelay $0x2  }
0x241: {  	v2 =	vadd.f32 v3, v2;
	_ =	sdelay $0x1  }
0x242: {  	[tilespmem:s28+$0xE010] =	vst v2;
	v2 =	vld [tilespmem:s28+$0x5020];
	v0 =	vadd.f32 v0, v1  }
0x243: {  	v1 =	vld [tilespmem:s29+$0x20]  }
0x244: {  	v3 =	vld [tilespmem:s26+$0x5060];
	[tilespmem:s26+$0xE050] =	vst v0  }
0x245: {  	v0 =	vld [tilespmem:s3+$0x60];
	_ =	sdelay $0x2  }
0x246: {  	v1 =	vadd.f32 v1, v2;
	_ =	sdelay $0x1  }
0x247: {  	[tilespmem:s28+$0xE020] =	vst v1;
	v1 =	vld [tilespmem:s28+$0x5030];
	v0 =	vadd.f32 v0, v3  }
0x248: {  	v3 =	vld [tilespmem:s29+$0x30]  }
0x249: {  	v2 =	vld [tilespmem:s26+$0x5070];
	[tilespmem:s26+$0xE060] =	vst v0  }
0x24a: {  	s31 =	simm.s32 $0x200;
	s5 =	simm.s32 $0x0;
	s4 =	simm.s32 $0x100;
	v0 =	vld [tilespmem:s3+$0x70]  }
0x24b: {  	s2 =	sand.u32 $0x380, s4;
	s4 =	smul.u32 $0x1800, s5;
	s1 =	sand.u32 $0x3FFFF800, s31  }
0x24c: {  	s1 =	sor.u32 s2, s1  }
0x24d: {  	s30 =	sor.u32 s2, s4;
	v4 =	vld [tilespmem:s1+$0x14800];
	v1 =	vadd.f32 v3, v1  }
0x24e: {  	v3 =	vld [tilespmem:s30+$0x5000]  }
0x24f: {  	[tilespmem:s28+$0xE030] =	vst v1;
	v1 =	vld [tilespmem:s28+$0x5040];
	v0 =	vadd.f32 v0, v2  }
0x250: {  	v2 =	vld [tilespmem:s26+$0x5400]  }
0x251: {  	[tilespmem:s26+$0xE070] =	vst v0;
	v0 =	vld [tilespmem:s29+$0x40]  }
0x252: {  	v5 =	vld [tilespmem:s3+$0x400];
	_ =	sdelay $0x1  }
0x253: {  	v3 =	vadd.f32 v4, v3  }
0x254: {  	v4 =	vld [tilespmem:s28+$0x5050]  }
0x255: {  	s4 =	sadd.s32 $0x14800, s1;
	[tilespmem:s30+$0xE000] =	vst v3;
	v3 =	vld [tilespmem:s30+$0x5010];
	v0 =	vadd.f32 v0, v1  }
0x256: {  	v1 =	vld [tilespmem:s4+$0x10];
	v2 =	vadd.f32 v5, v2  }
0x257: {  	v5 =	vld [tilespmem:s26+$0x5410];
	[tilespmem:s28+$0xE040] =	vst v0  }
0x258: {  	v0 =	vld [tilespmem:s29+$0x50];
	[tilespmem:s26+$0xE400] =	vst v2  }
0x259: {  	v2 =	vld [tilespmem:s3+$0x410];
	_ =	sdelay $0x1  }
0x25a: {  	v1 =	vadd.f32 v1, v3  }
0x25b: {  	v3 =	vld [tilespmem:s28+$0x5060]  }
0x25c: {  	[tilespmem:s30+$0xE010] =	vst v1;
	v1 =	vld [tilespmem:s30+$0x5020];
	v0 =	vadd.f32 v0, v4  }
0x25d: {  	v4 =	vld [tilespmem:s4+$0x20];
	v2 =	vadd.f32 v2, v5  }
0x25e: {  	v5 =	vld [tilespmem:s26+$0x5420];
	[tilespmem:s28+$0xE050] =	vst v0  }
0x25f: {  	v0 =	vld [tilespmem:s29+$0x60];
	[tilespmem:s26+$0xE410] =	vst v2  }
0x260: {  	v2 =	vld [tilespmem:s3+$0x420];
	_ =	sdelay $0x1  }
0x261: {  	v1 =	vadd.f32 v4, v1  }
0x262: {  	v4 =	vld [tilespmem:s26+$0x5430]  }
0x263: {  	[tilespmem:s30+$0xE020] =	vst v1;
	v1 =	vld [tilespmem:s30+$0x5030];
	v0 =	vadd.f32 v0, v3  }
0x264: {  	v3 =	vld [tilespmem:s28+$0x5070];
	v2 =	vadd.f32 v2, v5  }
0x265: {  	s10 =	simm.s32 $0x300;
	s14 =	simm.s32 $0x0;
	s13 =	simm.s32 $0x180;
	v5 =	vld [tilespmem:s4+$0x30];
	[tilespmem:s28+$0xE060] =	vst v0  }
0x266: {  	s5 =	smul.u32 $0x1800, s14;
	s2 =	sand.u32 $0x380, s13;
	s1 =	sand.u32 $0x3FFFF800, s10;
	v0 =	vld [tilespmem:s29+$0x70];
	[tilespmem:s26+$0xE420] =	vst v2  }
0x267: {  	s10 =	sor.u32 s2, s1;
	v2 =	vld [tilespmem:s3+$0x430]  }
0x268: {  	s1 =	sor.u32 s2, s5;
	v6 =	vld [tilespmem:s10+$0x14800]  }
0x269: {  	v7 =	vld [tilespmem:s1+$0x5000]  }
0x26a: {  	v1 =	vadd.f32 v5, v1;
	v5 =	vld [tilespmem:s26+$0x5440]  }
0x26b: {  	v0 =	vadd.f32 v0, v3;
	v3 =	vld [tilespmem:s28+$0x5400]  }
0x26c: {  	[tilespmem:s30+$0xE030] =	vst v1;
	v1 =	vld [tilespmem:s30+$0x5040];
	v2 =	vadd.f32 v2, v4  }
0x26d: {  	[tilespmem:s28+$0xE070] =	vst v0;
	v0 =	vld [tilespmem:s4+$0x40]  }
0x26e: {  	[tilespmem:s26+$0xE430] =	vst v2;
	v2 =	vld [tilespmem:s29+$0x400]  }
0x26f: {  	v4 =	vadd.f32 v6, v7;
	v6 =	vld [tilespmem:s3+$0x440]  }
0x270: {  	v8 =	vld [tilespmem:s26+$0x5450]  }
0x271: {  	s2 =	sadd.s32 $0x14800, s10;
	[tilespmem:s1+$0xE000] =	vst v4;
	v4 =	vld [tilespmem:s1+$0x5010]  }
0x272: {  	v7 =	vld [tilespmem:s2+$0x10];
	v0 =	vadd.f32 v0, v1  }
0x273: {  	v1 =	vld [tilespmem:s30+$0x5050];
	v2 =	vadd.f32 v2, v3  }
0x274: {  	v3 =	vld [tilespmem:s28+$0x5410];
	[tilespmem:s30+$0xE040] =	vst v0;
	v0 =	vadd.f32 v6, v5  }
0x275: {  	v5 =	vld [tilespmem:s4+$0x50];
	[tilespmem:s28+$0xE400] =	vst v2  }
0x276: {  	v2 =	vld [tilespmem:s29+$0x410];
	[tilespmem:s26+$0xE440] =	vst v0  }
0x277: {  	v0 =	vadd.f32 v7, v4;
	v4 =	vld [tilespmem:s3+$0x450]  }
0x278: {  	v6 =	vld [tilespmem:s26+$0x5460]  }
0x279: {  	v7 =	vld [tilespmem:s30+$0x5060]  }
0x27a: {  	[tilespmem:s1+$0xE010] =	vst v0;
	v0 =	vld [tilespmem:s1+$0x5020];
	v1 =	vadd.f32 v5, v1  }
0x27b: {  	v5 =	vld [tilespmem:s2+$0x20];
	v2 =	vadd.f32 v2, v3  }
0x27c: {  	v3 =	vld [tilespmem:s28+$0x5420];
	[tilespmem:s30+$0xE050] =	vst v1;
	v1 =	vadd.f32 v4, v8  }
0x27d: {  	v4 =	vld [tilespmem:s4+$0x60];
	[tilespmem:s28+$0xE410] =	vst v2  }
0x27e: {  	v2 =	vld [tilespmem:s29+$0x420];
	[tilespmem:s26+$0xE450] =	vst v1  }
0x27f: {  	v1 =	vld [tilespmem:s3+$0x460]  }
0x280: {  	v62 =	vld [tilespmem:s28+$0x5430]  }
0x281: {  	v8 =	vld [tilespmem:s30+$0x5070];
	v5 =	vadd.f32 v5, v0  }
0x282: {  	v0 =	vld [tilespmem:s26+$0x5470];
	v4 =	vadd.f32 v4, v7  }
0x283: {  	[tilespmem:s1+$0xE020] =	vst v5;
	v5 =	vld [tilespmem:s1+$0x5030];
	v2 =	vadd.f32 v2, v3  }
0x284: {  	v3 =	vld [tilespmem:s2+$0x30];
	[tilespmem:s30+$0xE060] =	vst v4;
	v1 =	vadd.f32 v1, v6  }
0x285: {  	s15 =	simm.s32 $0x400;
	s5 =	simm.s32 $0x200;
	v7 =	vld [tilespmem:s4+$0x70];
	[tilespmem:s28+$0xE420] =	vst v2  }
0x286: {  	s13 =	sand.u32 $0x380, s5;
	s10 =	sand.u32 $0x3FFFF800, s15;
	v63 =	vld [tilespmem:s29+$0x430];
	[tilespmem:s26+$0xE460] =	vst v1  }
0x287: {  	s14 =	sor.u32 s13, s10;
	v1 =	vld [tilespmem:s3+$0x470]  }
0x288: {  	s31 =	simm.s32 $0x0;
	v6 =	vld [tilespmem:s14+$0x14800]  }
0x289: {  	v4 =	vld [tilespmem:s30+$0x5400];
	s3 =	smul.u32 $0x1800, s31;
	v3 =	vadd.f32 v3, v5  }
0x28a: {  	v2 =	vld [tilespmem:s28+$0x5440];
	v5 =	vadd.f32 v7, v8  }
0x28b: {  	s3 =	sor.u32 s13, s3;
	s13 =	simm.s32 $0x5;
	[tilespmem:s1+$0xE030] =	vst v3;
	v7 =	vld [tilespmem:s1+$0x5040];
	v3 =	vadd.f32 v63, v62  }
.LBB2_9:
0x28c: {  	p0 =	sne.s32 s13, $0x17;
	v8 =	vld [tilespmem:s3+$0x5000];
	[tilespmem:s30+$0xE070] =	vst v5;
	v0 =	vadd.f32 v1, v0  }
0x28d: {  	v1 =	vld [tilespmem:s2+$0x40];
	[tilespmem:s28+$0xE430] =	vst v3  }
0x28e: {  	v3 =	vld [tilespmem:s4+$0x400];
	[tilespmem:s26+$0xE470] =	vst v0;
	s26 =	smov.u32 s28;
	s28 =	smov.u32 s30;
	s30 =	smov.u32 s1  }
0x28f: {  	s1 =	smov.u32 s3;
	v0 =	vld [tilespmem:s29+$0x440]  }
0x290: {  	v5 =	vld [tilespmem:s26+$0x5450]  }
0x291: {  	v6 =	vadd.f32 v6, v8;
	v8 =	vld [tilespmem:s28+$0x5410]  }
0x292: {  	v1 =	vadd.f32 v1, v7;
	v7 =	vld [tilespmem:s30+$0x5050]  }
0x293: {  	s3 =	sadd.s32 $0x14800, s14;
	[tilespmem:s1+$0xE000] =	vst v6;
	v6 =	vld [tilespmem:s1+$0x5010];
	v3 =	vadd.f32 v3, v4  }
0x294: {  	v4 =	vld [tilespmem:s3+$0x10];
	[tilespmem:s30+$0xE040] =	vst v1;
	v0 =	vadd.f32 v0, v2  }
0x295: {  	v1 =	vld [tilespmem:s2+$0x50];
	[tilespmem:s28+$0xE400] =	vst v3  }
0x296: {  	v2 =	vld [tilespmem:s4+$0x410];
	[tilespmem:s26+$0xE440] =	vst v0  }
0x297: {  	v0 =	vld [tilespmem:s29+$0x450]  }
0x298: {  	v3 =	vld [tilespmem:s26+$0x5460]  }
0x299: {  	v4 =	vadd.f32 v4, v6;
	v6 =	vld [tilespmem:s28+$0x5420]  }
0x29a: {  	v1 =	vadd.f32 v1, v7;
	v7 =	vld [tilespmem:s30+$0x5060]  }
0x29b: {  	[tilespmem:s1+$0xE010] =	vst v4;
	v4 =	vld [tilespmem:s1+$0x5020];
	v2 =	vadd.f32 v2, v8  }
0x29c: {  	v8 =	vld [tilespmem:s3+$0x20];
	[tilespmem:s30+$0xE050] =	vst v1;
	v0 =	vadd.f32 v0, v5  }
0x29d: {  	v1 =	vld [tilespmem:s2+$0x60];
	[tilespmem:s28+$0xE410] =	vst v2  }
0x29e: {  	v2 =	vld [tilespmem:s4+$0x420];
	[tilespmem:s26+$0xE450] =	vst v0  }
0x29f: {  	v5 =	vld [tilespmem:s29+$0x460]  }
0x2a0: {  	v0 =	vld [tilespmem:s26+$0x5470]  }
0x2a1: {  	v4 =	vadd.f32 v8, v4;
	v8 =	vld [tilespmem:s28+$0x5430]  }
0x2a2: {  	v1 =	vadd.f32 v1, v7;
	v7 =	vld [tilespmem:s30+$0x5070]  }
0x2a3: {  	[tilespmem:s1+$0xE020] =	vst v4;
	v4 =	vld [tilespmem:s1+$0x5030];
	v2 =	vadd.f32 v2, v6  }
0x2a4: {  	v9 =	vld [tilespmem:s3+$0x30];
	[tilespmem:s30+$0xE060] =	vst v1;
	v1 =	vadd.f32 v5, v3  }
0x2a5: {  	s10 =	sshll.u32 s13, $0x8;
	s5 =	sadd.s32 $0x80, s5;
	v3 =	vld [tilespmem:s2+$0x70];
	[tilespmem:s28+$0xE420] =	vst v2  }
0x2a6: {  	s15 =	sand.u32 $0x380, s5;
	s10 =	sand.u32 $0x3FFFF800, s10;
	v10 =	vld [tilespmem:s4+$0x430];
	[tilespmem:s26+$0xE460] =	vst v1  }
.Ltmp5:
0x2a7: {  	s14 =	sor.u32 s15, s10;
	v1 =	vld [tilespmem:s29+$0x470];
	s29 =	smov.u32 s4;
	(pc) =	sbr.rel @p0 .LBB2_9-.Ltmp5, $4  }
0x2a8: {  	s10 =	sshrl.u32 s13, $0x3;
	s4 =	smov.u32 s2;
	s2 =	smov.u32 s3;
	v6 =	vld [tilespmem:s14+$0x14800]  }
0x2a9: {  	s3 =	smul.u32 $0x1800, s10;
	v9 =	vadd.f32 v9, v4;
	v2 =	vld [tilespmem:s28+$0x5440]  }
0x2aa: {  	v5 =	vadd.f32 v3, v7;
	v4 =	vld [tilespmem:s30+$0x5400]  }
0x2ab: {  	s13 =	sadd.s32 $0x1, s13;
	s3 =	sor.u32 s15, s3;
	[tilespmem:s1+$0xE030] =	vst v9;
	v7 =	vld [tilespmem:s1+$0x5040];
	v3 =	vadd.f32 v10, v8  }
0x2ac: {  	v8 =	vld [tilespmem:s3+$0x5000];
	_ =	sdelay $0x4  }
0x2ad: {  	v6 =	vadd.f32 v6, v8;
	_ =	sdelay $0x1  }
0x2ae: {  	s5 =	sadd.s32 $0x14800, s14;
	v16 =	vld [tilespmem:s3+$0x5010];
	[tilespmem:s3+$0xE000] =	vst v6  }
0x2af: {  	v17 =	vld [tilespmem:s5+$0x10];
	_ =	sdelay $0x4  }
0x2b0: {  	v6 =	vadd.f32 v17, v16;
	_ =	sdelay $0x1  }
0x2b1: {  	v18 =	vld [tilespmem:s3+$0x5020];
	[tilespmem:s3+$0xE010] =	vst v6  }
0x2b2: {  	v19 =	vld [tilespmem:s5+$0x20];
	_ =	sdelay $0x4  }
0x2b3: {  	v6 =	vadd.f32 v19, v18;
	_ =	sdelay $0x1  }
0x2b4: {  	v20 =	vld [tilespmem:s3+$0x5030];
	[tilespmem:s3+$0xE020] =	vst v6  }
0x2b5: {  	v21 =	vld [tilespmem:s5+$0x30];
	_ =	sdelay $0x4  }
0x2b6: {  	v6 =	vadd.f32 v21, v20  }
0x2b7: {  	v22 =	vld [tilespmem:s2+$0x40]  }
0x2b8: {  	v23 =	vld [tilespmem:s3+$0x5040];
	[tilespmem:s3+$0xE030] =	vst v6  }
0x2b9: {  	v9 =	vld [tilespmem:s5+$0x40];
	_ =	sdelay $0x3  }
0x2ba: {  	v7 =	vadd.f32 v22, v7  }
0x2bb: {  	v24 =	vld [tilespmem:s1+$0x5050];
	v6 =	vadd.f32 v9, v23  }
0x2bc: {  	v25 =	vld [tilespmem:s3+$0x5050];
	[tilespmem:s1+$0xE040] =	vst v7  }
0x2bd: {  	v26 =	vld [tilespmem:s2+$0x50];
	[tilespmem:s3+$0xE040] =	vst v6  }
0x2be: {  	v6 =	vld [tilespmem:s5+$0x50];
	_ =	sdelay $0x3  }
0x2bf: {  	v8 =	vadd.f32 v26, v24  }
0x2c0: {  	v27 =	vld [tilespmem:s1+$0x5060];
	v6 =	vadd.f32 v6, v25  }
0x2c1: {  	v28 =	vld [tilespmem:s3+$0x5060];
	[tilespmem:s1+$0xE050] =	vst v8  }
0x2c2: {  	v8 =	vld [tilespmem:s2+$0x60];
	[tilespmem:s3+$0xE050] =	vst v6  }
0x2c3: {  	v6 =	vld [tilespmem:s5+$0x60];
	_ =	sdelay $0x3  }
0x2c4: {  	v8 =	vadd.f32 v8, v27  }
0x2c5: {  	v29 =	vld [tilespmem:s1+$0x5070];
	v6 =	vadd.f32 v6, v28  }
0x2c6: {  	v30 =	vld [tilespmem:s3+$0x5070];
	[tilespmem:s1+$0xE060] =	vst v8  }
0x2c7: {  	v8 =	vld [tilespmem:s2+$0x70];
	[tilespmem:s3+$0xE060] =	vst v6  }
0x2c8: {  	v6 =	vld [tilespmem:s5+$0x70];
	_ =	sdelay $0x3  }
0x2c9: {  	v31 =	vld [tilespmem:s1+$0x5400];
	v8 =	vadd.f32 v8, v29  }
0x2ca: {  	[tilespmem:s30+$0xE070] =	vst v5;
	v32 =	vld [tilespmem:s3+$0x5400];
	v6 =	vadd.f32 v6, v30  }
0x2cb: {  	v5 =	vld [tilespmem:s4+$0x400];
	[tilespmem:s1+$0xE070] =	vst v8  }
0x2cc: {  	v8 =	vld [tilespmem:s2+$0x400];
	[tilespmem:s3+$0xE070] =	vst v6  }
0x2cd: {  	v6 =	vld [tilespmem:s5+$0x400];
	_ =	sdelay $0x2  }
0x2ce: {  	v33 =	vld [tilespmem:s30+$0x5410];
	v4 =	vadd.f32 v5, v4  }
0x2cf: {  	v34 =	vld [tilespmem:s1+$0x5410];
	v8 =	vadd.f32 v8, v31  }
0x2d0: {  	v35 =	vld [tilespmem:s3+$0x5410];
	[tilespmem:s30+$0xE400] =	vst v4;
	v6 =	vadd.f32 v6, v32  }
0x2d1: {  	v4 =	vld [tilespmem:s4+$0x410];
	[tilespmem:s1+$0xE400] =	vst v8  }
0x2d2: {  	v8 =	vld [tilespmem:s2+$0x410];
	[tilespmem:s3+$0xE400] =	vst v6  }
0x2d3: {  	v6 =	vld [tilespmem:s5+$0x410];
	_ =	sdelay $0x2  }
0x2d4: {  	v36 =	vld [tilespmem:s30+$0x5420];
	v4 =	vadd.f32 v4, v33  }
0x2d5: {  	v37 =	vld [tilespmem:s1+$0x5420];
	v8 =	vadd.f32 v8, v34  }
0x2d6: {  	v38 =	vld [tilespmem:s3+$0x5420];
	[tilespmem:s30+$0xE410] =	vst v4;
	v6 =	vadd.f32 v6, v35  }
0x2d7: {  	v4 =	vld [tilespmem:s4+$0x420];
	[tilespmem:s1+$0xE410] =	vst v8  }
0x2d8: {  	v8 =	vld [tilespmem:s2+$0x420];
	[tilespmem:s3+$0xE410] =	vst v6  }
0x2d9: {  	v6 =	vld [tilespmem:s5+$0x420];
	_ =	sdelay $0x2  }
0x2da: {  	v39 =	vld [tilespmem:s30+$0x5430];
	v4 =	vadd.f32 v4, v36  }
0x2db: {  	v40 =	vld [tilespmem:s1+$0x5430];
	v8 =	vadd.f32 v8, v37  }
0x2dc: {  	v41 =	vld [tilespmem:s3+$0x5430];
	[tilespmem:s30+$0xE420] =	vst v4;
	v6 =	vadd.f32 v6, v38  }
0x2dd: {  	v4 =	vld [tilespmem:s4+$0x430];
	[tilespmem:s1+$0xE420] =	vst v8  }
0x2de: {  	v8 =	vld [tilespmem:s2+$0x430];
	[tilespmem:s3+$0xE420] =	vst v6  }
0x2df: {  	v6 =	vld [tilespmem:s5+$0x430];
	_ =	sdelay $0x1  }
0x2e0: {  	v42 =	vld [tilespmem:s30+$0x5440]  }
0x2e1: {  	v44 =	vld [tilespmem:s1+$0x5440];
	v4 =	vadd.f32 v4, v39  }
0x2e2: {  	v45 =	vld [tilespmem:s3+$0x5440];
	[tilespmem:s28+$0xE430] =	vst v3;
	v8 =	vadd.f32 v8, v40  }
0x2e3: {  	v43 =	vld [tilespmem:s29+$0x440];
	[tilespmem:s30+$0xE430] =	vst v4;
	v6 =	vadd.f32 v6, v41  }
0x2e4: {  	v4 =	vld [tilespmem:s4+$0x440];
	[tilespmem:s1+$0xE430] =	vst v8  }
0x2e5: {  	v8 =	vld [tilespmem:s2+$0x440];
	[tilespmem:s3+$0xE430] =	vst v6  }
0x2e6: {  	v46 =	vld [tilespmem:s5+$0x440]  }
0x2e7: {  	v47 =	vld [tilespmem:s28+$0x5450]  }
0x2e8: {  	v48 =	vld [tilespmem:s30+$0x5450];
	v2 =	vadd.f32 v43, v2  }
0x2e9: {  	v50 =	vld [tilespmem:s1+$0x5450];
	v3 =	vadd.f32 v4, v42  }
0x2ea: {  	v51 =	vld [tilespmem:s3+$0x5450];
	[tilespmem:s28+$0xE440] =	vst v2;
	v8 =	vadd.f32 v8, v44  }
0x2eb: {  	v49 =	vld [tilespmem:s29+$0x450];
	[tilespmem:s30+$0xE440] =	vst v3;
	v5 =	vadd.f32 v46, v45  }
0x2ec: {  	v3 =	vld [tilespmem:s4+$0x450];
	[tilespmem:s1+$0xE440] =	vst v8  }
0x2ed: {  	v8 =	vld [tilespmem:s2+$0x450];
	[tilespmem:s3+$0xE440] =	vst v5  }
0x2ee: {  	v5 =	vld [tilespmem:s5+$0x450]  }
0x2ef: {  	v52 =	vld [tilespmem:s28+$0x5460]  }
0x2f0: {  	v53 =	vld [tilespmem:s30+$0x5460];
	v4 =	vadd.f32 v49, v47  }
0x2f1: {  	v54 =	vld [tilespmem:s1+$0x5460];
	v2 =	vadd.f32 v3, v48  }
0x2f2: {  	v55 =	vld [tilespmem:s3+$0x5460];
	[tilespmem:s28+$0xE450] =	vst v4;
	v8 =	vadd.f32 v8, v50  }
0x2f3: {  	v4 =	vld [tilespmem:s29+$0x460];
	[tilespmem:s30+$0xE450] =	vst v2;
	v5 =	vadd.f32 v5, v51  }
0x2f4: {  	v2 =	vld [tilespmem:s4+$0x460];
	[tilespmem:s1+$0xE450] =	vst v8  }
0x2f5: {  	v8 =	vld [tilespmem:s2+$0x460];
	[tilespmem:s3+$0xE450] =	vst v5  }
0x2f6: {  	v5 =	vld [tilespmem:s5+$0x460]  }
0x2f7: {  	v56 =	vld [tilespmem:s28+$0x5470]  }
0x2f8: {  	v57 =	vld [tilespmem:s30+$0x5470];
	v4 =	vadd.f32 v4, v52  }
0x2f9: {  	v58 =	vld [tilespmem:s1+$0x5470];
	v2 =	vadd.f32 v2, v53  }
0x2fa: {  	v59 =	vld [tilespmem:s3+$0x5470];
	[tilespmem:s28+$0xE460] =	vst v4;
	v8 =	vadd.f32 v8, v54  }
0x2fb: {  	v4 =	vld [tilespmem:s29+$0x470];
	[tilespmem:s30+$0xE460] =	vst v2;
	v5 =	vadd.f32 v5, v55  }
0x2fc: {  	v2 =	vld [tilespmem:s4+$0x470];
	[tilespmem:s1+$0xE460] =	vst v8  }
0x2fd: {  	v8 =	vld [tilespmem:s2+$0x470];
	[tilespmem:s3+$0xE460] =	vst v5  }
0x2fe: {  	v5 =	vld [tilespmem:s5+$0x470]  }
0x2ff: {  	v0 =	vadd.f32 v1, v0  }
0x300: {  	v60 =	vadd.f32 v4, v56  }
0x301: {  	[tilespmem:s26+$0xE470] =	vst v0;
	v61 =	vadd.f32 v2, v57  }
.Ltmp6:
0x302: {  	[tilespmem:s28+$0xE470] =	vst v60;
	v62 =	vadd.f32 v8, v58;
	(pc) =	sbr.rel @p1 .LBB2_12-.Ltmp6, $4  }
0x303: {  	[tilespmem:s30+$0xE470] =	vst v61;
	s30 =	smul.u32 $0x900, s25;
	v63 =	vadd.f32 v5, v59  }
0x304: {  	[tilespmem:s1+$0xE470] =	vst v62  }
0x305: {  	s31 =	sadd.s32 s6, s30;
	[tilespmem:s3+$0xE470] =	vst v63  }
0x306: {  	[hbm4b:s31+s7] =	stream.linear.scatter [tilespmem:s20], [sflag:$0x4], $0x4800, $0x38;
	[tilespmem:$0x16000] =	vst v63  }
0x307: {  	s1 =	smul.u32 $0x4800, s25  }
.Ltmp7:
0x308: {  	_ = 	snop;
	(pc) =	sbr.rel .LBB2_2-.Ltmp7, $4  }
0x309: {  	s1 =	sshrl.u32 s1, $0x3  }
0x30a: {  	s1 =	sadd.s32 s0, s1  }
0x30b: {  	s24 =	sadd.s32 $0x1, s24;
	s1 =	sadd.s32 $0x1200, s1  }
0x30c: {  	[tilespmem:s12], [sflag:$0x2] =	stream.linear.gather [hbm4b:s1+s7], $0x4800, $0x38;
	[tilespmem:$0x16000] =	vst v63  }
.LBB2_13:
0x30d: {  	_ =	sfence.sel $0x180000  }
0x30e: {  	[bflag:$0x0] =	sbarrier.arrive $0xFFFF  }
0x30f: {  	_ =	strace $0x90000047  }
0x310: {  	s0 =	stileid.u32;
	[bflag:$0x2] =	sbarrier.arrive $0xFFFF  }
0x311: {  	p0 =	sne.s32 s0, $0x0;
	s0 =	rddreg [dreg:$0x5]  }
0x312: {  	s0 =	sadd.s32 @!p0 $0x100000, s0  }
0x313: {  	[sflag:s0] =	ssyncadd.tile.s32 @!p0 $0x1;
	_ =	shalt  }
.Lfunc_end2:
_tile_overlayer_lowered:
.L_overlay_start_2:
0x314: {  	(tag) =	ssettag $0x2  }
0x315: {  	s0 =	rddreg [dreg:$0x0];
	s2 =	stileid.u32  }
0x316: {  	s1 =	rddreg [dreg:$0x1];
	p0 =	sne.s32 s2, $0x0  }
0x317: {  	s3 =	rddreg [dreg:$0x2];
	[bflag:$0x3] =	sbarrier.arrive $0xFFFF;
	s2 =	simm.s32 @!p0 $0x1C06  }
0x318: {  	[timem:s3], [sflag:s2] =	dma.local @!p0 [hbm:s0], s1  }
0x319: {  	s0 =	simm.s32 @!p0 $0x6  }
0x31a: {  	_ =	swait.ge @!p0 [sflag:s0], s1  }
0x31b: {  	s1 =	ssub.s32 @!p0 $0x0, s1;
	[sflag:s0] =	ssyncset.done @!p0 $0x0  }
0x31c: {  	[sflag:s0] =	ssyncadd.s32 @!p0 s1  }
0x31d: {  	[bflag:$0x3] =	sbarrier.arrive $0xFFFF  }
0x31e: {  	_ =	shalt  }

</sc_bundles>
